<compile_context>
chip_gen: v7x
topology: tpu7x:2x2x1
jax: 0.10.2.dev20260603
libtpu: 0.0.44.dev20260713+nightly
codegen_flags: <defaults>
</compile_context>

<pallas_src>
import functools

import jax
import jax.numpy as jnp
from jax import lax
from jax.experimental import pallas as pl
from jax.experimental.pallas import tpu as pltpu
from jax.experimental.pallas import tpu_sc as plsc

VOCAB = 50000
HIDDEN = 1024
B, S = 4, 2048
N_TOK = B * S
EPS = 1e-12

NC, NS, L = 2, 16, 16
NW = NC * NS
TPW = N_TOK // NW
CK = 32
NCHUNK = TPW // CK
HC = HIDDEN // L
ST = 8
NB = 3

_mesh = plsc.VectorSubcoreMesh(
    core_axis_name="c", subcore_axis_name="s", num_cores=NC, num_subcores=NS
)


def _bcast_lane(vec, lane):
    return vec.at[jnp.full((L,), lane, jnp.int32)].get(mode="promise_in_bounds")


def _rsqrt(v):
    bits = lax.bitcast_convert_type(v, jnp.int32)
    y = lax.bitcast_convert_type(jnp.int32(0x5F3759DF) - (bits >> 1),
                                 jnp.float32)
    for _ in range(3):
        y = y * (1.5 - 0.5 * v * y * y)
    return y


@functools.partial(
    pl.kernel,
    out_type=jax.ShapeDtypeStruct((N_TOK, HIDDEN), jnp.float32),
    mesh=_mesh,
    scratch_types=[
        pltpu.VMEM((NB, CK), jnp.int32),
        pltpu.VMEM((NB, CK), jnp.float32),
        pltpu.VMEM((NB, CK, HIDDEN), jnp.float32),
        pltpu.VMEM((2, HIDDEN), jnp.float32),
        pltpu.VMEM((HIDDEN,), jnp.float32),
        pltpu.VMEM((HIDDEN,), jnp.float32),
        pltpu.VMEM((HIDDEN,), jnp.float32),
        pltpu.SemaphoreType.DMA((NB,)),
        pltpu.SemaphoreType.DMA((NB,)),
    ],
    compiler_params=pltpu.CompilerParams(needs_layout_passes=False),
)
def _emb_ln_kernel(word_hbm, ids_hbm, ttf_hbm, tt_hbm, gamma_hbm, beta_hbm,
                   out_hbm, idx_v, ttf_v, buf_v, tt_v, d_v, gamma_v, beta_v,
                   gsem, wsem):
    cid = lax.axis_index("c")
    sid = lax.axis_index("s")
    wid = sid * NC + cid
    tok0 = wid * TPW

    pltpu.sync_copy(gamma_hbm, gamma_v)
    pltpu.sync_copy(beta_hbm, beta_v)
    pltpu.sync_copy(tt_hbm, tt_v)

    def dchunk(ci, _):
        sl = pl.ds(ci * L, L)
        d_v[sl] = tt_v[1, sl] - tt_v[0, sl]
        return 0

    lax.fori_loop(0, HC, dchunk, 0)

    inv_h = jnp.float32(1.0 / HIDDEN)
    zero = jnp.zeros((L,), jnp.float32)

    for p in range(2):
        pbase = tok0 + p * CK
        pltpu.sync_copy(ids_hbm.at[pl.ds(pbase, CK)], idx_v.at[p])
        pltpu.sync_copy(ttf_hbm.at[pl.ds(pbase, CK)], ttf_v.at[p])
        pltpu.async_copy(word_hbm.at[idx_v.at[p]], buf_v.at[p], gsem.at[p])

    def kc_body(kc, _):
        b = lax.rem(kc, NB)
        base = tok0 + kc * CK
        pltpu.make_async_copy(word_hbm.at[idx_v.at[b]], buf_v.at[b],
                              gsem.at[b]).wait()

        def grp_body(g, _):
            tvec = ttf_v[b, pl.ds(g * L, L)]
            for h in range(L // ST):
                i0 = g * L + h * ST
                ts = [_bcast_lane(tvec, h * ST + j) for j in range(ST)]

                @plsc.parallel_loop(0, HC, unroll=2, carry=(zero,) * (2 * ST))
                def pass_a(ci, carry):
                    sl = pl.ds(ci * L, L)
                    tt0c = tt_v[0, sl]
                    dc = d_v[sl]
                    out = []
                    for j in range(ST):
                        x = buf_v[b, i0 + j, sl]
                        x = x + (tt0c + ts[j] * dc)
                        buf_v[b, i0 + j, sl] = x
                        out.append(carry[2 * j] + x)
                        out.append(carry[2 * j + 1] + x * x)
                    return tuple(out)

                accs = pass_a

                mvs, ys = [], []
                for j in range(ST):
                    mean = jnp.sum(accs[2 * j]) * inv_h
                    var = jnp.sum(accs[2 * j + 1]) * inv_h - mean * mean
                    mvs.append(jnp.full((L,), mean, jnp.float32))
                    ys.append(_rsqrt(jnp.full((L,), var + EPS, jnp.float32)))

                @plsc.parallel_loop(0, HC, unroll=2)
                def pass_b(ci):
                    sl = pl.ds(ci * L, L)
                    gc = gamma_v[sl]
                    bc = beta_v[sl]
                    for j in range(ST):
                        xh = (buf_v[b, i0 + j, sl] - mvs[j]) * ys[j]
                        buf_v[b, i0 + j, sl] = xh * gc + bc
            return 0

        lax.fori_loop(0, CK // L, grp_body, 0)
        pltpu.async_copy(buf_v.at[b], out_hbm.at[pl.ds(base, CK)], wsem.at[b])

        @pl.when(kc + 2 < NCHUNK)
        def _prefetch():
            bp = lax.rem(kc + 2, NB)
            nbase = tok0 + (kc + 2) * CK

            @pl.when(kc >= 1)
            def _drain():
                pltpu.make_async_copy(
                    buf_v.at[bp], out_hbm.at[pl.ds(nbase - NB * CK, CK)],
                    wsem.at[bp]).wait()

            pltpu.sync_copy(ids_hbm.at[pl.ds(nbase, CK)], idx_v.at[bp])
            pltpu.sync_copy(ttf_hbm.at[pl.ds(nbase, CK)], ttf_v.at[bp])
            pltpu.async_copy(word_hbm.at[idx_v.at[bp]], buf_v.at[bp],
                             gsem.at[bp])

        return 0

    lax.fori_loop(0, NCHUNK, kc_body, 0)

    for c in range(NCHUNK - NB, NCHUNK):
        s = c % NB
        pltpu.make_async_copy(buf_v.at[s], out_hbm.at[pl.ds(tok0 + c * CK, CK)],
                              wsem.at[s]).wait()


def kernel(input_ids, token_type_ids, word_embeddings, token_type_embeddings,
           ln_gamma, ln_beta):
    ids = input_ids.reshape(-1).astype(jnp.int32)
    ttf = token_type_ids.reshape(-1).astype(jnp.float32)
    out = _emb_ln_kernel(word_embeddings, ids, ttf, token_type_embeddings,
                         ln_gamma, ln_beta)
    return out.reshape(B, S, HIDDEN)

# --- scband reference (transcript-rebuilt; emitter-appended) ---
"""Pipeline reference for scband-embeddings-31619549234002 (READ-ONLY COPY).

The authoritative reference and input builder live on the scoring server;
editing this copy changes nothing except your own understanding.
"""

import jax, jax.numpy as jnp
import numpy as np

VOCAB = 50000
TYPE_VOCAB = 2
HIDDEN = 1024
B, S = 4, 2048
PAD_IDX = 0
EPS = 1e-12


def setup_inputs(seed: int = 0) -> dict:
    key = jax.random.key(seed)
    k1, k2, k3, k4 = jax.random.split(key, 4)
    input_ids = jax.random.randint(k1, (B, S), 0, VOCAB, dtype=jnp.int64 if jax.config.jax_enable_x64 else jnp.int32)
    token_type_ids = jax.random.randint(k2, (B, S), 0, TYPE_VOCAB, dtype=input_ids.dtype)
    word_embeddings = jax.random.normal(k3, (VOCAB, HIDDEN), dtype=jnp.float32) * 0.02
    word_embeddings = word_embeddings.at[PAD_IDX].set(0.0)
    token_type_embeddings = jax.random.normal(k4, (TYPE_VOCAB, HIDDEN), dtype=jnp.float32) * 0.02
    ln_gamma = jnp.ones((HIDDEN,), dtype=jnp.float32)
    ln_beta = jnp.zeros((HIDDEN,), dtype=jnp.float32)
    return {
        "input_ids": input_ids,
        "token_type_ids": token_type_ids,
        "word_embeddings": word_embeddings,
        "token_type_embeddings": token_type_embeddings,
        "ln_gamma": ln_gamma,
        "ln_beta": ln_beta,
    }


def _layer_norm(x, gamma, beta, eps=EPS):
    mean = jnp.mean(x, axis=-1, keepdims=True)
    var = jnp.mean(jnp.square(x - mean), axis=-1, keepdims=True)
    xhat = (x - mean) / jnp.sqrt(var + eps)
    return xhat * gamma + beta


def reference(input_ids, token_type_ids, word_embeddings, token_type_embeddings, ln_gamma, ln_beta):
    # padding_idx row is zero (as in nn.Embedding with padding_idx)
    we = word_embeddings.at[PAD_IDX].set(0.0)
    inputs_embeds = jnp.take(we, input_ids, axis=0)
    tt_embeds = jnp.take(token_type_embeddings, token_type_ids, axis=0)
    embeddings = inputs_embeds + tt_embeds
    embeddings = _layer_norm(embeddings, ln_gamma, ln_beta)
    # dropout is identity in eval mode
    return embeddings

if __name__ == "__main__":
    import jax
    _d = setup_inputs()
    print(jax.jit(kernel)(*tuple(_d.values())))

</pallas_src>

<mosaic_0001>
#map = affine_map<(d0, d1) -> (0, 0)>
#map1 = affine_map<(d0, d1) -> (0)>
module attributes {stable_mosaic.version = 14 : i64} {
  func.func @_emb_ln_kernel(%arg0: i32, %arg1: i32, %arg2: memref<50000x1024xf32, #tpu.memory_space<hbm>>, %arg3: memref<8192xi32, #tpu.memory_space<hbm>>, %arg4: memref<8192xf32, #tpu.memory_space<hbm>>, %arg5: memref<2x1024xf32, #tpu.memory_space<hbm>>, %arg6: memref<1024xf32, #tpu.memory_space<hbm>>, %arg7: memref<1024xf32, #tpu.memory_space<hbm>>, %arg8: memref<8192x1024xf32, #tpu.memory_space<hbm>>, %arg9: memref<3x32xi32, #tpu.memory_space<vmem>>, %arg10: memref<3x32xf32, #tpu.memory_space<vmem>>, %arg11: memref<3x32x1024xf32, #tpu.memory_space<vmem>>, %arg12: memref<2x1024xf32, #tpu.memory_space<vmem>>, %arg13: memref<1024xf32, #tpu.memory_space<vmem>>, %arg14: memref<1024xf32, #tpu.memory_space<vmem>>, %arg15: memref<1024xf32, #tpu.memory_space<vmem>>, %arg16: memref<3x!tpu.dma_semaphore, #tpu.memory_space<semaphore_mem>>, %arg17: memref<3x!tpu.dma_semaphore, #tpu.memory_space<semaphore_mem>>) attributes {dimension_semantics = [#tpu.dimension_semantics<core_parallel>, #tpu.dimension_semantics<subcore_parallel>], iteration_bounds = array<i64: 2, 16>, scalar_prefetch = 0 : i64, scratch_operands = 9 : i64, tpu.core_type = #tpu.core_type<sc_vector_subcore>, window_params = [{transform_indices = #map}, {transform_indices = #map1}, {transform_indices = #map1}, {transform_indices = #map}, {transform_indices = #map1}, {transform_indices = #map1}, {transform_indices = #map}]} {
    %mul3A = arith.constant 2 : i32
    %mul3A_0 = arith.muli %arg1, %mul3A : i32
    %add3A = arith.addi %mul3A_0, %arg0 : i32
    %mul3A_1 = arith.constant 256 : i32
    %mul3A_2 = arith.muli %add3A, %mul3A_1 : i32
    "tpu.region"() ({
      %run_scoped3A_107 = tpu.sem_alloc : memref<!tpu.dma_semaphore, #tpu.memory_space<semaphore_mem>>
      tpu.enqueue_dma source(%arg6 : memref<1024xf32, #tpu.memory_space<hbm>>) target(%arg14 : memref<1024xf32, #tpu.memory_space<vmem>>) target_semaphore(%run_scoped3A_107 : memref<!tpu.dma_semaphore, #tpu.memory_space<semaphore_mem>>)
      tpu.wait_dma2 semaphore(%run_scoped3A_107 : memref<!tpu.dma_semaphore, #tpu.memory_space<semaphore_mem>>) src(%arg6 : memref<1024xf32, #tpu.memory_space<hbm>>) dst(%arg14 : memref<1024xf32, #tpu.memory_space<vmem>>)
      tpu.yield
    }) : () -> ()
    "tpu.region"() ({
      %run_scoped3A_107 = tpu.sem_alloc : memref<!tpu.dma_semaphore, #tpu.memory_space<semaphore_mem>>
      tpu.enqueue_dma source(%arg7 : memref<1024xf32, #tpu.memory_space<hbm>>) target(%arg15 : memref<1024xf32, #tpu.memory_space<vmem>>) target_semaphore(%run_scoped3A_107 : memref<!tpu.dma_semaphore, #tpu.memory_space<semaphore_mem>>)
      tpu.wait_dma2 semaphore(%run_scoped3A_107 : memref<!tpu.dma_semaphore, #tpu.memory_space<semaphore_mem>>) src(%arg7 : memref<1024xf32, #tpu.memory_space<hbm>>) dst(%arg15 : memref<1024xf32, #tpu.memory_space<vmem>>)
      tpu.yield
    }) : () -> ()
    "tpu.region"() ({
      %run_scoped3A_107 = tpu.sem_alloc : memref<!tpu.dma_semaphore, #tpu.memory_space<semaphore_mem>>
      tpu.enqueue_dma source(%arg5 : memref<2x1024xf32, #tpu.memory_space<hbm>>) target(%arg12 : memref<2x1024xf32, #tpu.memory_space<vmem>>) target_semaphore(%run_scoped3A_107 : memref<!tpu.dma_semaphore, #tpu.memory_space<semaphore_mem>>)
      tpu.wait_dma2 semaphore(%run_scoped3A_107 : memref<!tpu.dma_semaphore, #tpu.memory_space<semaphore_mem>>) src(%arg5 : memref<2x1024xf32, #tpu.memory_space<hbm>>) dst(%arg12 : memref<2x1024xf32, #tpu.memory_space<vmem>>)
      tpu.yield
    }) : () -> ()
    %scan3A = arith.constant 0 : i32
    %scan3A_3 = arith.constant 0 : i32
    %scan3A_4 = arith.constant 64 : i32
    %scan3A_5 = arith.addi %scan3A_3, %scan3A_4 : i32
    %scan3A_6 = arith.constant 1 : i32
    %scan3A_7 = scf.for %scan3A_107 = %scan3A_3 to %scan3A_5 step %scan3A_6 iter_args(%scan3A_108 = %scan3A) -> (i32)  : i32 {
      %mul3A_109 = arith.constant 16 : i32
      %mul3A_110 = arith.muli %scan3A_107, %mul3A_109 : i32
      %get3A = arith.constant 1 : i32
      %get3A_111 = arith.index_cast %get3A : i32 to index
      %get3A_112 = arith.index_cast %mul3A_110 : i32 to index
      %get3A_113 = tpu.vector_load %arg12[%get3A_111, %get3A_112] {strides = array<i32>} : memref<2x1024xf32, #tpu.memory_space<vmem>>, vector<16xf32>,
      %get3A_114 = arith.constant 0 : i32
      %get3A_115 = arith.index_cast %get3A_114 : i32 to index
      %get3A_116 = arith.index_cast %mul3A_110 : i32 to index
      %get3A_117 = tpu.vector_load %arg12[%get3A_115, %get3A_116] {strides = array<i32>} : memref<2x1024xf32, #tpu.memory_space<vmem>>, vector<16xf32>,
      %sub3A = arith.subf %get3A_113, %get3A_117 : vector<16xf32>
      %swap3A = arith.index_cast %mul3A_110 : i32 to index
      %swap3A_118 = tpu.vector_load %arg13[%swap3A] {strides = array<i32>} : memref<1024xf32, #tpu.memory_space<vmem>>, vector<16xf32>,
      tpu.vector_store %arg13[%swap3A], %sub3A {strides = array<i32>} : memref<1024xf32, #tpu.memory_space<vmem>>, vector<16xf32>,
      %scan3A_119 = arith.constant 0 : i32
      scf.yield %scan3A_119 : i32
    }
    %scan3A_8 = arith.constant 64 : i32
    %broadcast_in_dim3A = arith.constant 0.000000e+00 : f32
    %broadcast_in_dim3A_9 = vector.broadcast %broadcast_in_dim3A : f32 to vector<16xf32>
    %add3A_10 = arith.constant 0 : i32
    %add3A_11 = arith.addi %mul3A_2, %add3A_10 : i32
    %run_scoped3A = arith.constant 0 : i32
    "tpu.region"() ({
      %run_scoped3A_107 = tpu.sem_alloc : memref<!tpu.dma_semaphore, #tpu.memory_space<semaphore_mem>>
      %dma_start3A_108 = arith.constant 0 : i32
      %dma_start3A_109 = tpu.memref_slice %arg9[%run_scoped3A, %dma_start3A_108] : memref<3x32xi32, #tpu.memory_space<vmem>> -> memref<1x32xi32, #tpu.memory_space<vmem>>
      %dma_start3A_110 = tpu.memref_squeeze %dma_start3A_109 : memref<1x32xi32, #tpu.memory_space<vmem>> -> memref<32xi32, #tpu.memory_space<vmem>>
      %dma_start3A_111 = tpu.memref_slice %arg3[%add3A_11] : memref<8192xi32, #tpu.memory_space<hbm>> -> memref<32xi32, #tpu.memory_space<hbm>>
      %dma_start3A_112 = arith.constant 0 : i32
      %dma_start3A_113 = tpu.memref_slice %arg9[%run_scoped3A, %dma_start3A_112] : memref<3x32xi32, #tpu.memory_space<vmem>> -> memref<1x32xi32, #tpu.memory_space<vmem>>
      %dma_start3A_114 = tpu.memref_squeeze %dma_start3A_113 : memref<1x32xi32, #tpu.memory_space<vmem>> -> memref<32xi32, #tpu.memory_space<vmem>>
      %dma_start3A_115 = tpu.memref_slice %arg3[%add3A_11] : memref<8192xi32, #tpu.memory_space<hbm>> -> memref<32xi32, #tpu.memory_space<hbm>>
      tpu.enqueue_dma source(%dma_start3A_115 : memref<32xi32, #tpu.memory_space<hbm>>) target(%dma_start3A_114 : memref<32xi32, #tpu.memory_space<vmem>>) target_semaphore(%run_scoped3A_107 : memref<!tpu.dma_semaphore, #tpu.memory_space<semaphore_mem>>)
      %dma_wait3A_116 = arith.constant 0 : i32
      %dma_wait3A_117 = tpu.memref_slice %arg9[%run_scoped3A, %dma_wait3A_116] : memref<3x32xi32, #tpu.memory_space<vmem>> -> memref<1x32xi32, #tpu.memory_space<vmem>>
      %dma_wait3A_118 = tpu.memref_squeeze %dma_wait3A_117 : memref<1x32xi32, #tpu.memory_space<vmem>> -> memref<32xi32, #tpu.memory_space<vmem>>
      %dma_wait3A_119 = tpu.memref_slice %arg3[%add3A_11] : memref<8192xi32, #tpu.memory_space<hbm>> -> memref<32xi32, #tpu.memory_space<hbm>>
      %dma_wait3A_120 = arith.constant 0 : i32
      %dma_wait3A_121 = tpu.memref_slice %arg9[%run_scoped3A, %dma_wait3A_120] : memref<3x32xi32, #tpu.memory_space<vmem>> -> memref<1x32xi32, #tpu.memory_space<vmem>>
      %dma_wait3A_122 = tpu.memref_squeeze %dma_wait3A_121 : memref<1x32xi32, #tpu.memory_space<vmem>> -> memref<32xi32, #tpu.memory_space<vmem>>
      %dma_wait3A_123 = tpu.memref_slice %arg3[%add3A_11] : memref<8192xi32, #tpu.memory_space<hbm>> -> memref<32xi32, #tpu.memory_space<hbm>>
      tpu.wait_dma2 semaphore(%run_scoped3A_107 : memref<!tpu.dma_semaphore, #tpu.memory_space<semaphore_mem>>) src(%dma_wait3A_123 : memref<32xi32, #tpu.memory_space<hbm>>) dst(%dma_wait3A_122 : memref<32xi32, #tpu.memory_space<vmem>>)
      tpu.yield
    }) : () -> ()
    %run_scoped3A_12 = arith.constant 0 : i32
    "tpu.region"() ({
      %run_scoped3A_107 = tpu.sem_alloc : memref<!tpu.dma_semaphore, #tpu.memory_space<semaphore_mem>>
      %dma_start3A_108 = arith.constant 0 : i32
      %dma_start3A_109 = tpu.memref_slice %arg10[%run_scoped3A_12, %dma_start3A_108] : memref<3x32xf32, #tpu.memory_space<vmem>> -> memref<1x32xf32, #tpu.memory_space<vmem>>
      %dma_start3A_110 = tpu.memref_squeeze %dma_start3A_109 : memref<1x32xf32, #tpu.memory_space<vmem>> -> memref<32xf32, #tpu.memory_space<vmem>>
      %dma_start3A_111 = tpu.memref_slice %arg4[%add3A_11] : memref<8192xf32, #tpu.memory_space<hbm>> -> memref<32xf32, #tpu.memory_space<hbm>>
      %dma_start3A_112 = arith.constant 0 : i32
      %dma_start3A_113 = tpu.memref_slice %arg10[%run_scoped3A_12, %dma_start3A_112] : memref<3x32xf32, #tpu.memory_space<vmem>> -> memref<1x32xf32, #tpu.memory_space<vmem>>
      %dma_start3A_114 = tpu.memref_squeeze %dma_start3A_113 : memref<1x32xf32, #tpu.memory_space<vmem>> -> memref<32xf32, #tpu.memory_space<vmem>>
      %dma_start3A_115 = tpu.memref_slice %arg4[%add3A_11] : memref<8192xf32, #tpu.memory_space<hbm>> -> memref<32xf32, #tpu.memory_space<hbm>>
      tpu.enqueue_dma source(%dma_start3A_115 : memref<32xf32, #tpu.memory_space<hbm>>) target(%dma_start3A_114 : memref<32xf32, #tpu.memory_space<vmem>>) target_semaphore(%run_scoped3A_107 : memref<!tpu.dma_semaphore, #tpu.memory_space<semaphore_mem>>)
      %dma_wait3A_116 = arith.constant 0 : i32
      %dma_wait3A_117 = tpu.memref_slice %arg10[%run_scoped3A_12, %dma_wait3A_116] : memref<3x32xf32, #tpu.memory_space<vmem>> -> memref<1x32xf32, #tpu.memory_space<vmem>>
      %dma_wait3A_118 = tpu.memref_squeeze %dma_wait3A_117 : memref<1x32xf32, #tpu.memory_space<vmem>> -> memref<32xf32, #tpu.memory_space<vmem>>
      %dma_wait3A_119 = tpu.memref_slice %arg4[%add3A_11] : memref<8192xf32, #tpu.memory_space<hbm>> -> memref<32xf32, #tpu.memory_space<hbm>>
      %dma_wait3A_120 = arith.constant 0 : i32
      %dma_wait3A_121 = tpu.memref_slice %arg10[%run_scoped3A_12, %dma_wait3A_120] : memref<3x32xf32, #tpu.memory_space<vmem>> -> memref<1x32xf32, #tpu.memory_space<vmem>>
      %dma_wait3A_122 = tpu.memref_squeeze %dma_wait3A_121 : memref<1x32xf32, #tpu.memory_space<vmem>> -> memref<32xf32, #tpu.memory_space<vmem>>
      %dma_wait3A_123 = tpu.memref_slice %arg4[%add3A_11] : memref<8192xf32, #tpu.memory_space<hbm>> -> memref<32xf32, #tpu.memory_space<hbm>>
      tpu.wait_dma2 semaphore(%run_scoped3A_107 : memref<!tpu.dma_semaphore, #tpu.memory_space<semaphore_mem>>) src(%dma_wait3A_123 : memref<32xf32, #tpu.memory_space<hbm>>) dst(%dma_wait3A_122 : memref<32xf32, #tpu.memory_space<vmem>>)
      tpu.yield
    }) : () -> ()
    %dma_start3A = arith.constant 0 : i32
    %dma_start3A_13 = arith.constant 0 : i32
    %dma_start3A_14 = arith.constant 0 : i32
    %dma_start3A_15 = arith.constant 0 : i32
    %dma_start3A_16 = arith.constant 0 : i32
    %dma_start3A_17 = tpu.memref_slice %arg11[%dma_start3A_13, %dma_start3A_15, %dma_start3A_16] : memref<3x32x1024xf32, #tpu.memory_space<vmem>> -> memref<1x32x1024xf32, #tpu.memory_space<vmem>>
    %dma_start3A_18 = tpu.memref_squeeze %dma_start3A_17 : memref<1x32x1024xf32, #tpu.memory_space<vmem>> -> memref<32x1024xf32, #tpu.memory_space<vmem>>
    %dma_start3A_19 = arith.constant 0 : i32
    %dma_start3A_20 = tpu.memref_slice %arg9[%dma_start3A, %dma_start3A_19] : memref<3x32xi32, #tpu.memory_space<vmem>> -> memref<1x32xi32, #tpu.memory_space<vmem>>
    %dma_start3A_21 = tpu.memref_squeeze %dma_start3A_20 : memref<1x32xi32, #tpu.memory_space<vmem>> -> memref<32xi32, #tpu.memory_space<vmem>>
    %dma_start3A_22 = arith.constant 0 : i32
    %dma_start3A_23 = arith.constant 0 : i32
    %dma_start3A_24 = tpu.memref_slice %arg2[%dma_start3A_22, %dma_start3A_23] : memref<50000x1024xf32, #tpu.memory_space<hbm>> -> memref<50000x1024xf32, #tpu.memory_space<hbm>>
    %dma_start3A_25 = tpu.memref_slice %arg16[%dma_start3A_14] : memref<3x!tpu.dma_semaphore, #tpu.memory_space<semaphore_mem>> -> memref<1x!tpu.dma_semaphore, #tpu.memory_space<semaphore_mem>>
    %dma_start3A_26 = tpu.memref_squeeze %dma_start3A_25 : memref<1x!tpu.dma_semaphore, #tpu.memory_space<semaphore_mem>> -> memref<!tpu.dma_semaphore, #tpu.memory_space<semaphore_mem>>
    tpu.enqueue_indirect_dma source(%dma_start3A_24 : memref<50000x1024xf32, #tpu.memory_space<hbm>>) target(%dma_start3A_18 : memref<32x1024xf32, #tpu.memory_space<vmem>>) offsets(%dma_start3A_21 : memref<32xi32, #tpu.memory_space<vmem>>) semaphore(%dma_start3A_26 : memref<!tpu.dma_semaphore, #tpu.memory_space<semaphore_mem>>)
    %add3A_27 = arith.constant 32 : i32
    %add3A_28 = arith.addi %mul3A_2, %add3A_27 : i32
    %run_scoped3A_29 = arith.constant 1 : i32
    "tpu.region"() ({
      %run_scoped3A_107 = tpu.sem_alloc : memref<!tpu.dma_semaphore, #tpu.memory_space<semaphore_mem>>
      %dma_start3A_108 = arith.constant 0 : i32
      %dma_start3A_109 = tpu.memref_slice %arg9[%run_scoped3A_29, %dma_start3A_108] : memref<3x32xi32, #tpu.memory_space<vmem>> -> memref<1x32xi32, #tpu.memory_space<vmem>>
      %dma_start3A_110 = tpu.memref_squeeze %dma_start3A_109 : memref<1x32xi32, #tpu.memory_space<vmem>> -> memref<32xi32, #tpu.memory_space<vmem>>
      %dma_start3A_111 = tpu.memref_slice %arg3[%add3A_28] : memref<8192xi32, #tpu.memory_space<hbm>> -> memref<32xi32, #tpu.memory_space<hbm>>
      %dma_start3A_112 = arith.constant 0 : i32
      %dma_start3A_113 = tpu.memref_slice %arg9[%run_scoped3A_29, %dma_start3A_112] : memref<3x32xi32, #tpu.memory_space<vmem>> -> memref<1x32xi32, #tpu.memory_space<vmem>>
      %dma_start3A_114 = tpu.memref_squeeze %dma_start3A_113 : memref<1x32xi32, #tpu.memory_space<vmem>> -> memref<32xi32, #tpu.memory_space<vmem>>
      %dma_start3A_115 = tpu.memref_slice %arg3[%add3A_28] : memref<8192xi32, #tpu.memory_space<hbm>> -> memref<32xi32, #tpu.memory_space<hbm>>
      tpu.enqueue_dma source(%dma_start3A_115 : memref<32xi32, #tpu.memory_space<hbm>>) target(%dma_start3A_114 : memref<32xi32, #tpu.memory_space<vmem>>) target_semaphore(%run_scoped3A_107 : memref<!tpu.dma_semaphore, #tpu.memory_space<semaphore_mem>>)
      %dma_wait3A_116 = arith.constant 0 : i32
      %dma_wait3A_117 = tpu.memref_slice %arg9[%run_scoped3A_29, %dma_wait3A_116] : memref<3x32xi32, #tpu.memory_space<vmem>> -> memref<1x32xi32, #tpu.memory_space<vmem>>
      %dma_wait3A_118 = tpu.memref_squeeze %dma_wait3A_117 : memref<1x32xi32, #tpu.memory_space<vmem>> -> memref<32xi32, #tpu.memory_space<vmem>>
      %dma_wait3A_119 = tpu.memref_slice %arg3[%add3A_28] : memref<8192xi32, #tpu.memory_space<hbm>> -> memref<32xi32, #tpu.memory_space<hbm>>
      %dma_wait3A_120 = arith.constant 0 : i32
      %dma_wait3A_121 = tpu.memref_slice %arg9[%run_scoped3A_29, %dma_wait3A_120] : memref<3x32xi32, #tpu.memory_space<vmem>> -> memref<1x32xi32, #tpu.memory_space<vmem>>
      %dma_wait3A_122 = tpu.memref_squeeze %dma_wait3A_121 : memref<1x32xi32, #tpu.memory_space<vmem>> -> memref<32xi32, #tpu.memory_space<vmem>>
      %dma_wait3A_123 = tpu.memref_slice %arg3[%add3A_28] : memref<8192xi32, #tpu.memory_space<hbm>> -> memref<32xi32, #tpu.memory_space<hbm>>
      tpu.wait_dma2 semaphore(%run_scoped3A_107 : memref<!tpu.dma_semaphore, #tpu.memory_space<semaphore_mem>>) src(%dma_wait3A_123 : memref<32xi32, #tpu.memory_space<hbm>>) dst(%dma_wait3A_122 : memref<32xi32, #tpu.memory_space<vmem>>)
      tpu.yield
    }) : () -> ()
    %run_scoped3A_30 = arith.constant 1 : i32
    "tpu.region"() ({
      %run_scoped3A_107 = tpu.sem_alloc : memref<!tpu.dma_semaphore, #tpu.memory_space<semaphore_mem>>
      %dma_start3A_108 = arith.constant 0 : i32
      %dma_start3A_109 = tpu.memref_slice %arg10[%run_scoped3A_30, %dma_start3A_108] : memref<3x32xf32, #tpu.memory_space<vmem>> -> memref<1x32xf32, #tpu.memory_space<vmem>>
      %dma_start3A_110 = tpu.memref_squeeze %dma_start3A_109 : memref<1x32xf32, #tpu.memory_space<vmem>> -> memref<32xf32, #tpu.memory_space<vmem>>
      %dma_start3A_111 = tpu.memref_slice %arg4[%add3A_28] : memref<8192xf32, #tpu.memory_space<hbm>> -> memref<32xf32, #tpu.memory_space<hbm>>
      %dma_start3A_112 = arith.constant 0 : i32
      %dma_start3A_113 = tpu.memref_slice %arg10[%run_scoped3A_30, %dma_start3A_112] : memref<3x32xf32, #tpu.memory_space<vmem>> -> memref<1x32xf32, #tpu.memory_space<vmem>>
      %dma_start3A_114 = tpu.memref_squeeze %dma_start3A_113 : memref<1x32xf32, #tpu.memory_space<vmem>> -> memref<32xf32, #tpu.memory_space<vmem>>
      %dma_start3A_115 = tpu.memref_slice %arg4[%add3A_28] : memref<8192xf32, #tpu.memory_space<hbm>> -> memref<32xf32, #tpu.memory_space<hbm>>
      tpu.enqueue_dma source(%dma_start3A_115 : memref<32xf32, #tpu.memory_space<hbm>>) target(%dma_start3A_114 : memref<32xf32, #tpu.memory_space<vmem>>) target_semaphore(%run_scoped3A_107 : memref<!tpu.dma_semaphore, #tpu.memory_space<semaphore_mem>>)
      %dma_wait3A_116 = arith.constant 0 : i32
      %dma_wait3A_117 = tpu.memref_slice %arg10[%run_scoped3A_30, %dma_wait3A_116] : memref<3x32xf32, #tpu.memory_space<vmem>> -> memref<1x32xf32, #tpu.memory_space<vmem>>
      %dma_wait3A_118 = tpu.memref_squeeze %dma_wait3A_117 : memref<1x32xf32, #tpu.memory_space<vmem>> -> memref<32xf32, #tpu.memory_space<vmem>>
      %dma_wait3A_119 = tpu.memref_slice %arg4[%add3A_28] : memref<8192xf32, #tpu.memory_space<hbm>> -> memref<32xf32, #tpu.memory_space<hbm>>
      %dma_wait3A_120 = arith.constant 0 : i32
      %dma_wait3A_121 = tpu.memref_slice %arg10[%run_scoped3A_30, %dma_wait3A_120] : memref<3x32xf32, #tpu.memory_space<vmem>> -> memref<1x32xf32, #tpu.memory_space<vmem>>
      %dma_wait3A_122 = tpu.memref_squeeze %dma_wait3A_121 : memref<1x32xf32, #tpu.memory_space<vmem>> -> memref<32xf32, #tpu.memory_space<vmem>>
      %dma_wait3A_123 = tpu.memref_slice %arg4[%add3A_28] : memref<8192xf32, #tpu.memory_space<hbm>> -> memref<32xf32, #tpu.memory_space<hbm>>
      tpu.wait_dma2 semaphore(%run_scoped3A_107 : memref<!tpu.dma_semaphore, #tpu.memory_space<semaphore_mem>>) src(%dma_wait3A_123 : memref<32xf32, #tpu.memory_space<hbm>>) dst(%dma_wait3A_122 : memref<32xf32, #tpu.memory_space<vmem>>)
      tpu.yield
    }) : () -> ()
    %dma_start3A_31 = arith.constant 1 : i32
    %dma_start3A_32 = arith.constant 1 : i32
    %dma_start3A_33 = arith.constant 1 : i32
    %dma_start3A_34 = arith.constant 0 : i32
    %dma_start3A_35 = arith.constant 0 : i32
    %dma_start3A_36 = tpu.memref_slice %arg11[%dma_start3A_32, %dma_start3A_34, %dma_start3A_35] : memref<3x32x1024xf32, #tpu.memory_space<vmem>> -> memref<1x32x1024xf32, #tpu.memory_space<vmem>>
    %dma_start3A_37 = tpu.memref_squeeze %dma_start3A_36 : memref<1x32x1024xf32, #tpu.memory_space<vmem>> -> memref<32x1024xf32, #tpu.memory_space<vmem>>
    %dma_start3A_38 = arith.constant 0 : i32
    %dma_start3A_39 = tpu.memref_slice %arg9[%dma_start3A_31, %dma_start3A_38] : memref<3x32xi32, #tpu.memory_space<vmem>> -> memref<1x32xi32, #tpu.memory_space<vmem>>
    %dma_start3A_40 = tpu.memref_squeeze %dma_start3A_39 : memref<1x32xi32, #tpu.memory_space<vmem>> -> memref<32xi32, #tpu.memory_space<vmem>>
    %dma_start3A_41 = arith.constant 0 : i32
    %dma_start3A_42 = arith.constant 0 : i32
    %dma_start3A_43 = tpu.memref_slice %arg2[%dma_start3A_41, %dma_start3A_42] : memref<50000x1024xf32, #tpu.memory_space<hbm>> -> memref<50000x1024xf32, #tpu.memory_space<hbm>>
    %dma_start3A_44 = tpu.memref_slice %arg16[%dma_start3A_33] : memref<3x!tpu.dma_semaphore, #tpu.memory_space<semaphore_mem>> -> memref<1x!tpu.dma_semaphore, #tpu.memory_space<semaphore_mem>>
    %dma_start3A_45 = tpu.memref_squeeze %dma_start3A_44 : memref<1x!tpu.dma_semaphore, #tpu.memory_space<semaphore_mem>> -> memref<!tpu.dma_semaphore, #tpu.memory_space<semaphore_mem>>
    tpu.enqueue_indirect_dma source(%dma_start3A_43 : memref<50000x1024xf32, #tpu.memory_space<hbm>>) target(%dma_start3A_37 : memref<32x1024xf32, #tpu.memory_space<vmem>>) offsets(%dma_start3A_40 : memref<32xi32, #tpu.memory_space<vmem>>) semaphore(%dma_start3A_45 : memref<!tpu.dma_semaphore, #tpu.memory_space<semaphore_mem>>)
    %scan3A_46 = arith.constant 9.765625E-4 : f32
    %scan3A_47 = arith.constant 0 : i32
    %scan3A_48 = arith.constant 0 : i32
    %scan3A_49 = arith.constant 8 : i32
    %scan3A_50 = arith.addi %scan3A_48, %scan3A_49 : i32
    %scan3A_51 = arith.constant 1 : i32
    %scan3A_52 = scf.for %scan3A_107 = %scan3A_48 to %scan3A_50 step %scan3A_51 iter_args(%scan3A_108 = %scan3A_47) -> (i32)  : i32 {
      %rem3A = arith.constant 3 : i32
      %rem3A_109 = arith.remsi %scan3A_107, %rem3A : i32
      %mul3A_110 = arith.constant 32 : i32
      %mul3A_111 = arith.muli %scan3A_107, %mul3A_110 : i32
      %add3A_112 = arith.addi %mul3A_2, %mul3A_111 : i32
      %dma_wait3A_113 = arith.constant 0 : i32
      %dma_wait3A_114 = arith.constant 0 : i32
      %dma_wait3A_115 = tpu.memref_slice %arg11[%rem3A_109, %dma_wait3A_113, %dma_wait3A_114] : memref<3x32x1024xf32, #tpu.memory_space<vmem>> -> memref<1x32x1024xf32, #tpu.memory_space<vmem>>
      %dma_wait3A_116 = tpu.memref_squeeze %dma_wait3A_115 : memref<1x32x1024xf32, #tpu.memory_space<vmem>> -> memref<32x1024xf32, #tpu.memory_space<vmem>>
      %dma_wait3A_117 = arith.constant 0 : i32
      %dma_wait3A_118 = tpu.memref_slice %arg9[%rem3A_109, %dma_wait3A_117] : memref<3x32xi32, #tpu.memory_space<vmem>> -> memref<1x32xi32, #tpu.memory_space<vmem>>
      %dma_wait3A_119 = tpu.memref_squeeze %dma_wait3A_118 : memref<1x32xi32, #tpu.memory_space<vmem>> -> memref<32xi32, #tpu.memory_space<vmem>>
      %dma_wait3A_120 = arith.constant 0 : i32
      %dma_wait3A_121 = arith.constant 0 : i32
      %dma_wait3A_122 = tpu.memref_slice %arg2[%dma_wait3A_120, %dma_wait3A_121] : memref<50000x1024xf32, #tpu.memory_space<hbm>> -> memref<50000x1024xf32, #tpu.memory_space<hbm>>
      %dma_wait3A_123 = tpu.memref_slice %arg16[%rem3A_109] : memref<3x!tpu.dma_semaphore, #tpu.memory_space<semaphore_mem>> -> memref<1x!tpu.dma_semaphore, #tpu.memory_space<semaphore_mem>>
      %dma_wait3A_124 = tpu.memref_squeeze %dma_wait3A_123 : memref<1x!tpu.dma_semaphore, #tpu.memory_space<semaphore_mem>> -> memref<!tpu.dma_semaphore, #tpu.memory_space<semaphore_mem>>
      tpu.wait_indirect_dma semaphore(%dma_wait3A_124 : memref<!tpu.dma_semaphore, #tpu.memory_space<semaphore_mem>>) src(%dma_wait3A_122 : memref<50000x1024xf32, #tpu.memory_space<hbm>>) dst(%dma_wait3A_116 : memref<32x1024xf32, #tpu.memory_space<vmem>>)
      %scan3A_125 = arith.constant 0 : i32
      %scan3A_126 = arith.constant 0 : i32
      %scan3A_127 = arith.constant 2 : i32
      %scan3A_128 = arith.addi %scan3A_126, %scan3A_127 : i32
      %scan3A_129 = arith.constant 1 : i32
      %scan3A_130 = scf.for %scan3A_151 = %scan3A_126 to %scan3A_128 step %scan3A_129 iter_args(%scan3A_152 = %scan3A_125) -> (i32)  : i32 {
        %mul3A_153 = arith.constant 16 : i32
        %mul3A_154 = arith.muli %scan3A_151, %mul3A_153 : i32
        %get3A = arith.index_cast %rem3A_109 : i32 to index
        %get3A_155 = arith.index_cast %mul3A_154 : i32 to index
        %get3A_156 = tpu.vector_load %arg10[%get3A, %get3A_155] {strides = array<i32>} : memref<3x32xf32, #tpu.memory_space<vmem>>, vector<16xf32>,
        %mul3A_157 = arith.constant 16 : i32
        %mul3A_158 = arith.muli %scan3A_151, %mul3A_157 : i32
        %add3A_159 = arith.constant 0 : i32
        %add3A_160 = arith.addi %mul3A_158, %add3A_159 : i32
        %broadcast_in_dim3A_161 = arith.constant 0 : i32
        %broadcast_in_dim3A_162 = vector.broadcast %broadcast_in_dim3A_161 : i32 to vector<16xi32>
        %lt3A_163 = arith.constant 0 : i32
        %lt3A_164 = vector.broadcast %lt3A_163 : i32 to vector<16xi32>
        %lt3A_165 = arith.cmpi slt, %broadcast_in_dim3A_162, %lt3A_164 : vector<16xi32>
        %add3A_166 = arith.constant 16 : i32
        %add3A_167 = vector.broadcast %add3A_166 : i32 to vector<16xi32>
        %add3A_168 = arith.addi %broadcast_in_dim3A_162, %add3A_167 : vector<16xi32>
        %select_n3A = arith.select %lt3A_165, %add3A_168, %broadcast_in_dim3A_162 : vector<16xi1>, vector<16xi32>
        %broadcast_in_dim3A_169 = vector.shape_cast %select_n3A : vector<16xi32> to vector<16x1xi32>
        %gather3A = vector.shape_cast %broadcast_in_dim3A_169 : vector<16x1xi32> to vector<16xi32>
        %gather3A_170 = tpu.dynamic_gather %get3A_156[%gather3A] in [0] : vector<16xf32>, vector<16xi32> -> vector<16xf32>
        %broadcast_in_dim3A_171 = arith.constant 1 : i32
        %broadcast_in_dim3A_172 = vector.broadcast %broadcast_in_dim3A_171 : i32 to vector<16xi32>
        %lt3A_173 = arith.constant 0 : i32
        %lt3A_174 = vector.broadcast %lt3A_173 : i32 to vector<16xi32>
        %lt3A_175 = arith.cmpi slt, %broadcast_in_dim3A_172, %lt3A_174 : vector<16xi32>
        %add3A_176 = arith.constant 16 : i32
        %add3A_177 = vector.broadcast %add3A_176 : i32 to vector<16xi32>
        %add3A_178 = arith.addi %broadcast_in_dim3A_172, %add3A_177 : vector<16xi32>
        %select_n3A_179 = arith.select %lt3A_175, %add3A_178, %broadcast_in_dim3A_172 : vector<16xi1>, vector<16xi32>
        %broadcast_in_dim3A_180 = vector.shape_cast %select_n3A_179 : vector<16xi32> to vector<16x1xi32>
        %gather3A_181 = vector.shape_cast %broadcast_in_dim3A_180 : vector<16x1xi32> to vector<16xi32>
        %gather3A_182 = tpu.dynamic_gather %get3A_156[%gather3A_181] in [0] : vector<16xf32>, vector<16xi32> -> vector<16xf32>
        %broadcast_in_dim3A_183 = arith.constant 2 : i32
        %broadcast_in_dim3A_184 = vector.broadcast %broadcast_in_dim3A_183 : i32 to vector<16xi32>
        %lt3A_185 = arith.constant 0 : i32
        %lt3A_186 = vector.broadcast %lt3A_185 : i32 to vector<16xi32>
        %lt3A_187 = arith.cmpi slt, %broadcast_in_dim3A_184, %lt3A_186 : vector<16xi32>
        %add3A_188 = arith.constant 16 : i32
        %add3A_189 = vector.broadcast %add3A_188 : i32 to vector<16xi32>
        %add3A_190 = arith.addi %broadcast_in_dim3A_184, %add3A_189 : vector<16xi32>
        %select_n3A_191 = arith.select %lt3A_187, %add3A_190, %broadcast_in_dim3A_184 : vector<16xi1>, vector<16xi32>
        %broadcast_in_dim3A_192 = vector.shape_cast %select_n3A_191 : vector<16xi32> to vector<16x1xi32>
        %gather3A_193 = vector.shape_cast %broadcast_in_dim3A_192 : vector<16x1xi32> to vector<16xi32>
        %gather3A_194 = tpu.dynamic_gather %get3A_156[%gather3A_193] in [0] : vector<16xf32>, vector<16xi32> -> vector<16xf32>
        %broadcast_in_dim3A_195 = arith.constant 3 : i32
        %broadcast_in_dim3A_196 = vector.broadcast %broadcast_in_dim3A_195 : i32 to vector<16xi32>
        %lt3A_197 = arith.constant 0 : i32
        %lt3A_198 = vector.broadcast %lt3A_197 : i32 to vector<16xi32>
        %lt3A_199 = arith.cmpi slt, %broadcast_in_dim3A_196, %lt3A_198 : vector<16xi32>
        %add3A_200 = arith.constant 16 : i32
        %add3A_201 = vector.broadcast %add3A_200 : i32 to vector<16xi32>
        %add3A_202 = arith.addi %broadcast_in_dim3A_196, %add3A_201 : vector<16xi32>
        %select_n3A_203 = arith.select %lt3A_199, %add3A_202, %broadcast_in_dim3A_196 : vector<16xi1>, vector<16xi32>
        %broadcast_in_dim3A_204 = vector.shape_cast %select_n3A_203 : vector<16xi32> to vector<16x1xi32>
        %gather3A_205 = vector.shape_cast %broadcast_in_dim3A_204 : vector<16x1xi32> to vector<16xi32>
        %gather3A_206 = tpu.dynamic_gather %get3A_156[%gather3A_205] in [0] : vector<16xf32>, vector<16xi32> -> vector<16xf32>
        %broadcast_in_dim3A_207 = arith.constant 4 : i32
        %broadcast_in_dim3A_208 = vector.broadcast %broadcast_in_dim3A_207 : i32 to vector<16xi32>
        %lt3A_209 = arith.constant 0 : i32
        %lt3A_210 = vector.broadcast %lt3A_209 : i32 to vector<16xi32>
        %lt3A_211 = arith.cmpi slt, %broadcast_in_dim3A_208, %lt3A_210 : vector<16xi32>
        %add3A_212 = arith.constant 16 : i32
        %add3A_213 = vector.broadcast %add3A_212 : i32 to vector<16xi32>
        %add3A_214 = arith.addi %broadcast_in_dim3A_208, %add3A_213 : vector<16xi32>
        %select_n3A_215 = arith.select %lt3A_211, %add3A_214, %broadcast_in_dim3A_208 : vector<16xi1>, vector<16xi32>
        %broadcast_in_dim3A_216 = vector.shape_cast %select_n3A_215 : vector<16xi32> to vector<16x1xi32>
        %gather3A_217 = vector.shape_cast %broadcast_in_dim3A_216 : vector<16x1xi32> to vector<16xi32>
        %gather3A_218 = tpu.dynamic_gather %get3A_156[%gather3A_217] in [0] : vector<16xf32>, vector<16xi32> -> vector<16xf32>
        %broadcast_in_dim3A_219 = arith.constant 5 : i32
        %broadcast_in_dim3A_220 = vector.broadcast %broadcast_in_dim3A_219 : i32 to vector<16xi32>
        %lt3A_221 = arith.constant 0 : i32
        %lt3A_222 = vector.broadcast %lt3A_221 : i32 to vector<16xi32>
        %lt3A_223 = arith.cmpi slt, %broadcast_in_dim3A_220, %lt3A_222 : vector<16xi32>
        %add3A_224 = arith.constant 16 : i32
        %add3A_225 = vector.broadcast %add3A_224 : i32 to vector<16xi32>
        %add3A_226 = arith.addi %broadcast_in_dim3A_220, %add3A_225 : vector<16xi32>
        %select_n3A_227 = arith.select %lt3A_223, %add3A_226, %broadcast_in_dim3A_220 : vector<16xi1>, vector<16xi32>
        %broadcast_in_dim3A_228 = vector.shape_cast %select_n3A_227 : vector<16xi32> to vector<16x1xi32>
        %gather3A_229 = vector.shape_cast %broadcast_in_dim3A_228 : vector<16x1xi32> to vector<16xi32>
        %gather3A_230 = tpu.dynamic_gather %get3A_156[%gather3A_229] in [0] : vector<16xf32>, vector<16xi32> -> vector<16xf32>
        %broadcast_in_dim3A_231 = arith.constant 6 : i32
        %broadcast_in_dim3A_232 = vector.broadcast %broadcast_in_dim3A_231 : i32 to vector<16xi32>
        %lt3A_233 = arith.constant 0 : i32
        %lt3A_234 = vector.broadcast %lt3A_233 : i32 to vector<16xi32>
        %lt3A_235 = arith.cmpi slt, %broadcast_in_dim3A_232, %lt3A_234 : vector<16xi32>
        %add3A_236 = arith.constant 16 : i32
        %add3A_237 = vector.broadcast %add3A_236 : i32 to vector<16xi32>
        %add3A_238 = arith.addi %broadcast_in_dim3A_232, %add3A_237 : vector<16xi32>
        %select_n3A_239 = arith.select %lt3A_235, %add3A_238, %broadcast_in_dim3A_232 : vector<16xi1>, vector<16xi32>
        %broadcast_in_dim3A_240 = vector.shape_cast %select_n3A_239 : vector<16xi32> to vector<16x1xi32>
        %gather3A_241 = vector.shape_cast %broadcast_in_dim3A_240 : vector<16x1xi32> to vector<16xi32>
        %gather3A_242 = tpu.dynamic_gather %get3A_156[%gather3A_241] in [0] : vector<16xf32>, vector<16xi32> -> vector<16xf32>
        %broadcast_in_dim3A_243 = arith.constant 7 : i32
        %broadcast_in_dim3A_244 = vector.broadcast %broadcast_in_dim3A_243 : i32 to vector<16xi32>
        %lt3A_245 = arith.constant 0 : i32
        %lt3A_246 = vector.broadcast %lt3A_245 : i32 to vector<16xi32>
        %lt3A_247 = arith.cmpi slt, %broadcast_in_dim3A_244, %lt3A_246 : vector<16xi32>
        %add3A_248 = arith.constant 16 : i32
        %add3A_249 = vector.broadcast %add3A_248 : i32 to vector<16xi32>
        %add3A_250 = arith.addi %broadcast_in_dim3A_244, %add3A_249 : vector<16xi32>
        %select_n3A_251 = arith.select %lt3A_247, %add3A_250, %broadcast_in_dim3A_244 : vector<16xi1>, vector<16xi32>
        %broadcast_in_dim3A_252 = vector.shape_cast %select_n3A_251 : vector<16xi32> to vector<16x1xi32>
        %gather3A_253 = vector.shape_cast %broadcast_in_dim3A_252 : vector<16x1xi32> to vector<16xi32>
        %gather3A_254 = tpu.dynamic_gather %get3A_156[%gather3A_253] in [0] : vector<16xf32>, vector<16xi32> -> vector<16xf32>
        %parallel_loop3A = arith.constant 0 : i32
        %parallel_loop3A_255 = arith.constant 64 : i32
        %parallel_loop3A_256 = arith.constant 1 : i32
        %parallel_loop3A_257:16 = scf.for %parallel_loop3A_1181 = %parallel_loop3A to %parallel_loop3A_255 step %parallel_loop3A_256 iter_args(%parallel_loop3A_1182 = %broadcast_in_dim3A_9, %parallel_loop3A_1183 = %broadcast_in_dim3A_9, %parallel_loop3A_1184 = %broadcast_in_dim3A_9, %parallel_loop3A_1185 = %broadcast_in_dim3A_9, %parallel_loop3A_1186 = %broadcast_in_dim3A_9, %parallel_loop3A_1187 = %broadcast_in_dim3A_9, %parallel_loop3A_1188 = %broadcast_in_dim3A_9, %parallel_loop3A_1189 = %broadcast_in_dim3A_9, %parallel_loop3A_1190 = %broadcast_in_dim3A_9, %parallel_loop3A_1191 = %broadcast_in_dim3A_9, %parallel_loop3A_1192 = %broadcast_in_dim3A_9, %parallel_loop3A_1193 = %broadcast_in_dim3A_9, %parallel_loop3A_1194 = %broadcast_in_dim3A_9, %parallel_loop3A_1195 = %broadcast_in_dim3A_9, %parallel_loop3A_1196 = %broadcast_in_dim3A_9, %parallel_loop3A_1197 = %broadcast_in_dim3A_9) -> (vector<16xf32>, vector<16xf32>, vector<16xf32>, vector<16xf32>, vector<16xf32>, vector<16xf32>, vector<16xf32>, vector<16xf32>, vector<16xf32>, vector<16xf32>, vector<16xf32>, vector<16xf32>, vector<16xf32>, vector<16xf32>, vector<16xf32>, vector<16xf32>)  : i32 {
          %parallel_loop3A_1198 = arith.constant 16 : i32
          %parallel_loop3A_1199 = arith.muli %parallel_loop3A_1181, %parallel_loop3A_1198 : i32
          %parallel_loop3A_1200 = arith.constant 0 : i32
          %parallel_loop3A_1201 = arith.index_cast %parallel_loop3A_1200 : i32 to index
          %parallel_loop3A_1202 = arith.index_cast %parallel_loop3A_1199 : i32 to index
          %parallel_loop3A_1203 = tpu.vector_load %arg12[%parallel_loop3A_1201, %parallel_loop3A_1202] {strides = array<i32>} : memref<2x1024xf32, #tpu.memory_space<vmem>>, vector<16xf32>,
          %parallel_loop3A_1204 = arith.index_cast %parallel_loop3A_1199 : i32 to index
          %parallel_loop3A_1205 = tpu.vector_load %arg13[%parallel_loop3A_1204] {strides = array<i32>} : memref<1024xf32, #tpu.memory_space<vmem>>, vector<16xf32>,
          %parallel_loop3A_1206 = arith.constant 0 : i32
          %parallel_loop3A_1207 = arith.addi %add3A_160, %parallel_loop3A_1206 : i32
          %parallel_loop3A_1208 = arith.index_cast %rem3A_109 : i32 to index
          %parallel_loop3A_1209 = arith.index_cast %parallel_loop3A_1207 : i32 to index
          %parallel_loop3A_1210 = arith.index_cast %parallel_loop3A_1199 : i32 to index
          %parallel_loop3A_1211 = tpu.vector_load %arg11[%parallel_loop3A_1208, %parallel_loop3A_1209, %parallel_loop3A_1210] {strides = array<i32>} : memref<3x32x1024xf32, #tpu.memory_space<vmem>>, vector<16xf32>,
          %parallel_loop3A_1212 = arith.mulf %gather3A_170, %parallel_loop3A_1205 : vector<16xf32>
          %parallel_loop3A_1213 = arith.addf %parallel_loop3A_1203, %parallel_loop3A_1212 : vector<16xf32>
          %parallel_loop3A_1214 = arith.addf %parallel_loop3A_1211, %parallel_loop3A_1213 : vector<16xf32>
          %parallel_loop3A_1215 = arith.constant 0 : i32
          %parallel_loop3A_1216 = arith.addi %add3A_160, %parallel_loop3A_1215 : i32
          %parallel_loop3A_1217 = arith.index_cast %rem3A_109 : i32 to index
          %parallel_loop3A_1218 = arith.index_cast %parallel_loop3A_1216 : i32 to index
          %parallel_loop3A_1219 = arith.index_cast %parallel_loop3A_1199 : i32 to index
          %parallel_loop3A_1220 = tpu.vector_load %arg11[%parallel_loop3A_1217, %parallel_loop3A_1218, %parallel_loop3A_1219] {strides = array<i32>} : memref<3x32x1024xf32, #tpu.memory_space<vmem>>, vector<16xf32>,
          tpu.vector_store %arg11[%parallel_loop3A_1217, %parallel_loop3A_1218, %parallel_loop3A_1219], %parallel_loop3A_1214 {strides = array<i32>} : memref<3x32x1024xf32, #tpu.memory_space<vmem>>, vector<16xf32>,
          %parallel_loop3A_1221 = arith.addf %parallel_loop3A_1182, %parallel_loop3A_1214 : vector<16xf32>
          %parallel_loop3A_1222 = arith.mulf %parallel_loop3A_1214, %parallel_loop3A_1214 : vector<16xf32>
          %parallel_loop3A_1223 = arith.addf %parallel_loop3A_1183, %parallel_loop3A_1222 : vector<16xf32>
          %parallel_loop3A_1224 = arith.constant 1 : i32
          %parallel_loop3A_1225 = arith.addi %add3A_160, %parallel_loop3A_1224 : i32
          %parallel_loop3A_1226 = arith.index_cast %rem3A_109 : i32 to index
          %parallel_loop3A_1227 = arith.index_cast %parallel_loop3A_1225 : i32 to index
          %parallel_loop3A_1228 = arith.index_cast %parallel_loop3A_1199 : i32 to index
          %parallel_loop3A_1229 = tpu.vector_load %arg11[%parallel_loop3A_1226, %parallel_loop3A_1227, %parallel_loop3A_1228] {strides = array<i32>} : memref<3x32x1024xf32, #tpu.memory_space<vmem>>, vector<16xf32>,
          %parallel_loop3A_1230 = arith.mulf %gather3A_182, %parallel_loop3A_1205 : vector<16xf32>
          %parallel_loop3A_1231 = arith.addf %parallel_loop3A_1203, %parallel_loop3A_1230 : vector<16xf32>
          %parallel_loop3A_1232 = arith.addf %parallel_loop3A_1229, %parallel_loop3A_1231 : vector<16xf32>
          %parallel_loop3A_1233 = arith.constant 1 : i32
          %parallel_loop3A_1234 = arith.addi %add3A_160, %parallel_loop3A_1233 : i32
          %parallel_loop3A_1235 = arith.index_cast %rem3A_109 : i32 to index
          %parallel_loop3A_1236 = arith.index_cast %parallel_loop3A_1234 : i32 to index
          %parallel_loop3A_1237 = arith.index_cast %parallel_loop3A_1199 : i32 to index
          %parallel_loop3A_1238 = tpu.vector_load %arg11[%parallel_loop3A_1235, %parallel_loop3A_1236, %parallel_loop3A_1237] {strides = array<i32>} : memref<3x32x1024xf32, #tpu.memory_space<vmem>>, vector<16xf32>,
          tpu.vector_store %arg11[%parallel_loop3A_1235, %parallel_loop3A_1236, %parallel_loop3A_1237], %parallel_loop3A_1232 {strides = array<i32>} : memref<3x32x1024xf32, #tpu.memory_space<vmem>>, vector<16xf32>,
          %parallel_loop3A_1239 = arith.addf %parallel_loop3A_1184, %parallel_loop3A_1232 : vector<16xf32>
          %parallel_loop3A_1240 = arith.mulf %parallel_loop3A_1232, %parallel_loop3A_1232 : vector<16xf32>
          %parallel_loop3A_1241 = arith.addf %parallel_loop3A_1185, %parallel_loop3A_1240 : vector<16xf32>
          %parallel_loop3A_1242 = arith.constant 2 : i32
          %parallel_loop3A_1243 = arith.addi %add3A_160, %parallel_loop3A_1242 : i32
          %parallel_loop3A_1244 = arith.index_cast %rem3A_109 : i32 to index
          %parallel_loop3A_1245 = arith.index_cast %parallel_loop3A_1243 : i32 to index
          %parallel_loop3A_1246 = arith.index_cast %parallel_loop3A_1199 : i32 to index
          %parallel_loop3A_1247 = tpu.vector_load %arg11[%parallel_loop3A_1244, %parallel_loop3A_1245, %parallel_loop3A_1246] {strides = array<i32>} : memref<3x32x1024xf32, #tpu.memory_space<vmem>>, vector<16xf32>,
          %parallel_loop3A_1248 = arith.mulf %gather3A_194, %parallel_loop3A_1205 : vector<16xf32>
          %parallel_loop3A_1249 = arith.addf %parallel_loop3A_1203, %parallel_loop3A_1248 : vector<16xf32>
          %parallel_loop3A_1250 = arith.addf %parallel_loop3A_1247, %parallel_loop3A_1249 : vector<16xf32>
          %parallel_loop3A_1251 = arith.constant 2 : i32
          %parallel_loop3A_1252 = arith.addi %add3A_160, %parallel_loop3A_1251 : i32
          %parallel_loop3A_1253 = arith.index_cast %rem3A_109 : i32 to index
          %parallel_loop3A_1254 = arith.index_cast %parallel_loop3A_1252 : i32 to index
          %parallel_loop3A_1255 = arith.index_cast %parallel_loop3A_1199 : i32 to index
          %parallel_loop3A_1256 = tpu.vector_load %arg11[%parallel_loop3A_1253, %parallel_loop3A_1254, %parallel_loop3A_1255] {strides = array<i32>} : memref<3x32x1024xf32, #tpu.memory_space<vmem>>, vector<16xf32>,
          tpu.vector_store %arg11[%parallel_loop3A_1253, %parallel_loop3A_1254, %parallel_loop3A_1255], %parallel_loop3A_1250 {strides = array<i32>} : memref<3x32x1024xf32, #tpu.memory_space<vmem>>, vector<16xf32>,
          %parallel_loop3A_1257 = arith.addf %parallel_loop3A_1186, %parallel_loop3A_1250 : vector<16xf32>
          %parallel_loop3A_1258 = arith.mulf %parallel_loop3A_1250, %parallel_loop3A_1250 : vector<16xf32>
          %parallel_loop3A_1259 = arith.addf %parallel_loop3A_1187, %parallel_loop3A_1258 : vector<16xf32>
          %parallel_loop3A_1260 = arith.constant 3 : i32
          %parallel_loop3A_1261 = arith.addi %add3A_160, %parallel_loop3A_1260 : i32
          %parallel_loop3A_1262 = arith.index_cast %rem3A_109 : i32 to index
          %parallel_loop3A_1263 = arith.index_cast %parallel_loop3A_1261 : i32 to index
          %parallel_loop3A_1264 = arith.index_cast %parallel_loop3A_1199 : i32 to index
          %parallel_loop3A_1265 = tpu.vector_load %arg11[%parallel_loop3A_1262, %parallel_loop3A_1263, %parallel_loop3A_1264] {strides = array<i32>} : memref<3x32x1024xf32, #tpu.memory_space<vmem>>, vector<16xf32>,
          %parallel_loop3A_1266 = arith.mulf %gather3A_206, %parallel_loop3A_1205 : vector<16xf32>
          %parallel_loop3A_1267 = arith.addf %parallel_loop3A_1203, %parallel_loop3A_1266 : vector<16xf32>
          %parallel_loop3A_1268 = arith.addf %parallel_loop3A_1265, %parallel_loop3A_1267 : vector<16xf32>
          %parallel_loop3A_1269 = arith.constant 3 : i32
          %parallel_loop3A_1270 = arith.addi %add3A_160, %parallel_loop3A_1269 : i32
          %parallel_loop3A_1271 = arith.index_cast %rem3A_109 : i32 to index
          %parallel_loop3A_1272 = arith.index_cast %parallel_loop3A_1270 : i32 to index
          %parallel_loop3A_1273 = arith.index_cast %parallel_loop3A_1199 : i32 to index
          %parallel_loop3A_1274 = tpu.vector_load %arg11[%parallel_loop3A_1271, %parallel_loop3A_1272, %parallel_loop3A_1273] {strides = array<i32>} : memref<3x32x1024xf32, #tpu.memory_space<vmem>>, vector<16xf32>,
          tpu.vector_store %arg11[%parallel_loop3A_1271, %parallel_loop3A_1272, %parallel_loop3A_1273], %parallel_loop3A_1268 {strides = array<i32>} : memref<3x32x1024xf32, #tpu.memory_space<vmem>>, vector<16xf32>,
          %parallel_loop3A_1275 = arith.addf %parallel_loop3A_1188, %parallel_loop3A_1268 : vector<16xf32>
          %parallel_loop3A_1276 = arith.mulf %parallel_loop3A_1268, %parallel_loop3A_1268 : vector<16xf32>
          %parallel_loop3A_1277 = arith.addf %parallel_loop3A_1189, %parallel_loop3A_1276 : vector<16xf32>
          %parallel_loop3A_1278 = arith.constant 4 : i32
          %parallel_loop3A_1279 = arith.addi %add3A_160, %parallel_loop3A_1278 : i32
          %parallel_loop3A_1280 = arith.index_cast %rem3A_109 : i32 to index
          %parallel_loop3A_1281 = arith.index_cast %parallel_loop3A_1279 : i32 to index
          %parallel_loop3A_1282 = arith.index_cast %parallel_loop3A_1199 : i32 to index
          %parallel_loop3A_1283 = tpu.vector_load %arg11[%parallel_loop3A_1280, %parallel_loop3A_1281, %parallel_loop3A_1282] {strides = array<i32>} : memref<3x32x1024xf32, #tpu.memory_space<vmem>>, vector<16xf32>,
          %parallel_loop3A_1284 = arith.mulf %gather3A_218, %parallel_loop3A_1205 : vector<16xf32>
          %parallel_loop3A_1285 = arith.addf %parallel_loop3A_1203, %parallel_loop3A_1284 : vector<16xf32>
          %parallel_loop3A_1286 = arith.addf %parallel_loop3A_1283, %parallel_loop3A_1285 : vector<16xf32>
          %parallel_loop3A_1287 = arith.constant 4 : i32
          %parallel_loop3A_1288 = arith.addi %add3A_160, %parallel_loop3A_1287 : i32
          %parallel_loop3A_1289 = arith.index_cast %rem3A_109 : i32 to index
          %parallel_loop3A_1290 = arith.index_cast %parallel_loop3A_1288 : i32 to index
          %parallel_loop3A_1291 = arith.index_cast %parallel_loop3A_1199 : i32 to index
          %parallel_loop3A_1292 = tpu.vector_load %arg11[%parallel_loop3A_1289, %parallel_loop3A_1290, %parallel_loop3A_1291] {strides = array<i32>} : memref<3x32x1024xf32, #tpu.memory_space<vmem>>, vector<16xf32>,
          tpu.vector_store %arg11[%parallel_loop3A_1289, %parallel_loop3A_1290, %parallel_loop3A_1291], %parallel_loop3A_1286 {strides = array<i32>} : memref<3x32x1024xf32, #tpu.memory_space<vmem>>, vector<16xf32>,
          %parallel_loop3A_1293 = arith.addf %parallel_loop3A_1190, %parallel_loop3A_1286 : vector<16xf32>
          %parallel_loop3A_1294 = arith.mulf %parallel_loop3A_1286, %parallel_loop3A_1286 : vector<16xf32>
          %parallel_loop3A_1295 = arith.addf %parallel_loop3A_1191, %parallel_loop3A_1294 : vector<16xf32>
          %parallel_loop3A_1296 = arith.constant 5 : i32
          %parallel_loop3A_1297 = arith.addi %add3A_160, %parallel_loop3A_1296 : i32
          %parallel_loop3A_1298 = arith.index_cast %rem3A_109 : i32 to index
          %parallel_loop3A_1299 = arith.index_cast %parallel_loop3A_1297 : i32 to index
          %parallel_loop3A_1300 = arith.index_cast %parallel_loop3A_1199 : i32 to index
          %parallel_loop3A_1301 = tpu.vector_load %arg11[%parallel_loop3A_1298, %parallel_loop3A_1299, %parallel_loop3A_1300] {strides = array<i32>} : memref<3x32x1024xf32, #tpu.memory_space<vmem>>, vector<16xf32>,
          %parallel_loop3A_1302 = arith.mulf %gather3A_230, %parallel_loop3A_1205 : vector<16xf32>
          %parallel_loop3A_1303 = arith.addf %parallel_loop3A_1203, %parallel_loop3A_1302 : vector<16xf32>
          %parallel_loop3A_1304 = arith.addf %parallel_loop3A_1301, %parallel_loop3A_1303 : vector<16xf32>
          %parallel_loop3A_1305 = arith.constant 5 : i32
          %parallel_loop3A_1306 = arith.addi %add3A_160, %parallel_loop3A_1305 : i32
          %parallel_loop3A_1307 = arith.index_cast %rem3A_109 : i32 to index
          %parallel_loop3A_1308 = arith.index_cast %parallel_loop3A_1306 : i32 to index
          %parallel_loop3A_1309 = arith.index_cast %parallel_loop3A_1199 : i32 to index
          %parallel_loop3A_1310 = tpu.vector_load %arg11[%parallel_loop3A_1307, %parallel_loop3A_1308, %parallel_loop3A_1309] {strides = array<i32>} : memref<3x32x1024xf32, #tpu.memory_space<vmem>>, vector<16xf32>,
          tpu.vector_store %arg11[%parallel_loop3A_1307, %parallel_loop3A_1308, %parallel_loop3A_1309], %parallel_loop3A_1304 {strides = array<i32>} : memref<3x32x1024xf32, #tpu.memory_space<vmem>>, vector<16xf32>,
          %parallel_loop3A_1311 = arith.addf %parallel_loop3A_1192, %parallel_loop3A_1304 : vector<16xf32>
          %parallel_loop3A_1312 = arith.mulf %parallel_loop3A_1304, %parallel_loop3A_1304 : vector<16xf32>
          %parallel_loop3A_1313 = arith.addf %parallel_loop3A_1193, %parallel_loop3A_1312 : vector<16xf32>
          %parallel_loop3A_1314 = arith.constant 6 : i32
          %parallel_loop3A_1315 = arith.addi %add3A_160, %parallel_loop3A_1314 : i32
          %parallel_loop3A_1316 = arith.index_cast %rem3A_109 : i32 to index
          %parallel_loop3A_1317 = arith.index_cast %parallel_loop3A_1315 : i32 to index
          %parallel_loop3A_1318 = arith.index_cast %parallel_loop3A_1199 : i32 to index
          %parallel_loop3A_1319 = tpu.vector_load %arg11[%parallel_loop3A_1316, %parallel_loop3A_1317, %parallel_loop3A_1318] {strides = array<i32>} : memref<3x32x1024xf32, #tpu.memory_space<vmem>>, vector<16xf32>,
          %parallel_loop3A_1320 = arith.mulf %gather3A_242, %parallel_loop3A_1205 : vector<16xf32>
          %parallel_loop3A_1321 = arith.addf %parallel_loop3A_1203, %parallel_loop3A_1320 : vector<16xf32>
          %parallel_loop3A_1322 = arith.addf %parallel_loop3A_1319, %parallel_loop3A_1321 : vector<16xf32>
          %parallel_loop3A_1323 = arith.constant 6 : i32
          %parallel_loop3A_1324 = arith.addi %add3A_160, %parallel_loop3A_1323 : i32
          %parallel_loop3A_1325 = arith.index_cast %rem3A_109 : i32 to index
          %parallel_loop3A_1326 = arith.index_cast %parallel_loop3A_1324 : i32 to index
          %parallel_loop3A_1327 = arith.index_cast %parallel_loop3A_1199 : i32 to index
          %parallel_loop3A_1328 = tpu.vector_load %arg11[%parallel_loop3A_1325, %parallel_loop3A_1326, %parallel_loop3A_1327] {strides = array<i32>} : memref<3x32x1024xf32, #tpu.memory_space<vmem>>, vector<16xf32>,
          tpu.vector_store %arg11[%parallel_loop3A_1325, %parallel_loop3A_1326, %parallel_loop3A_1327], %parallel_loop3A_1322 {strides = array<i32>} : memref<3x32x1024xf32, #tpu.memory_space<vmem>>, vector<16xf32>,
          %parallel_loop3A_1329 = arith.addf %parallel_loop3A_1194, %parallel_loop3A_1322 : vector<16xf32>
          %parallel_loop3A_1330 = arith.mulf %parallel_loop3A_1322, %parallel_loop3A_1322 : vector<16xf32>
          %parallel_loop3A_1331 = arith.addf %parallel_loop3A_1195, %parallel_loop3A_1330 : vector<16xf32>
          %parallel_loop3A_1332 = arith.constant 7 : i32
          %parallel_loop3A_1333 = arith.addi %add3A_160, %parallel_loop3A_1332 : i32
          %parallel_loop3A_1334 = arith.index_cast %rem3A_109 : i32 to index
          %parallel_loop3A_1335 = arith.index_cast %parallel_loop3A_1333 : i32 to index
          %parallel_loop3A_1336 = arith.index_cast %parallel_loop3A_1199 : i32 to index
          %parallel_loop3A_1337 = tpu.vector_load %arg11[%parallel_loop3A_1334, %parallel_loop3A_1335, %parallel_loop3A_1336] {strides = array<i32>} : memref<3x32x1024xf32, #tpu.memory_space<vmem>>, vector<16xf32>,
          %parallel_loop3A_1338 = arith.mulf %gather3A_254, %parallel_loop3A_1205 : vector<16xf32>
          %parallel_loop3A_1339 = arith.addf %parallel_loop3A_1203, %parallel_loop3A_1338 : vector<16xf32>
          %parallel_loop3A_1340 = arith.addf %parallel_loop3A_1337, %parallel_loop3A_1339 : vector<16xf32>
          %parallel_loop3A_1341 = arith.constant 7 : i32
          %parallel_loop3A_1342 = arith.addi %add3A_160, %parallel_loop3A_1341 : i32
          %parallel_loop3A_1343 = arith.index_cast %rem3A_109 : i32 to index
          %parallel_loop3A_1344 = arith.index_cast %parallel_loop3A_1342 : i32 to index
          %parallel_loop3A_1345 = arith.index_cast %parallel_loop3A_1199 : i32 to index
          %parallel_loop3A_1346 = tpu.vector_load %arg11[%parallel_loop3A_1343, %parallel_loop3A_1344, %parallel_loop3A_1345] {strides = array<i32>} : memref<3x32x1024xf32, #tpu.memory_space<vmem>>, vector<16xf32>,
          tpu.vector_store %arg11[%parallel_loop3A_1343, %parallel_loop3A_1344, %parallel_loop3A_1345], %parallel_loop3A_1340 {strides = array<i32>} : memref<3x32x1024xf32, #tpu.memory_space<vmem>>, vector<16xf32>,
          %parallel_loop3A_1347 = arith.addf %parallel_loop3A_1196, %parallel_loop3A_1340 : vector<16xf32>
          %parallel_loop3A_1348 = arith.mulf %parallel_loop3A_1340, %parallel_loop3A_1340 : vector<16xf32>
          %parallel_loop3A_1349 = arith.addf %parallel_loop3A_1197, %parallel_loop3A_1348 : vector<16xf32>
          scf.yield %parallel_loop3A_1221, %parallel_loop3A_1223, %parallel_loop3A_1239, %parallel_loop3A_1241, %parallel_loop3A_1257, %parallel_loop3A_1259, %parallel_loop3A_1275, %parallel_loop3A_1277, %parallel_loop3A_1293, %parallel_loop3A_1295, %parallel_loop3A_1311, %parallel_loop3A_1313, %parallel_loop3A_1329, %parallel_loop3A_1331, %parallel_loop3A_1347, %parallel_loop3A_1349 : vector<16xf32>, vector<16xf32>, vector<16xf32>, vector<16xf32>, vector<16xf32>, vector<16xf32>, vector<16xf32>, vector<16xf32>, vector<16xf32>, vector<16xf32>, vector<16xf32>, vector<16xf32>, vector<16xf32>, vector<16xf32>, vector<16xf32>, vector<16xf32>
        } {sc.loop_unroll_factor = 2 : i64, sc.parallel_access}
        %reduce_sum3A = arith.constant true
        %reduce_sum3A_258 = vector.broadcast %reduce_sum3A : i1 to vector<16xi1>
        %reduce_sum3A_259 = tpu.scan <sum>, %parallel_loop3A_257#0 masked %reduce_sum3A_258 : vector<16xf32>, vector<16xi1> -> vector<16xf32>
        %reduce_sum3A_260 = vector.extract %reduce_sum3A_259[15] : f32 from vector<16xf32>
        %mul3A_261 = arith.mulf %reduce_sum3A_260, %scan3A_46 : f32
        %reduce_sum3A_262 = arith.constant true
        %reduce_sum3A_263 = vector.broadcast %reduce_sum3A_262 : i1 to vector<16xi1>
        %reduce_sum3A_264 = tpu.scan <sum>, %parallel_loop3A_257#1 masked %reduce_sum3A_263 : vector<16xf32>, vector<16xi1> -> vector<16xf32>
        %reduce_sum3A_265 = vector.extract %reduce_sum3A_264[15] : f32 from vector<16xf32>
        %mul3A_266 = arith.mulf %reduce_sum3A_265, %scan3A_46 : f32
        %mul3A_267 = arith.mulf %mul3A_261, %mul3A_261 : f32
        %sub3A = arith.subf %mul3A_266, %mul3A_267 : f32
        %broadcast_in_dim3A_268 = vector.broadcast %mul3A_261 : f32 to vector<16xf32>
        %add3A_269 = arith.constant 9.99999996E-13 : f32
        %add3A_270 = arith.addf %sub3A, %add3A_269 : f32
        %broadcast_in_dim3A_271 = vector.broadcast %add3A_270 : f32 to vector<16xf32>
        %bitcast_convert_type3A = tpu.bitcast %broadcast_in_dim3A_271 : vector<16xf32> -> vector<16xi32>
        %shift_right_arithmetic3A = arith.constant 1 : i32
        %shift_right_arithmetic3A_272 = vector.broadcast %shift_right_arithmetic3A : i32 to vector<16xi32>
        %shift_right_arithmetic3A_273 = arith.shrsi %bitcast_convert_type3A, %shift_right_arithmetic3A_272 : vector<16xi32>
        %sub3A_274 = arith.constant 1597463007 : i32
        %sub3A_275 = vector.broadcast %sub3A_274 : i32 to vector<16xi32>
        %sub3A_276 = arith.subi %sub3A_275, %shift_right_arithmetic3A_273 : vector<16xi32>
        %bitcast_convert_type3A_277 = tpu.bitcast %sub3A_276 : vector<16xi32> -> vector<16xf32>
        %mul3A_278 = arith.constant 5.000000e-01 : f32
        %mul3A_279 = vector.broadcast %mul3A_278 : f32 to vector<16xf32>
        %mul3A_280 = arith.mulf %mul3A_279, %broadcast_in_dim3A_271 : vector<16xf32>
        %mul3A_281 = arith.mulf %mul3A_280, %bitcast_convert_type3A_277 : vector<16xf32>
        %mul3A_282 = arith.mulf %mul3A_281, %bitcast_convert_type3A_277 : vector<16xf32>
        %sub3A_283 = arith.constant 1.500000e+00 : f32
        %sub3A_284 = vector.broadcast %sub3A_283 : f32 to vector<16xf32>
        %sub3A_285 = arith.subf %sub3A_284, %mul3A_282 : vector<16xf32>
        %mul3A_286 = arith.mulf %bitcast_convert_type3A_277, %sub3A_285 : vector<16xf32>
        %mul3A_287 = arith.constant 5.000000e-01 : f32
        %mul3A_288 = vector.broadcast %mul3A_287 : f32 to vector<16xf32>
        %mul3A_289 = arith.mulf %mul3A_288, %broadcast_in_dim3A_271 : vector<16xf32>
        %mul3A_290 = arith.mulf %mul3A_289, %mul3A_286 : vector<16xf32>
        %mul3A_291 = arith.mulf %mul3A_290, %mul3A_286 : vector<16xf32>
        %sub3A_292 = arith.constant 1.500000e+00 : f32
        %sub3A_293 = vector.broadcast %sub3A_292 : f32 to vector<16xf32>
        %sub3A_294 = arith.subf %sub3A_293, %mul3A_291 : vector<16xf32>
        %mul3A_295 = arith.mulf %mul3A_286, %sub3A_294 : vector<16xf32>
        %mul3A_296 = arith.constant 5.000000e-01 : f32
        %mul3A_297 = vector.broadcast %mul3A_296 : f32 to vector<16xf32>
        %mul3A_298 = arith.mulf %mul3A_297, %broadcast_in_dim3A_271 : vector<16xf32>
        %mul3A_299 = arith.mulf %mul3A_298, %mul3A_295 : vector<16xf32>
        %mul3A_300 = arith.mulf %mul3A_299, %mul3A_295 : vector<16xf32>
        %sub3A_301 = arith.constant 1.500000e+00 : f32
        %sub3A_302 = vector.broadcast %sub3A_301 : f32 to vector<16xf32>
        %sub3A_303 = arith.subf %sub3A_302, %mul3A_300 : vector<16xf32>
        %mul3A_304 = arith.mulf %mul3A_295, %sub3A_303 : vector<16xf32>
        %reduce_sum3A_305 = arith.constant true
        %reduce_sum3A_306 = vector.broadcast %reduce_sum3A_305 : i1 to vector<16xi1>
        %reduce_sum3A_307 = tpu.scan <sum>, %parallel_loop3A_257#2 masked %reduce_sum3A_306 : vector<16xf32>, vector<16xi1> -> vector<16xf32>
        %reduce_sum3A_308 = vector.extract %reduce_sum3A_307[15] : f32 from vector<16xf32>
        %mul3A_309 = arith.mulf %reduce_sum3A_308, %scan3A_46 : f32
        %reduce_sum3A_310 = arith.constant true
        %reduce_sum3A_311 = vector.broadcast %reduce_sum3A_310 : i1 to vector<16xi1>
        %reduce_sum3A_312 = tpu.scan <sum>, %parallel_loop3A_257#3 masked %reduce_sum3A_311 : vector<16xf32>, vector<16xi1> -> vector<16xf32>
        %reduce_sum3A_313 = vector.extract %reduce_sum3A_312[15] : f32 from vector<16xf32>
        %mul3A_314 = arith.mulf %reduce_sum3A_313, %scan3A_46 : f32
        %mul3A_315 = arith.mulf %mul3A_309, %mul3A_309 : f32
        %sub3A_316 = arith.subf %mul3A_314, %mul3A_315 : f32
        %broadcast_in_dim3A_317 = vector.broadcast %mul3A_309 : f32 to vector<16xf32>
        %add3A_318 = arith.constant 9.99999996E-13 : f32
        %add3A_319 = arith.addf %sub3A_316, %add3A_318 : f32
        %broadcast_in_dim3A_320 = vector.broadcast %add3A_319 : f32 to vector<16xf32>
        %bitcast_convert_type3A_321 = tpu.bitcast %broadcast_in_dim3A_320 : vector<16xf32> -> vector<16xi32>
        %shift_right_arithmetic3A_322 = arith.constant 1 : i32
        %shift_right_arithmetic3A_323 = vector.broadcast %shift_right_arithmetic3A_322 : i32 to vector<16xi32>
        %shift_right_arithmetic3A_324 = arith.shrsi %bitcast_convert_type3A_321, %shift_right_arithmetic3A_323 : vector<16xi32>
        %sub3A_325 = arith.constant 1597463007 : i32
        %sub3A_326 = vector.broadcast %sub3A_325 : i32 to vector<16xi32>
        %sub3A_327 = arith.subi %sub3A_326, %shift_right_arithmetic3A_324 : vector<16xi32>
        %bitcast_convert_type3A_328 = tpu.bitcast %sub3A_327 : vector<16xi32> -> vector<16xf32>
        %mul3A_329 = arith.constant 5.000000e-01 : f32
        %mul3A_330 = vector.broadcast %mul3A_329 : f32 to vector<16xf32>
        %mul3A_331 = arith.mulf %mul3A_330, %broadcast_in_dim3A_320 : vector<16xf32>
        %mul3A_332 = arith.mulf %mul3A_331, %bitcast_convert_type3A_328 : vector<16xf32>
        %mul3A_333 = arith.mulf %mul3A_332, %bitcast_convert_type3A_328 : vector<16xf32>
        %sub3A_334 = arith.constant 1.500000e+00 : f32
        %sub3A_335 = vector.broadcast %sub3A_334 : f32 to vector<16xf32>
        %sub3A_336 = arith.subf %sub3A_335, %mul3A_333 : vector<16xf32>
        %mul3A_337 = arith.mulf %bitcast_convert_type3A_328, %sub3A_336 : vector<16xf32>
        %mul3A_338 = arith.constant 5.000000e-01 : f32
        %mul3A_339 = vector.broadcast %mul3A_338 : f32 to vector<16xf32>
        %mul3A_340 = arith.mulf %mul3A_339, %broadcast_in_dim3A_320 : vector<16xf32>
        %mul3A_341 = arith.mulf %mul3A_340, %mul3A_337 : vector<16xf32>
        %mul3A_342 = arith.mulf %mul3A_341, %mul3A_337 : vector<16xf32>
        %sub3A_343 = arith.constant 1.500000e+00 : f32
        %sub3A_344 = vector.broadcast %sub3A_343 : f32 to vector<16xf32>
        %sub3A_345 = arith.subf %sub3A_344, %mul3A_342 : vector<16xf32>
        %mul3A_346 = arith.mulf %mul3A_337, %sub3A_345 : vector<16xf32>
        %mul3A_347 = arith.constant 5.000000e-01 : f32
        %mul3A_348 = vector.broadcast %mul3A_347 : f32 to vector<16xf32>
        %mul3A_349 = arith.mulf %mul3A_348, %broadcast_in_dim3A_320 : vector<16xf32>
        %mul3A_350 = arith.mulf %mul3A_349, %mul3A_346 : vector<16xf32>
        %mul3A_351 = arith.mulf %mul3A_350, %mul3A_346 : vector<16xf32>
        %sub3A_352 = arith.constant 1.500000e+00 : f32
        %sub3A_353 = vector.broadcast %sub3A_352 : f32 to vector<16xf32>
        %sub3A_354 = arith.subf %sub3A_353, %mul3A_351 : vector<16xf32>
        %mul3A_355 = arith.mulf %mul3A_346, %sub3A_354 : vector<16xf32>
        %reduce_sum3A_356 = arith.constant true
        %reduce_sum3A_357 = vector.broadcast %reduce_sum3A_356 : i1 to vector<16xi1>
        %reduce_sum3A_358 = tpu.scan <sum>, %parallel_loop3A_257#4 masked %reduce_sum3A_357 : vector<16xf32>, vector<16xi1> -> vector<16xf32>
        %reduce_sum3A_359 = vector.extract %reduce_sum3A_358[15] : f32 from vector<16xf32>
        %mul3A_360 = arith.mulf %reduce_sum3A_359, %scan3A_46 : f32
        %reduce_sum3A_361 = arith.constant true
        %reduce_sum3A_362 = vector.broadcast %reduce_sum3A_361 : i1 to vector<16xi1>
        %reduce_sum3A_363 = tpu.scan <sum>, %parallel_loop3A_257#5 masked %reduce_sum3A_362 : vector<16xf32>, vector<16xi1> -> vector<16xf32>
        %reduce_sum3A_364 = vector.extract %reduce_sum3A_363[15] : f32 from vector<16xf32>
        %mul3A_365 = arith.mulf %reduce_sum3A_364, %scan3A_46 : f32
        %mul3A_366 = arith.mulf %mul3A_360, %mul3A_360 : f32
        %sub3A_367 = arith.subf %mul3A_365, %mul3A_366 : f32
        %broadcast_in_dim3A_368 = vector.broadcast %mul3A_360 : f32 to vector<16xf32>
        %add3A_369 = arith.constant 9.99999996E-13 : f32
        %add3A_370 = arith.addf %sub3A_367, %add3A_369 : f32
        %broadcast_in_dim3A_371 = vector.broadcast %add3A_370 : f32 to vector<16xf32>
        %bitcast_convert_type3A_372 = tpu.bitcast %broadcast_in_dim3A_371 : vector<16xf32> -> vector<16xi32>
        %shift_right_arithmetic3A_373 = arith.constant 1 : i32
        %shift_right_arithmetic3A_374 = vector.broadcast %shift_right_arithmetic3A_373 : i32 to vector<16xi32>
        %shift_right_arithmetic3A_375 = arith.shrsi %bitcast_convert_type3A_372, %shift_right_arithmetic3A_374 : vector<16xi32>
        %sub3A_376 = arith.constant 1597463007 : i32
        %sub3A_377 = vector.broadcast %sub3A_376 : i32 to vector<16xi32>
        %sub3A_378 = arith.subi %sub3A_377, %shift_right_arithmetic3A_375 : vector<16xi32>
        %bitcast_convert_type3A_379 = tpu.bitcast %sub3A_378 : vector<16xi32> -> vector<16xf32>
        %mul3A_380 = arith.constant 5.000000e-01 : f32
        %mul3A_381 = vector.broadcast %mul3A_380 : f32 to vector<16xf32>
        %mul3A_382 = arith.mulf %mul3A_381, %broadcast_in_dim3A_371 : vector<16xf32>
        %mul3A_383 = arith.mulf %mul3A_382, %bitcast_convert_type3A_379 : vector<16xf32>
        %mul3A_384 = arith.mulf %mul3A_383, %bitcast_convert_type3A_379 : vector<16xf32>
        %sub3A_385 = arith.constant 1.500000e+00 : f32
        %sub3A_386 = vector.broadcast %sub3A_385 : f32 to vector<16xf32>
        %sub3A_387 = arith.subf %sub3A_386, %mul3A_384 : vector<16xf32>
        %mul3A_388 = arith.mulf %bitcast_convert_type3A_379, %sub3A_387 : vector<16xf32>
        %mul3A_389 = arith.constant 5.000000e-01 : f32
        %mul3A_390 = vector.broadcast %mul3A_389 : f32 to vector<16xf32>
        %mul3A_391 = arith.mulf %mul3A_390, %broadcast_in_dim3A_371 : vector<16xf32>
        %mul3A_392 = arith.mulf %mul3A_391, %mul3A_388 : vector<16xf32>
        %mul3A_393 = arith.mulf %mul3A_392, %mul3A_388 : vector<16xf32>
        %sub3A_394 = arith.constant 1.500000e+00 : f32
        %sub3A_395 = vector.broadcast %sub3A_394 : f32 to vector<16xf32>
        %sub3A_396 = arith.subf %sub3A_395, %mul3A_393 : vector<16xf32>
        %mul3A_397 = arith.mulf %mul3A_388, %sub3A_396 : vector<16xf32>
        %mul3A_398 = arith.constant 5.000000e-01 : f32
        %mul3A_399 = vector.broadcast %mul3A_398 : f32 to vector<16xf32>
        %mul3A_400 = arith.mulf %mul3A_399, %broadcast_in_dim3A_371 : vector<16xf32>
        %mul3A_401 = arith.mulf %mul3A_400, %mul3A_397 : vector<16xf32>
        %mul3A_402 = arith.mulf %mul3A_401, %mul3A_397 : vector<16xf32>
        %sub3A_403 = arith.constant 1.500000e+00 : f32
        %sub3A_404 = vector.broadcast %sub3A_403 : f32 to vector<16xf32>
        %sub3A_405 = arith.subf %sub3A_404, %mul3A_402 : vector<16xf32>
        %mul3A_406 = arith.mulf %mul3A_397, %sub3A_405 : vector<16xf32>
        %reduce_sum3A_407 = arith.constant true
        %reduce_sum3A_408 = vector.broadcast %reduce_sum3A_407 : i1 to vector<16xi1>
        %reduce_sum3A_409 = tpu.scan <sum>, %parallel_loop3A_257#6 masked %reduce_sum3A_408 : vector<16xf32>, vector<16xi1> -> vector<16xf32>
        %reduce_sum3A_410 = vector.extract %reduce_sum3A_409[15] : f32 from vector<16xf32>
        %mul3A_411 = arith.mulf %reduce_sum3A_410, %scan3A_46 : f32
        %reduce_sum3A_412 = arith.constant true
        %reduce_sum3A_413 = vector.broadcast %reduce_sum3A_412 : i1 to vector<16xi1>
        %reduce_sum3A_414 = tpu.scan <sum>, %parallel_loop3A_257#7 masked %reduce_sum3A_413 : vector<16xf32>, vector<16xi1> -> vector<16xf32>
        %reduce_sum3A_415 = vector.extract %reduce_sum3A_414[15] : f32 from vector<16xf32>
        %mul3A_416 = arith.mulf %reduce_sum3A_415, %scan3A_46 : f32
        %mul3A_417 = arith.mulf %mul3A_411, %mul3A_411 : f32
        %sub3A_418 = arith.subf %mul3A_416, %mul3A_417 : f32
        %broadcast_in_dim3A_419 = vector.broadcast %mul3A_411 : f32 to vector<16xf32>
        %add3A_420 = arith.constant 9.99999996E-13 : f32
        %add3A_421 = arith.addf %sub3A_418, %add3A_420 : f32
        %broadcast_in_dim3A_422 = vector.broadcast %add3A_421 : f32 to vector<16xf32>
        %bitcast_convert_type3A_423 = tpu.bitcast %broadcast_in_dim3A_422 : vector<16xf32> -> vector<16xi32>
        %shift_right_arithmetic3A_424 = arith.constant 1 : i32
        %shift_right_arithmetic3A_425 = vector.broadcast %shift_right_arithmetic3A_424 : i32 to vector<16xi32>
        %shift_right_arithmetic3A_426 = arith.shrsi %bitcast_convert_type3A_423, %shift_right_arithmetic3A_425 : vector<16xi32>
        %sub3A_427 = arith.constant 1597463007 : i32
        %sub3A_428 = vector.broadcast %sub3A_427 : i32 to vector<16xi32>
        %sub3A_429 = arith.subi %sub3A_428, %shift_right_arithmetic3A_426 : vector<16xi32>
        %bitcast_convert_type3A_430 = tpu.bitcast %sub3A_429 : vector<16xi32> -> vector<16xf32>
        %mul3A_431 = arith.constant 5.000000e-01 : f32
        %mul3A_432 = vector.broadcast %mul3A_431 : f32 to vector<16xf32>
        %mul3A_433 = arith.mulf %mul3A_432, %broadcast_in_dim3A_422 : vector<16xf32>
        %mul3A_434 = arith.mulf %mul3A_433, %bitcast_convert_type3A_430 : vector<16xf32>
        %mul3A_435 = arith.mulf %mul3A_434, %bitcast_convert_type3A_430 : vector<16xf32>
        %sub3A_436 = arith.constant 1.500000e+00 : f32
        %sub3A_437 = vector.broadcast %sub3A_436 : f32 to vector<16xf32>
        %sub3A_438 = arith.subf %sub3A_437, %mul3A_435 : vector<16xf32>
        %mul3A_439 = arith.mulf %bitcast_convert_type3A_430, %sub3A_438 : vector<16xf32>
        %mul3A_440 = arith.constant 5.000000e-01 : f32
        %mul3A_441 = vector.broadcast %mul3A_440 : f32 to vector<16xf32>
        %mul3A_442 = arith.mulf %mul3A_441, %broadcast_in_dim3A_422 : vector<16xf32>
        %mul3A_443 = arith.mulf %mul3A_442, %mul3A_439 : vector<16xf32>
        %mul3A_444 = arith.mulf %mul3A_443, %mul3A_439 : vector<16xf32>
        %sub3A_445 = arith.constant 1.500000e+00 : f32
        %sub3A_446 = vector.broadcast %sub3A_445 : f32 to vector<16xf32>
        %sub3A_447 = arith.subf %sub3A_446, %mul3A_444 : vector<16xf32>
        %mul3A_448 = arith.mulf %mul3A_439, %sub3A_447 : vector<16xf32>
        %mul3A_449 = arith.constant 5.000000e-01 : f32
        %mul3A_450 = vector.broadcast %mul3A_449 : f32 to vector<16xf32>
        %mul3A_451 = arith.mulf %mul3A_450, %broadcast_in_dim3A_422 : vector<16xf32>
        %mul3A_452 = arith.mulf %mul3A_451, %mul3A_448 : vector<16xf32>
        %mul3A_453 = arith.mulf %mul3A_452, %mul3A_448 : vector<16xf32>
        %sub3A_454 = arith.constant 1.500000e+00 : f32
        %sub3A_455 = vector.broadcast %sub3A_454 : f32 to vector<16xf32>
        %sub3A_456 = arith.subf %sub3A_455, %mul3A_453 : vector<16xf32>
        %mul3A_457 = arith.mulf %mul3A_448, %sub3A_456 : vector<16xf32>
        %reduce_sum3A_458 = arith.constant true
        %reduce_sum3A_459 = vector.broadcast %reduce_sum3A_458 : i1 to vector<16xi1>
        %reduce_sum3A_460 = tpu.scan <sum>, %parallel_loop3A_257#8 masked %reduce_sum3A_459 : vector<16xf32>, vector<16xi1> -> vector<16xf32>
        %reduce_sum3A_461 = vector.extract %reduce_sum3A_460[15] : f32 from vector<16xf32>
        %mul3A_462 = arith.mulf %reduce_sum3A_461, %scan3A_46 : f32
        %reduce_sum3A_463 = arith.constant true
        %reduce_sum3A_464 = vector.broadcast %reduce_sum3A_463 : i1 to vector<16xi1>
        %reduce_sum3A_465 = tpu.scan <sum>, %parallel_loop3A_257#9 masked %reduce_sum3A_464 : vector<16xf32>, vector<16xi1> -> vector<16xf32>
        %reduce_sum3A_466 = vector.extract %reduce_sum3A_465[15] : f32 from vector<16xf32>
        %mul3A_467 = arith.mulf %reduce_sum3A_466, %scan3A_46 : f32
        %mul3A_468 = arith.mulf %mul3A_462, %mul3A_462 : f32
        %sub3A_469 = arith.subf %mul3A_467, %mul3A_468 : f32
        %broadcast_in_dim3A_470 = vector.broadcast %mul3A_462 : f32 to vector<16xf32>
        %add3A_471 = arith.constant 9.99999996E-13 : f32
        %add3A_472 = arith.addf %sub3A_469, %add3A_471 : f32
        %broadcast_in_dim3A_473 = vector.broadcast %add3A_472 : f32 to vector<16xf32>
        %bitcast_convert_type3A_474 = tpu.bitcast %broadcast_in_dim3A_473 : vector<16xf32> -> vector<16xi32>
        %shift_right_arithmetic3A_475 = arith.constant 1 : i32
        %shift_right_arithmetic3A_476 = vector.broadcast %shift_right_arithmetic3A_475 : i32 to vector<16xi32>
        %shift_right_arithmetic3A_477 = arith.shrsi %bitcast_convert_type3A_474, %shift_right_arithmetic3A_476 : vector<16xi32>
        %sub3A_478 = arith.constant 1597463007 : i32
        %sub3A_479 = vector.broadcast %sub3A_478 : i32 to vector<16xi32>
        %sub3A_480 = arith.subi %sub3A_479, %shift_right_arithmetic3A_477 : vector<16xi32>
        %bitcast_convert_type3A_481 = tpu.bitcast %sub3A_480 : vector<16xi32> -> vector<16xf32>
        %mul3A_482 = arith.constant 5.000000e-01 : f32
        %mul3A_483 = vector.broadcast %mul3A_482 : f32 to vector<16xf32>
        %mul3A_484 = arith.mulf %mul3A_483, %broadcast_in_dim3A_473 : vector<16xf32>
        %mul3A_485 = arith.mulf %mul3A_484, %bitcast_convert_type3A_481 : vector<16xf32>
        %mul3A_486 = arith.mulf %mul3A_485, %bitcast_convert_type3A_481 : vector<16xf32>
        %sub3A_487 = arith.constant 1.500000e+00 : f32
        %sub3A_488 = vector.broadcast %sub3A_487 : f32 to vector<16xf32>
        %sub3A_489 = arith.subf %sub3A_488, %mul3A_486 : vector<16xf32>
        %mul3A_490 = arith.mulf %bitcast_convert_type3A_481, %sub3A_489 : vector<16xf32>
        %mul3A_491 = arith.constant 5.000000e-01 : f32
        %mul3A_492 = vector.broadcast %mul3A_491 : f32 to vector<16xf32>
        %mul3A_493 = arith.mulf %mul3A_492, %broadcast_in_dim3A_473 : vector<16xf32>
        %mul3A_494 = arith.mulf %mul3A_493, %mul3A_490 : vector<16xf32>
        %mul3A_495 = arith.mulf %mul3A_494, %mul3A_490 : vector<16xf32>
        %sub3A_496 = arith.constant 1.500000e+00 : f32
        %sub3A_497 = vector.broadcast %sub3A_496 : f32 to vector<16xf32>
        %sub3A_498 = arith.subf %sub3A_497, %mul3A_495 : vector<16xf32>
        %mul3A_499 = arith.mulf %mul3A_490, %sub3A_498 : vector<16xf32>
        %mul3A_500 = arith.constant 5.000000e-01 : f32
        %mul3A_501 = vector.broadcast %mul3A_500 : f32 to vector<16xf32>
        %mul3A_502 = arith.mulf %mul3A_501, %broadcast_in_dim3A_473 : vector<16xf32>
        %mul3A_503 = arith.mulf %mul3A_502, %mul3A_499 : vector<16xf32>
        %mul3A_504 = arith.mulf %mul3A_503, %mul3A_499 : vector<16xf32>
        %sub3A_505 = arith.constant 1.500000e+00 : f32
        %sub3A_506 = vector.broadcast %sub3A_505 : f32 to vector<16xf32>
        %sub3A_507 = arith.subf %sub3A_506, %mul3A_504 : vector<16xf32>
        %mul3A_508 = arith.mulf %mul3A_499, %sub3A_507 : vector<16xf32>
        %reduce_sum3A_509 = arith.constant true
        %reduce_sum3A_510 = vector.broadcast %reduce_sum3A_509 : i1 to vector<16xi1>
        %reduce_sum3A_511 = tpu.scan <sum>, %parallel_loop3A_257#10 masked %reduce_sum3A_510 : vector<16xf32>, vector<16xi1> -> vector<16xf32>
        %reduce_sum3A_512 = vector.extract %reduce_sum3A_511[15] : f32 from vector<16xf32>
        %mul3A_513 = arith.mulf %reduce_sum3A_512, %scan3A_46 : f32
        %reduce_sum3A_514 = arith.constant true
        %reduce_sum3A_515 = vector.broadcast %reduce_sum3A_514 : i1 to vector<16xi1>
        %reduce_sum3A_516 = tpu.scan <sum>, %parallel_loop3A_257#11 masked %reduce_sum3A_515 : vector<16xf32>, vector<16xi1> -> vector<16xf32>
        %reduce_sum3A_517 = vector.extract %reduce_sum3A_516[15] : f32 from vector<16xf32>
        %mul3A_518 = arith.mulf %reduce_sum3A_517, %scan3A_46 : f32
        %mul3A_519 = arith.mulf %mul3A_513, %mul3A_513 : f32
        %sub3A_520 = arith.subf %mul3A_518, %mul3A_519 : f32
        %broadcast_in_dim3A_521 = vector.broadcast %mul3A_513 : f32 to vector<16xf32>
        %add3A_522 = arith.constant 9.99999996E-13 : f32
        %add3A_523 = arith.addf %sub3A_520, %add3A_522 : f32
        %broadcast_in_dim3A_524 = vector.broadcast %add3A_523 : f32 to vector<16xf32>
        %bitcast_convert_type3A_525 = tpu.bitcast %broadcast_in_dim3A_524 : vector<16xf32> -> vector<16xi32>
        %shift_right_arithmetic3A_526 = arith.constant 1 : i32
        %shift_right_arithmetic3A_527 = vector.broadcast %shift_right_arithmetic3A_526 : i32 to vector<16xi32>
        %shift_right_arithmetic3A_528 = arith.shrsi %bitcast_convert_type3A_525, %shift_right_arithmetic3A_527 : vector<16xi32>
        %sub3A_529 = arith.constant 1597463007 : i32
        %sub3A_530 = vector.broadcast %sub3A_529 : i32 to vector<16xi32>
        %sub3A_531 = arith.subi %sub3A_530, %shift_right_arithmetic3A_528 : vector<16xi32>
        %bitcast_convert_type3A_532 = tpu.bitcast %sub3A_531 : vector<16xi32> -> vector<16xf32>
        %mul3A_533 = arith.constant 5.000000e-01 : f32
        %mul3A_534 = vector.broadcast %mul3A_533 : f32 to vector<16xf32>
        %mul3A_535 = arith.mulf %mul3A_534, %broadcast_in_dim3A_524 : vector<16xf32>
        %mul3A_536 = arith.mulf %mul3A_535, %bitcast_convert_type3A_532 : vector<16xf32>
        %mul3A_537 = arith.mulf %mul3A_536, %bitcast_convert_type3A_532 : vector<16xf32>
        %sub3A_538 = arith.constant 1.500000e+00 : f32
        %sub3A_539 = vector.broadcast %sub3A_538 : f32 to vector<16xf32>
        %sub3A_540 = arith.subf %sub3A_539, %mul3A_537 : vector<16xf32>
        %mul3A_541 = arith.mulf %bitcast_convert_type3A_532, %sub3A_540 : vector<16xf32>
        %mul3A_542 = arith.constant 5.000000e-01 : f32
        %mul3A_543 = vector.broadcast %mul3A_542 : f32 to vector<16xf32>
        %mul3A_544 = arith.mulf %mul3A_543, %broadcast_in_dim3A_524 : vector<16xf32>
        %mul3A_545 = arith.mulf %mul3A_544, %mul3A_541 : vector<16xf32>
        %mul3A_546 = arith.mulf %mul3A_545, %mul3A_541 : vector<16xf32>
        %sub3A_547 = arith.constant 1.500000e+00 : f32
        %sub3A_548 = vector.broadcast %sub3A_547 : f32 to vector<16xf32>
        %sub3A_549 = arith.subf %sub3A_548, %mul3A_546 : vector<16xf32>
        %mul3A_550 = arith.mulf %mul3A_541, %sub3A_549 : vector<16xf32>
        %mul3A_551 = arith.constant 5.000000e-01 : f32
        %mul3A_552 = vector.broadcast %mul3A_551 : f32 to vector<16xf32>
        %mul3A_553 = arith.mulf %mul3A_552, %broadcast_in_dim3A_524 : vector<16xf32>
        %mul3A_554 = arith.mulf %mul3A_553, %mul3A_550 : vector<16xf32>
        %mul3A_555 = arith.mulf %mul3A_554, %mul3A_550 : vector<16xf32>
        %sub3A_556 = arith.constant 1.500000e+00 : f32
        %sub3A_557 = vector.broadcast %sub3A_556 : f32 to vector<16xf32>
        %sub3A_558 = arith.subf %sub3A_557, %mul3A_555 : vector<16xf32>
        %mul3A_559 = arith.mulf %mul3A_550, %sub3A_558 : vector<16xf32>
        %reduce_sum3A_560 = arith.constant true
        %reduce_sum3A_561 = vector.broadcast %reduce_sum3A_560 : i1 to vector<16xi1>
        %reduce_sum3A_562 = tpu.scan <sum>, %parallel_loop3A_257#12 masked %reduce_sum3A_561 : vector<16xf32>, vector<16xi1> -> vector<16xf32>
        %reduce_sum3A_563 = vector.extract %reduce_sum3A_562[15] : f32 from vector<16xf32>
        %mul3A_564 = arith.mulf %reduce_sum3A_563, %scan3A_46 : f32
        %reduce_sum3A_565 = arith.constant true
        %reduce_sum3A_566 = vector.broadcast %reduce_sum3A_565 : i1 to vector<16xi1>
        %reduce_sum3A_567 = tpu.scan <sum>, %parallel_loop3A_257#13 masked %reduce_sum3A_566 : vector<16xf32>, vector<16xi1> -> vector<16xf32>
        %reduce_sum3A_568 = vector.extract %reduce_sum3A_567[15] : f32 from vector<16xf32>
        %mul3A_569 = arith.mulf %reduce_sum3A_568, %scan3A_46 : f32
        %mul3A_570 = arith.mulf %mul3A_564, %mul3A_564 : f32
        %sub3A_571 = arith.subf %mul3A_569, %mul3A_570 : f32
        %broadcast_in_dim3A_572 = vector.broadcast %mul3A_564 : f32 to vector<16xf32>
        %add3A_573 = arith.constant 9.99999996E-13 : f32
        %add3A_574 = arith.addf %sub3A_571, %add3A_573 : f32
        %broadcast_in_dim3A_575 = vector.broadcast %add3A_574 : f32 to vector<16xf32>
        %bitcast_convert_type3A_576 = tpu.bitcast %broadcast_in_dim3A_575 : vector<16xf32> -> vector<16xi32>
        %shift_right_arithmetic3A_577 = arith.constant 1 : i32
        %shift_right_arithmetic3A_578 = vector.broadcast %shift_right_arithmetic3A_577 : i32 to vector<16xi32>
        %shift_right_arithmetic3A_579 = arith.shrsi %bitcast_convert_type3A_576, %shift_right_arithmetic3A_578 : vector<16xi32>
        %sub3A_580 = arith.constant 1597463007 : i32
        %sub3A_581 = vector.broadcast %sub3A_580 : i32 to vector<16xi32>
        %sub3A_582 = arith.subi %sub3A_581, %shift_right_arithmetic3A_579 : vector<16xi32>
        %bitcast_convert_type3A_583 = tpu.bitcast %sub3A_582 : vector<16xi32> -> vector<16xf32>
        %mul3A_584 = arith.constant 5.000000e-01 : f32
        %mul3A_585 = vector.broadcast %mul3A_584 : f32 to vector<16xf32>
        %mul3A_586 = arith.mulf %mul3A_585, %broadcast_in_dim3A_575 : vector<16xf32>
        %mul3A_587 = arith.mulf %mul3A_586, %bitcast_convert_type3A_583 : vector<16xf32>
        %mul3A_588 = arith.mulf %mul3A_587, %bitcast_convert_type3A_583 : vector<16xf32>
        %sub3A_589 = arith.constant 1.500000e+00 : f32
        %sub3A_590 = vector.broadcast %sub3A_589 : f32 to vector<16xf32>
        %sub3A_591 = arith.subf %sub3A_590, %mul3A_588 : vector<16xf32>
        %mul3A_592 = arith.mulf %bitcast_convert_type3A_583, %sub3A_591 : vector<16xf32>
        %mul3A_593 = arith.constant 5.000000e-01 : f32
        %mul3A_594 = vector.broadcast %mul3A_593 : f32 to vector<16xf32>
        %mul3A_595 = arith.mulf %mul3A_594, %broadcast_in_dim3A_575 : vector<16xf32>
        %mul3A_596 = arith.mulf %mul3A_595, %mul3A_592 : vector<16xf32>
        %mul3A_597 = arith.mulf %mul3A_596, %mul3A_592 : vector<16xf32>
        %sub3A_598 = arith.constant 1.500000e+00 : f32
        %sub3A_599 = vector.broadcast %sub3A_598 : f32 to vector<16xf32>
        %sub3A_600 = arith.subf %sub3A_599, %mul3A_597 : vector<16xf32>
        %mul3A_601 = arith.mulf %mul3A_592, %sub3A_600 : vector<16xf32>
        %mul3A_602 = arith.constant 5.000000e-01 : f32
        %mul3A_603 = vector.broadcast %mul3A_602 : f32 to vector<16xf32>
        %mul3A_604 = arith.mulf %mul3A_603, %broadcast_in_dim3A_575 : vector<16xf32>
        %mul3A_605 = arith.mulf %mul3A_604, %mul3A_601 : vector<16xf32>
        %mul3A_606 = arith.mulf %mul3A_605, %mul3A_601 : vector<16xf32>
        %sub3A_607 = arith.constant 1.500000e+00 : f32
        %sub3A_608 = vector.broadcast %sub3A_607 : f32 to vector<16xf32>
        %sub3A_609 = arith.subf %sub3A_608, %mul3A_606 : vector<16xf32>
        %mul3A_610 = arith.mulf %mul3A_601, %sub3A_609 : vector<16xf32>
        %reduce_sum3A_611 = arith.constant true
        %reduce_sum3A_612 = vector.broadcast %reduce_sum3A_611 : i1 to vector<16xi1>
        %reduce_sum3A_613 = tpu.scan <sum>, %parallel_loop3A_257#14 masked %reduce_sum3A_612 : vector<16xf32>, vector<16xi1> -> vector<16xf32>
        %reduce_sum3A_614 = vector.extract %reduce_sum3A_613[15] : f32 from vector<16xf32>
        %mul3A_615 = arith.mulf %reduce_sum3A_614, %scan3A_46 : f32
        %reduce_sum3A_616 = arith.constant true
        %reduce_sum3A_617 = vector.broadcast %reduce_sum3A_616 : i1 to vector<16xi1>
        %reduce_sum3A_618 = tpu.scan <sum>, %parallel_loop3A_257#15 masked %reduce_sum3A_617 : vector<16xf32>, vector<16xi1> -> vector<16xf32>
        %reduce_sum3A_619 = vector.extract %reduce_sum3A_618[15] : f32 from vector<16xf32>
        %mul3A_620 = arith.mulf %reduce_sum3A_619, %scan3A_46 : f32
        %mul3A_621 = arith.mulf %mul3A_615, %mul3A_615 : f32
        %sub3A_622 = arith.subf %mul3A_620, %mul3A_621 : f32
        %broadcast_in_dim3A_623 = vector.broadcast %mul3A_615 : f32 to vector<16xf32>
        %add3A_624 = arith.constant 9.99999996E-13 : f32
        %add3A_625 = arith.addf %sub3A_622, %add3A_624 : f32
        %broadcast_in_dim3A_626 = vector.broadcast %add3A_625 : f32 to vector<16xf32>
        %bitcast_convert_type3A_627 = tpu.bitcast %broadcast_in_dim3A_626 : vector<16xf32> -> vector<16xi32>
        %shift_right_arithmetic3A_628 = arith.constant 1 : i32
        %shift_right_arithmetic3A_629 = vector.broadcast %shift_right_arithmetic3A_628 : i32 to vector<16xi32>
        %shift_right_arithmetic3A_630 = arith.shrsi %bitcast_convert_type3A_627, %shift_right_arithmetic3A_629 : vector<16xi32>
        %sub3A_631 = arith.constant 1597463007 : i32
        %sub3A_632 = vector.broadcast %sub3A_631 : i32 to vector<16xi32>
        %sub3A_633 = arith.subi %sub3A_632, %shift_right_arithmetic3A_630 : vector<16xi32>
        %bitcast_convert_type3A_634 = tpu.bitcast %sub3A_633 : vector<16xi32> -> vector<16xf32>
        %mul3A_635 = arith.constant 5.000000e-01 : f32
        %mul3A_636 = vector.broadcast %mul3A_635 : f32 to vector<16xf32>
        %mul3A_637 = arith.mulf %mul3A_636, %broadcast_in_dim3A_626 : vector<16xf32>
        %mul3A_638 = arith.mulf %mul3A_637, %bitcast_convert_type3A_634 : vector<16xf32>
        %mul3A_639 = arith.mulf %mul3A_638, %bitcast_convert_type3A_634 : vector<16xf32>
        %sub3A_640 = arith.constant 1.500000e+00 : f32
        %sub3A_641 = vector.broadcast %sub3A_640 : f32 to vector<16xf32>
        %sub3A_642 = arith.subf %sub3A_641, %mul3A_639 : vector<16xf32>
        %mul3A_643 = arith.mulf %bitcast_convert_type3A_634, %sub3A_642 : vector<16xf32>
        %mul3A_644 = arith.constant 5.000000e-01 : f32
        %mul3A_645 = vector.broadcast %mul3A_644 : f32 to vector<16xf32>
        %mul3A_646 = arith.mulf %mul3A_645, %broadcast_in_dim3A_626 : vector<16xf32>
        %mul3A_647 = arith.mulf %mul3A_646, %mul3A_643 : vector<16xf32>
        %mul3A_648 = arith.mulf %mul3A_647, %mul3A_643 : vector<16xf32>
        %sub3A_649 = arith.constant 1.500000e+00 : f32
        %sub3A_650 = vector.broadcast %sub3A_649 : f32 to vector<16xf32>
        %sub3A_651 = arith.subf %sub3A_650, %mul3A_648 : vector<16xf32>
        %mul3A_652 = arith.mulf %mul3A_643, %sub3A_651 : vector<16xf32>
        %mul3A_653 = arith.constant 5.000000e-01 : f32
        %mul3A_654 = vector.broadcast %mul3A_653 : f32 to vector<16xf32>
        %mul3A_655 = arith.mulf %mul3A_654, %broadcast_in_dim3A_626 : vector<16xf32>
        %mul3A_656 = arith.mulf %mul3A_655, %mul3A_652 : vector<16xf32>
        %mul3A_657 = arith.mulf %mul3A_656, %mul3A_652 : vector<16xf32>
        %sub3A_658 = arith.constant 1.500000e+00 : f32
        %sub3A_659 = vector.broadcast %sub3A_658 : f32 to vector<16xf32>
        %sub3A_660 = arith.subf %sub3A_659, %mul3A_657 : vector<16xf32>
        %mul3A_661 = arith.mulf %mul3A_652, %sub3A_660 : vector<16xf32>
        %parallel_loop3A_662 = arith.constant 0 : i32
        %parallel_loop3A_663 = arith.constant 64 : i32
        %parallel_loop3A_664 = arith.constant 1 : i32
        scf.for %parallel_loop3A_1181 = %parallel_loop3A_662 to %parallel_loop3A_663 step %parallel_loop3A_664  : i32 {
          %parallel_loop3A_1182 = arith.constant 16 : i32
          %parallel_loop3A_1183 = arith.muli %parallel_loop3A_1181, %parallel_loop3A_1182 : i32
          %parallel_loop3A_1184 = arith.index_cast %parallel_loop3A_1183 : i32 to index
          %parallel_loop3A_1185 = tpu.vector_load %arg14[%parallel_loop3A_1184] {strides = array<i32>} : memref<1024xf32, #tpu.memory_space<vmem>>, vector<16xf32>,
          %parallel_loop3A_1186 = arith.index_cast %parallel_loop3A_1183 : i32 to index
          %parallel_loop3A_1187 = tpu.vector_load %arg15[%parallel_loop3A_1186] {strides = array<i32>} : memref<1024xf32, #tpu.memory_space<vmem>>, vector<16xf32>,
          %parallel_loop3A_1188 = arith.constant 0 : i32
          %parallel_loop3A_1189 = arith.addi %add3A_160, %parallel_loop3A_1188 : i32
          %parallel_loop3A_1190 = arith.index_cast %rem3A_109 : i32 to index
          %parallel_loop3A_1191 = arith.index_cast %parallel_loop3A_1189 : i32 to index
          %parallel_loop3A_1192 = arith.index_cast %parallel_loop3A_1183 : i32 to index
          %parallel_loop3A_1193 = tpu.vector_load %arg11[%parallel_loop3A_1190, %parallel_loop3A_1191, %parallel_loop3A_1192] {strides = array<i32>} : memref<3x32x1024xf32, #tpu.memory_space<vmem>>, vector<16xf32>,
          %parallel_loop3A_1194 = arith.subf %parallel_loop3A_1193, %broadcast_in_dim3A_268 : vector<16xf32>
          %parallel_loop3A_1195 = arith.mulf %parallel_loop3A_1194, %mul3A_304 : vector<16xf32>
          %parallel_loop3A_1196 = arith.mulf %parallel_loop3A_1195, %parallel_loop3A_1185 : vector<16xf32>
          %parallel_loop3A_1197 = arith.addf %parallel_loop3A_1196, %parallel_loop3A_1187 : vector<16xf32>
          %parallel_loop3A_1198 = arith.constant 0 : i32
          %parallel_loop3A_1199 = arith.addi %add3A_160, %parallel_loop3A_1198 : i32
          %parallel_loop3A_1200 = arith.index_cast %rem3A_109 : i32 to index
          %parallel_loop3A_1201 = arith.index_cast %parallel_loop3A_1199 : i32 to index
          %parallel_loop3A_1202 = arith.index_cast %parallel_loop3A_1183 : i32 to index
          %parallel_loop3A_1203 = tpu.vector_load %arg11[%parallel_loop3A_1200, %parallel_loop3A_1201, %parallel_loop3A_1202] {strides = array<i32>} : memref<3x32x1024xf32, #tpu.memory_space<vmem>>, vector<16xf32>,
          tpu.vector_store %arg11[%parallel_loop3A_1200, %parallel_loop3A_1201, %parallel_loop3A_1202], %parallel_loop3A_1197 {strides = array<i32>} : memref<3x32x1024xf32, #tpu.memory_space<vmem>>, vector<16xf32>,
          %parallel_loop3A_1204 = arith.constant 1 : i32
          %parallel_loop3A_1205 = arith.addi %add3A_160, %parallel_loop3A_1204 : i32
          %parallel_loop3A_1206 = arith.index_cast %rem3A_109 : i32 to index
          %parallel_loop3A_1207 = arith.index_cast %parallel_loop3A_1205 : i32 to index
          %parallel_loop3A_1208 = arith.index_cast %parallel_loop3A_1183 : i32 to index
          %parallel_loop3A_1209 = tpu.vector_load %arg11[%parallel_loop3A_1206, %parallel_loop3A_1207, %parallel_loop3A_1208] {strides = array<i32>} : memref<3x32x1024xf32, #tpu.memory_space<vmem>>, vector<16xf32>,
          %parallel_loop3A_1210 = arith.subf %parallel_loop3A_1209, %broadcast_in_dim3A_317 : vector<16xf32>
          %parallel_loop3A_1211 = arith.mulf %parallel_loop3A_1210, %mul3A_355 : vector<16xf32>
          %parallel_loop3A_1212 = arith.mulf %parallel_loop3A_1211, %parallel_loop3A_1185 : vector<16xf32>
          %parallel_loop3A_1213 = arith.addf %parallel_loop3A_1212, %parallel_loop3A_1187 : vector<16xf32>
          %parallel_loop3A_1214 = arith.constant 1 : i32
          %parallel_loop3A_1215 = arith.addi %add3A_160, %parallel_loop3A_1214 : i32
          %parallel_loop3A_1216 = arith.index_cast %rem3A_109 : i32 to index
          %parallel_loop3A_1217 = arith.index_cast %parallel_loop3A_1215 : i32 to index
          %parallel_loop3A_1218 = arith.index_cast %parallel_loop3A_1183 : i32 to index
          %parallel_loop3A_1219 = tpu.vector_load %arg11[%parallel_loop3A_1216, %parallel_loop3A_1217, %parallel_loop3A_1218] {strides = array<i32>} : memref<3x32x1024xf32, #tpu.memory_space<vmem>>, vector<16xf32>,
          tpu.vector_store %arg11[%parallel_loop3A_1216, %parallel_loop3A_1217, %parallel_loop3A_1218], %parallel_loop3A_1213 {strides = array<i32>} : memref<3x32x1024xf32, #tpu.memory_space<vmem>>, vector<16xf32>,
          %parallel_loop3A_1220 = arith.constant 2 : i32
          %parallel_loop3A_1221 = arith.addi %add3A_160, %parallel_loop3A_1220 : i32
          %parallel_loop3A_1222 = arith.index_cast %rem3A_109 : i32 to index
          %parallel_loop3A_1223 = arith.index_cast %parallel_loop3A_1221 : i32 to index
          %parallel_loop3A_1224 = arith.index_cast %parallel_loop3A_1183 : i32 to index
          %parallel_loop3A_1225 = tpu.vector_load %arg11[%parallel_loop3A_1222, %parallel_loop3A_1223, %parallel_loop3A_1224] {strides = array<i32>} : memref<3x32x1024xf32, #tpu.memory_space<vmem>>, vector<16xf32>,
          %parallel_loop3A_1226 = arith.subf %parallel_loop3A_1225, %broadcast_in_dim3A_368 : vector<16xf32>
          %parallel_loop3A_1227 = arith.mulf %parallel_loop3A_1226, %mul3A_406 : vector<16xf32>
          %parallel_loop3A_1228 = arith.mulf %parallel_loop3A_1227, %parallel_loop3A_1185 : vector<16xf32>
          %parallel_loop3A_1229 = arith.addf %parallel_loop3A_1228, %parallel_loop3A_1187 : vector<16xf32>
          %parallel_loop3A_1230 = arith.constant 2 : i32
          %parallel_loop3A_1231 = arith.addi %add3A_160, %parallel_loop3A_1230 : i32
          %parallel_loop3A_1232 = arith.index_cast %rem3A_109 : i32 to index
          %parallel_loop3A_1233 = arith.index_cast %parallel_loop3A_1231 : i32 to index
          %parallel_loop3A_1234 = arith.index_cast %parallel_loop3A_1183 : i32 to index
          %parallel_loop3A_1235 = tpu.vector_load %arg11[%parallel_loop3A_1232, %parallel_loop3A_1233, %parallel_loop3A_1234] {strides = array<i32>} : memref<3x32x1024xf32, #tpu.memory_space<vmem>>, vector<16xf32>,
          tpu.vector_store %arg11[%parallel_loop3A_1232, %parallel_loop3A_1233, %parallel_loop3A_1234], %parallel_loop3A_1229 {strides = array<i32>} : memref<3x32x1024xf32, #tpu.memory_space<vmem>>, vector<16xf32>,
          %parallel_loop3A_1236 = arith.constant 3 : i32
          %parallel_loop3A_1237 = arith.addi %add3A_160, %parallel_loop3A_1236 : i32
          %parallel_loop3A_1238 = arith.index_cast %rem3A_109 : i32 to index
          %parallel_loop3A_1239 = arith.index_cast %parallel_loop3A_1237 : i32 to index
          %parallel_loop3A_1240 = arith.index_cast %parallel_loop3A_1183 : i32 to index
          %parallel_loop3A_1241 = tpu.vector_load %arg11[%parallel_loop3A_1238, %parallel_loop3A_1239, %parallel_loop3A_1240] {strides = array<i32>} : memref<3x32x1024xf32, #tpu.memory_space<vmem>>, vector<16xf32>,
          %parallel_loop3A_1242 = arith.subf %parallel_loop3A_1241, %broadcast_in_dim3A_419 : vector<16xf32>
          %parallel_loop3A_1243 = arith.mulf %parallel_loop3A_1242, %mul3A_457 : vector<16xf32>
          %parallel_loop3A_1244 = arith.mulf %parallel_loop3A_1243, %parallel_loop3A_1185 : vector<16xf32>
          %parallel_loop3A_1245 = arith.addf %parallel_loop3A_1244, %parallel_loop3A_1187 : vector<16xf32>
          %parallel_loop3A_1246 = arith.constant 3 : i32
          %parallel_loop3A_1247 = arith.addi %add3A_160, %parallel_loop3A_1246 : i32
          %parallel_loop3A_1248 = arith.index_cast %rem3A_109 : i32 to index
          %parallel_loop3A_1249 = arith.index_cast %parallel_loop3A_1247 : i32 to index
          %parallel_loop3A_1250 = arith.index_cast %parallel_loop3A_1183 : i32 to index
          %parallel_loop3A_1251 = tpu.vector_load %arg11[%parallel_loop3A_1248, %parallel_loop3A_1249, %parallel_loop3A_1250] {strides = array<i32>} : memref<3x32x1024xf32, #tpu.memory_space<vmem>>, vector<16xf32>,
          tpu.vector_store %arg11[%parallel_loop3A_1248, %parallel_loop3A_1249, %parallel_loop3A_1250], %parallel_loop3A_1245 {strides = array<i32>} : memref<3x32x1024xf32, #tpu.memory_space<vmem>>, vector<16xf32>,
          %parallel_loop3A_1252 = arith.constant 4 : i32
          %parallel_loop3A_1253 = arith.addi %add3A_160, %parallel_loop3A_1252 : i32
          %parallel_loop3A_1254 = arith.index_cast %rem3A_109 : i32 to index
          %parallel_loop3A_1255 = arith.index_cast %parallel_loop3A_1253 : i32 to index
          %parallel_loop3A_1256 = arith.index_cast %parallel_loop3A_1183 : i32 to index
          %parallel_loop3A_1257 = tpu.vector_load %arg11[%parallel_loop3A_1254, %parallel_loop3A_1255, %parallel_loop3A_1256] {strides = array<i32>} : memref<3x32x1024xf32, #tpu.memory_space<vmem>>, vector<16xf32>,
          %parallel_loop3A_1258 = arith.subf %parallel_loop3A_1257, %broadcast_in_dim3A_470 : vector<16xf32>
          %parallel_loop3A_1259 = arith.mulf %parallel_loop3A_1258, %mul3A_508 : vector<16xf32>
          %parallel_loop3A_1260 = arith.mulf %parallel_loop3A_1259, %parallel_loop3A_1185 : vector<16xf32>
          %parallel_loop3A_1261 = arith.addf %parallel_loop3A_1260, %parallel_loop3A_1187 : vector<16xf32>
          %parallel_loop3A_1262 = arith.constant 4 : i32
          %parallel_loop3A_1263 = arith.addi %add3A_160, %parallel_loop3A_1262 : i32
          %parallel_loop3A_1264 = arith.index_cast %rem3A_109 : i32 to index
          %parallel_loop3A_1265 = arith.index_cast %parallel_loop3A_1263 : i32 to index
          %parallel_loop3A_1266 = arith.index_cast %parallel_loop3A_1183 : i32 to index
          %parallel_loop3A_1267 = tpu.vector_load %arg11[%parallel_loop3A_1264, %parallel_loop3A_1265, %parallel_loop3A_1266] {strides = array<i32>} : memref<3x32x1024xf32, #tpu.memory_space<vmem>>, vector<16xf32>,
          tpu.vector_store %arg11[%parallel_loop3A_1264, %parallel_loop3A_1265, %parallel_loop3A_1266], %parallel_loop3A_1261 {strides = array<i32>} : memref<3x32x1024xf32, #tpu.memory_space<vmem>>, vector<16xf32>,
          %parallel_loop3A_1268 = arith.constant 5 : i32
          %parallel_loop3A_1269 = arith.addi %add3A_160, %parallel_loop3A_1268 : i32
          %parallel_loop3A_1270 = arith.index_cast %rem3A_109 : i32 to index
          %parallel_loop3A_1271 = arith.index_cast %parallel_loop3A_1269 : i32 to index
          %parallel_loop3A_1272 = arith.index_cast %parallel_loop3A_1183 : i32 to index
          %parallel_loop3A_1273 = tpu.vector_load %arg11[%parallel_loop3A_1270, %parallel_loop3A_1271, %parallel_loop3A_1272] {strides = array<i32>} : memref<3x32x1024xf32, #tpu.memory_space<vmem>>, vector<16xf32>,
          %parallel_loop3A_1274 = arith.subf %parallel_loop3A_1273, %broadcast_in_dim3A_521 : vector<16xf32>
          %parallel_loop3A_1275 = arith.mulf %parallel_loop3A_1274, %mul3A_559 : vector<16xf32>
          %parallel_loop3A_1276 = arith.mulf %parallel_loop3A_1275, %parallel_loop3A_1185 : vector<16xf32>
          %parallel_loop3A_1277 = arith.addf %parallel_loop3A_1276, %parallel_loop3A_1187 : vector<16xf32>
          %parallel_loop3A_1278 = arith.constant 5 : i32
          %parallel_loop3A_1279 = arith.addi %add3A_160, %parallel_loop3A_1278 : i32
          %parallel_loop3A_1280 = arith.index_cast %rem3A_109 : i32 to index
          %parallel_loop3A_1281 = arith.index_cast %parallel_loop3A_1279 : i32 to index
          %parallel_loop3A_1282 = arith.index_cast %parallel_loop3A_1183 : i32 to index
          %parallel_loop3A_1283 = tpu.vector_load %arg11[%parallel_loop3A_1280, %parallel_loop3A_1281, %parallel_loop3A_1282] {strides = array<i32>} : memref<3x32x1024xf32, #tpu.memory_space<vmem>>, vector<16xf32>,
          tpu.vector_store %arg11[%parallel_loop3A_1280, %parallel_loop3A_1281, %parallel_loop3A_1282], %parallel_loop3A_1277 {strides = array<i32>} : memref<3x32x1024xf32, #tpu.memory_space<vmem>>, vector<16xf32>,
          %parallel_loop3A_1284 = arith.constant 6 : i32
          %parallel_loop3A_1285 = arith.addi %add3A_160, %parallel_loop3A_1284 : i32
          %parallel_loop3A_1286 = arith.index_cast %rem3A_109 : i32 to index
          %parallel_loop3A_1287 = arith.index_cast %parallel_loop3A_1285 : i32 to index
          %parallel_loop3A_1288 = arith.index_cast %parallel_loop3A_1183 : i32 to index
          %parallel_loop3A_1289 = tpu.vector_load %arg11[%parallel_loop3A_1286, %parallel_loop3A_1287, %parallel_loop3A_1288] {strides = array<i32>} : memref<3x32x1024xf32, #tpu.memory_space<vmem>>, vector<16xf32>,
          %parallel_loop3A_1290 = arith.subf %parallel_loop3A_1289, %broadcast_in_dim3A_572 : vector<16xf32>
          %parallel_loop3A_1291 = arith.mulf %parallel_loop3A_1290, %mul3A_610 : vector<16xf32>
          %parallel_loop3A_1292 = arith.mulf %parallel_loop3A_1291, %parallel_loop3A_1185 : vector<16xf32>
          %parallel_loop3A_1293 = arith.addf %parallel_loop3A_1292, %parallel_loop3A_1187 : vector<16xf32>
          %parallel_loop3A_1294 = arith.constant 6 : i32
          %parallel_loop3A_1295 = arith.addi %add3A_160, %parallel_loop3A_1294 : i32
          %parallel_loop3A_1296 = arith.index_cast %rem3A_109 : i32 to index
          %parallel_loop3A_1297 = arith.index_cast %parallel_loop3A_1295 : i32 to index
          %parallel_loop3A_1298 = arith.index_cast %parallel_loop3A_1183 : i32 to index
          %parallel_loop3A_1299 = tpu.vector_load %arg11[%parallel_loop3A_1296, %parallel_loop3A_1297, %parallel_loop3A_1298] {strides = array<i32>} : memref<3x32x1024xf32, #tpu.memory_space<vmem>>, vector<16xf32>,
          tpu.vector_store %arg11[%parallel_loop3A_1296, %parallel_loop3A_1297, %parallel_loop3A_1298], %parallel_loop3A_1293 {strides = array<i32>} : memref<3x32x1024xf32, #tpu.memory_space<vmem>>, vector<16xf32>,
          %parallel_loop3A_1300 = arith.constant 7 : i32
          %parallel_loop3A_1301 = arith.addi %add3A_160, %parallel_loop3A_1300 : i32
          %parallel_loop3A_1302 = arith.index_cast %rem3A_109 : i32 to index
          %parallel_loop3A_1303 = arith.index_cast %parallel_loop3A_1301 : i32 to index
          %parallel_loop3A_1304 = arith.index_cast %parallel_loop3A_1183 : i32 to index
          %parallel_loop3A_1305 = tpu.vector_load %arg11[%parallel_loop3A_1302, %parallel_loop3A_1303, %parallel_loop3A_1304] {strides = array<i32>} : memref<3x32x1024xf32, #tpu.memory_space<vmem>>, vector<16xf32>,
          %parallel_loop3A_1306 = arith.subf %parallel_loop3A_1305, %broadcast_in_dim3A_623 : vector<16xf32>
          %parallel_loop3A_1307 = arith.mulf %parallel_loop3A_1306, %mul3A_661 : vector<16xf32>
          %parallel_loop3A_1308 = arith.mulf %parallel_loop3A_1307, %parallel_loop3A_1185 : vector<16xf32>
          %parallel_loop3A_1309 = arith.addf %parallel_loop3A_1308, %parallel_loop3A_1187 : vector<16xf32>
          %parallel_loop3A_1310 = arith.constant 7 : i32
          %parallel_loop3A_1311 = arith.addi %add3A_160, %parallel_loop3A_1310 : i32
          %parallel_loop3A_1312 = arith.index_cast %rem3A_109 : i32 to index
          %parallel_loop3A_1313 = arith.index_cast %parallel_loop3A_1311 : i32 to index
          %parallel_loop3A_1314 = arith.index_cast %parallel_loop3A_1183 : i32 to index
          %parallel_loop3A_1315 = tpu.vector_load %arg11[%parallel_loop3A_1312, %parallel_loop3A_1313, %parallel_loop3A_1314] {strides = array<i32>} : memref<3x32x1024xf32, #tpu.memory_space<vmem>>, vector<16xf32>,
          tpu.vector_store %arg11[%parallel_loop3A_1312, %parallel_loop3A_1313, %parallel_loop3A_1314], %parallel_loop3A_1309 {strides = array<i32>} : memref<3x32x1024xf32, #tpu.memory_space<vmem>>, vector<16xf32>,
        } {sc.loop_unroll_factor = 2 : i64, sc.parallel_access}
        %mul3A_665 = arith.constant 16 : i32
        %mul3A_666 = arith.muli %scan3A_151, %mul3A_665 : i32
        %add3A_667 = arith.constant 8 : i32
        %add3A_668 = arith.addi %mul3A_666, %add3A_667 : i32
        %broadcast_in_dim3A_669 = arith.constant 8 : i32
        %broadcast_in_dim3A_670 = vector.broadcast %broadcast_in_dim3A_669 : i32 to vector<16xi32>
        %lt3A_671 = arith.constant 0 : i32
        %lt3A_672 = vector.broadcast %lt3A_671 : i32 to vector<16xi32>
        %lt3A_673 = arith.cmpi slt, %broadcast_in_dim3A_670, %lt3A_672 : vector<16xi32>
        %add3A_674 = arith.constant 16 : i32
        %add3A_675 = vector.broadcast %add3A_674 : i32 to vector<16xi32>
        %add3A_676 = arith.addi %broadcast_in_dim3A_670, %add3A_675 : vector<16xi32>
        %select_n3A_677 = arith.select %lt3A_673, %add3A_676, %broadcast_in_dim3A_670 : vector<16xi1>, vector<16xi32>
        %broadcast_in_dim3A_678 = vector.shape_cast %select_n3A_677 : vector<16xi32> to vector<16x1xi32>
        %gather3A_679 = vector.shape_cast %broadcast_in_dim3A_678 : vector<16x1xi32> to vector<16xi32>
        %gather3A_680 = tpu.dynamic_gather %get3A_156[%gather3A_679] in [0] : vector<16xf32>, vector<16xi32> -> vector<16xf32>
        %broadcast_in_dim3A_681 = arith.constant 9 : i32
        %broadcast_in_dim3A_682 = vector.broadcast %broadcast_in_dim3A_681 : i32 to vector<16xi32>
        %lt3A_683 = arith.constant 0 : i32
        %lt3A_684 = vector.broadcast %lt3A_683 : i32 to vector<16xi32>
        %lt3A_685 = arith.cmpi slt, %broadcast_in_dim3A_682, %lt3A_684 : vector<16xi32>
        %add3A_686 = arith.constant 16 : i32
        %add3A_687 = vector.broadcast %add3A_686 : i32 to vector<16xi32>
        %add3A_688 = arith.addi %broadcast_in_dim3A_682, %add3A_687 : vector<16xi32>
        %select_n3A_689 = arith.select %lt3A_685, %add3A_688, %broadcast_in_dim3A_682 : vector<16xi1>, vector<16xi32>
        %broadcast_in_dim3A_690 = vector.shape_cast %select_n3A_689 : vector<16xi32> to vector<16x1xi32>
        %gather3A_691 = vector.shape_cast %broadcast_in_dim3A_690 : vector<16x1xi32> to vector<16xi32>
        %gather3A_692 = tpu.dynamic_gather %get3A_156[%gather3A_691] in [0] : vector<16xf32>, vector<16xi32> -> vector<16xf32>
        %broadcast_in_dim3A_693 = arith.constant 10 : i32
        %broadcast_in_dim3A_694 = vector.broadcast %broadcast_in_dim3A_693 : i32 to vector<16xi32>
        %lt3A_695 = arith.constant 0 : i32
        %lt3A_696 = vector.broadcast %lt3A_695 : i32 to vector<16xi32>
        %lt3A_697 = arith.cmpi slt, %broadcast_in_dim3A_694, %lt3A_696 : vector<16xi32>
        %add3A_698 = arith.constant 16 : i32
        %add3A_699 = vector.broadcast %add3A_698 : i32 to vector<16xi32>
        %add3A_700 = arith.addi %broadcast_in_dim3A_694, %add3A_699 : vector<16xi32>
        %select_n3A_701 = arith.select %lt3A_697, %add3A_700, %broadcast_in_dim3A_694 : vector<16xi1>, vector<16xi32>
        %broadcast_in_dim3A_702 = vector.shape_cast %select_n3A_701 : vector<16xi32> to vector<16x1xi32>
        %gather3A_703 = vector.shape_cast %broadcast_in_dim3A_702 : vector<16x1xi32> to vector<16xi32>
        %gather3A_704 = tpu.dynamic_gather %get3A_156[%gather3A_703] in [0] : vector<16xf32>, vector<16xi32> -> vector<16xf32>
        %broadcast_in_dim3A_705 = arith.constant 11 : i32
        %broadcast_in_dim3A_706 = vector.broadcast %broadcast_in_dim3A_705 : i32 to vector<16xi32>
        %lt3A_707 = arith.constant 0 : i32
        %lt3A_708 = vector.broadcast %lt3A_707 : i32 to vector<16xi32>
        %lt3A_709 = arith.cmpi slt, %broadcast_in_dim3A_706, %lt3A_708 : vector<16xi32>
        %add3A_710 = arith.constant 16 : i32
        %add3A_711 = vector.broadcast %add3A_710 : i32 to vector<16xi32>
        %add3A_712 = arith.addi %broadcast_in_dim3A_706, %add3A_711 : vector<16xi32>
        %select_n3A_713 = arith.select %lt3A_709, %add3A_712, %broadcast_in_dim3A_706 : vector<16xi1>, vector<16xi32>
        %broadcast_in_dim3A_714 = vector.shape_cast %select_n3A_713 : vector<16xi32> to vector<16x1xi32>
        %gather3A_715 = vector.shape_cast %broadcast_in_dim3A_714 : vector<16x1xi32> to vector<16xi32>
        %gather3A_716 = tpu.dynamic_gather %get3A_156[%gather3A_715] in [0] : vector<16xf32>, vector<16xi32> -> vector<16xf32>
        %broadcast_in_dim3A_717 = arith.constant 12 : i32
        %broadcast_in_dim3A_718 = vector.broadcast %broadcast_in_dim3A_717 : i32 to vector<16xi32>
        %lt3A_719 = arith.constant 0 : i32
        %lt3A_720 = vector.broadcast %lt3A_719 : i32 to vector<16xi32>
        %lt3A_721 = arith.cmpi slt, %broadcast_in_dim3A_718, %lt3A_720 : vector<16xi32>
        %add3A_722 = arith.constant 16 : i32
        %add3A_723 = vector.broadcast %add3A_722 : i32 to vector<16xi32>
        %add3A_724 = arith.addi %broadcast_in_dim3A_718, %add3A_723 : vector<16xi32>
        %select_n3A_725 = arith.select %lt3A_721, %add3A_724, %broadcast_in_dim3A_718 : vector<16xi1>, vector<16xi32>
        %broadcast_in_dim3A_726 = vector.shape_cast %select_n3A_725 : vector<16xi32> to vector<16x1xi32>
        %gather3A_727 = vector.shape_cast %broadcast_in_dim3A_726 : vector<16x1xi32> to vector<16xi32>
        %gather3A_728 = tpu.dynamic_gather %get3A_156[%gather3A_727] in [0] : vector<16xf32>, vector<16xi32> -> vector<16xf32>
        %broadcast_in_dim3A_729 = arith.constant 13 : i32
        %broadcast_in_dim3A_730 = vector.broadcast %broadcast_in_dim3A_729 : i32 to vector<16xi32>
        %lt3A_731 = arith.constant 0 : i32
        %lt3A_732 = vector.broadcast %lt3A_731 : i32 to vector<16xi32>
        %lt3A_733 = arith.cmpi slt, %broadcast_in_dim3A_730, %lt3A_732 : vector<16xi32>
        %add3A_734 = arith.constant 16 : i32
        %add3A_735 = vector.broadcast %add3A_734 : i32 to vector<16xi32>
        %add3A_736 = arith.addi %broadcast_in_dim3A_730, %add3A_735 : vector<16xi32>
        %select_n3A_737 = arith.select %lt3A_733, %add3A_736, %broadcast_in_dim3A_730 : vector<16xi1>, vector<16xi32>
        %broadcast_in_dim3A_738 = vector.shape_cast %select_n3A_737 : vector<16xi32> to vector<16x1xi32>
        %gather3A_739 = vector.shape_cast %broadcast_in_dim3A_738 : vector<16x1xi32> to vector<16xi32>
        %gather3A_740 = tpu.dynamic_gather %get3A_156[%gather3A_739] in [0] : vector<16xf32>, vector<16xi32> -> vector<16xf32>
        %broadcast_in_dim3A_741 = arith.constant 14 : i32
        %broadcast_in_dim3A_742 = vector.broadcast %broadcast_in_dim3A_741 : i32 to vector<16xi32>
        %lt3A_743 = arith.constant 0 : i32
        %lt3A_744 = vector.broadcast %lt3A_743 : i32 to vector<16xi32>
        %lt3A_745 = arith.cmpi slt, %broadcast_in_dim3A_742, %lt3A_744 : vector<16xi32>
        %add3A_746 = arith.constant 16 : i32
        %add3A_747 = vector.broadcast %add3A_746 : i32 to vector<16xi32>
        %add3A_748 = arith.addi %broadcast_in_dim3A_742, %add3A_747 : vector<16xi32>
        %select_n3A_749 = arith.select %lt3A_745, %add3A_748, %broadcast_in_dim3A_742 : vector<16xi1>, vector<16xi32>
        %broadcast_in_dim3A_750 = vector.shape_cast %select_n3A_749 : vector<16xi32> to vector<16x1xi32>
        %gather3A_751 = vector.shape_cast %broadcast_in_dim3A_750 : vector<16x1xi32> to vector<16xi32>
        %gather3A_752 = tpu.dynamic_gather %get3A_156[%gather3A_751] in [0] : vector<16xf32>, vector<16xi32> -> vector<16xf32>
        %broadcast_in_dim3A_753 = arith.constant 15 : i32
        %broadcast_in_dim3A_754 = vector.broadcast %broadcast_in_dim3A_753 : i32 to vector<16xi32>
        %lt3A_755 = arith.constant 0 : i32
        %lt3A_756 = vector.broadcast %lt3A_755 : i32 to vector<16xi32>
        %lt3A_757 = arith.cmpi slt, %broadcast_in_dim3A_754, %lt3A_756 : vector<16xi32>
        %add3A_758 = arith.constant 16 : i32
        %add3A_759 = vector.broadcast %add3A_758 : i32 to vector<16xi32>
        %add3A_760 = arith.addi %broadcast_in_dim3A_754, %add3A_759 : vector<16xi32>
        %select_n3A_761 = arith.select %lt3A_757, %add3A_760, %broadcast_in_dim3A_754 : vector<16xi1>, vector<16xi32>
        %broadcast_in_dim3A_762 = vector.shape_cast %select_n3A_761 : vector<16xi32> to vector<16x1xi32>
        %gather3A_763 = vector.shape_cast %broadcast_in_dim3A_762 : vector<16x1xi32> to vector<16xi32>
        %gather3A_764 = tpu.dynamic_gather %get3A_156[%gather3A_763] in [0] : vector<16xf32>, vector<16xi32> -> vector<16xf32>
        %parallel_loop3A_765 = arith.constant 0 : i32
        %parallel_loop3A_766 = arith.constant 64 : i32
        %parallel_loop3A_767 = arith.constant 1 : i32
        %parallel_loop3A_768:16 = scf.for %parallel_loop3A_1181 = %parallel_loop3A_765 to %parallel_loop3A_766 step %parallel_loop3A_767 iter_args(%parallel_loop3A_1182 = %broadcast_in_dim3A_9, %parallel_loop3A_1183 = %broadcast_in_dim3A_9, %parallel_loop3A_1184 = %broadcast_in_dim3A_9, %parallel_loop3A_1185 = %broadcast_in_dim3A_9, %parallel_loop3A_1186 = %broadcast_in_dim3A_9, %parallel_loop3A_1187 = %broadcast_in_dim3A_9, %parallel_loop3A_1188 = %broadcast_in_dim3A_9, %parallel_loop3A_1189 = %broadcast_in_dim3A_9, %parallel_loop3A_1190 = %broadcast_in_dim3A_9, %parallel_loop3A_1191 = %broadcast_in_dim3A_9, %parallel_loop3A_1192 = %broadcast_in_dim3A_9, %parallel_loop3A_1193 = %broadcast_in_dim3A_9, %parallel_loop3A_1194 = %broadcast_in_dim3A_9, %parallel_loop3A_1195 = %broadcast_in_dim3A_9, %parallel_loop3A_1196 = %broadcast_in_dim3A_9, %parallel_loop3A_1197 = %broadcast_in_dim3A_9) -> (vector<16xf32>, vector<16xf32>, vector<16xf32>, vector<16xf32>, vector<16xf32>, vector<16xf32>, vector<16xf32>, vector<16xf32>, vector<16xf32>, vector<16xf32>, vector<16xf32>, vector<16xf32>, vector<16xf32>, vector<16xf32>, vector<16xf32>, vector<16xf32>)  : i32 {
          %parallel_loop3A_1198 = arith.constant 16 : i32
          %parallel_loop3A_1199 = arith.muli %parallel_loop3A_1181, %parallel_loop3A_1198 : i32
          %parallel_loop3A_1200 = arith.constant 0 : i32
          %parallel_loop3A_1201 = arith.index_cast %parallel_loop3A_1200 : i32 to index
          %parallel_loop3A_1202 = arith.index_cast %parallel_loop3A_1199 : i32 to index
          %parallel_loop3A_1203 = tpu.vector_load %arg12[%parallel_loop3A_1201, %parallel_loop3A_1202] {strides = array<i32>} : memref<2x1024xf32, #tpu.memory_space<vmem>>, vector<16xf32>,
          %parallel_loop3A_1204 = arith.index_cast %parallel_loop3A_1199 : i32 to index
          %parallel_loop3A_1205 = tpu.vector_load %arg13[%parallel_loop3A_1204] {strides = array<i32>} : memref<1024xf32, #tpu.memory_space<vmem>>, vector<16xf32>,
          %parallel_loop3A_1206 = arith.constant 0 : i32
          %parallel_loop3A_1207 = arith.addi %add3A_668, %parallel_loop3A_1206 : i32
          %parallel_loop3A_1208 = arith.index_cast %rem3A_109 : i32 to index
          %parallel_loop3A_1209 = arith.index_cast %parallel_loop3A_1207 : i32 to index
          %parallel_loop3A_1210 = arith.index_cast %parallel_loop3A_1199 : i32 to index
          %parallel_loop3A_1211 = tpu.vector_load %arg11[%parallel_loop3A_1208, %parallel_loop3A_1209, %parallel_loop3A_1210] {strides = array<i32>} : memref<3x32x1024xf32, #tpu.memory_space<vmem>>, vector<16xf32>,
          %parallel_loop3A_1212 = arith.mulf %gather3A_680, %parallel_loop3A_1205 : vector<16xf32>
          %parallel_loop3A_1213 = arith.addf %parallel_loop3A_1203, %parallel_loop3A_1212 : vector<16xf32>
          %parallel_loop3A_1214 = arith.addf %parallel_loop3A_1211, %parallel_loop3A_1213 : vector<16xf32>
          %parallel_loop3A_1215 = arith.constant 0 : i32
          %parallel_loop3A_1216 = arith.addi %add3A_668, %parallel_loop3A_1215 : i32
          %parallel_loop3A_1217 = arith.index_cast %rem3A_109 : i32 to index
          %parallel_loop3A_1218 = arith.index_cast %parallel_loop3A_1216 : i32 to index
          %parallel_loop3A_1219 = arith.index_cast %parallel_loop3A_1199 : i32 to index
          %parallel_loop3A_1220 = tpu.vector_load %arg11[%parallel_loop3A_1217, %parallel_loop3A_1218, %parallel_loop3A_1219] {strides = array<i32>} : memref<3x32x1024xf32, #tpu.memory_space<vmem>>, vector<16xf32>,
          tpu.vector_store %arg11[%parallel_loop3A_1217, %parallel_loop3A_1218, %parallel_loop3A_1219], %parallel_loop3A_1214 {strides = array<i32>} : memref<3x32x1024xf32, #tpu.memory_space<vmem>>, vector<16xf32>,
          %parallel_loop3A_1221 = arith.addf %parallel_loop3A_1182, %parallel_loop3A_1214 : vector<16xf32>
          %parallel_loop3A_1222 = arith.mulf %parallel_loop3A_1214, %parallel_loop3A_1214 : vector<16xf32>
          %parallel_loop3A_1223 = arith.addf %parallel_loop3A_1183, %parallel_loop3A_1222 : vector<16xf32>
          %parallel_loop3A_1224 = arith.constant 1 : i32
          %parallel_loop3A_1225 = arith.addi %add3A_668, %parallel_loop3A_1224 : i32
          %parallel_loop3A_1226 = arith.index_cast %rem3A_109 : i32 to index
          %parallel_loop3A_1227 = arith.index_cast %parallel_loop3A_1225 : i32 to index
          %parallel_loop3A_1228 = arith.index_cast %parallel_loop3A_1199 : i32 to index
          %parallel_loop3A_1229 = tpu.vector_load %arg11[%parallel_loop3A_1226, %parallel_loop3A_1227, %parallel_loop3A_1228] {strides = array<i32>} : memref<3x32x1024xf32, #tpu.memory_space<vmem>>, vector<16xf32>,
          %parallel_loop3A_1230 = arith.mulf %gather3A_692, %parallel_loop3A_1205 : vector<16xf32>
          %parallel_loop3A_1231 = arith.addf %parallel_loop3A_1203, %parallel_loop3A_1230 : vector<16xf32>
          %parallel_loop3A_1232 = arith.addf %parallel_loop3A_1229, %parallel_loop3A_1231 : vector<16xf32>
          %parallel_loop3A_1233 = arith.constant 1 : i32
          %parallel_loop3A_1234 = arith.addi %add3A_668, %parallel_loop3A_1233 : i32
          %parallel_loop3A_1235 = arith.index_cast %rem3A_109 : i32 to index
          %parallel_loop3A_1236 = arith.index_cast %parallel_loop3A_1234 : i32 to index
          %parallel_loop3A_1237 = arith.index_cast %parallel_loop3A_1199 : i32 to index
          %parallel_loop3A_1238 = tpu.vector_load %arg11[%parallel_loop3A_1235, %parallel_loop3A_1236, %parallel_loop3A_1237] {strides = array<i32>} : memref<3x32x1024xf32, #tpu.memory_space<vmem>>, vector<16xf32>,
          tpu.vector_store %arg11[%parallel_loop3A_1235, %parallel_loop3A_1236, %parallel_loop3A_1237], %parallel_loop3A_1232 {strides = array<i32>} : memref<3x32x1024xf32, #tpu.memory_space<vmem>>, vector<16xf32>,
          %parallel_loop3A_1239 = arith.addf %parallel_loop3A_1184, %parallel_loop3A_1232 : vector<16xf32>
          %parallel_loop3A_1240 = arith.mulf %parallel_loop3A_1232, %parallel_loop3A_1232 : vector<16xf32>
          %parallel_loop3A_1241 = arith.addf %parallel_loop3A_1185, %parallel_loop3A_1240 : vector<16xf32>
          %parallel_loop3A_1242 = arith.constant 2 : i32
          %parallel_loop3A_1243 = arith.addi %add3A_668, %parallel_loop3A_1242 : i32
          %parallel_loop3A_1244 = arith.index_cast %rem3A_109 : i32 to index
          %parallel_loop3A_1245 = arith.index_cast %parallel_loop3A_1243 : i32 to index
          %parallel_loop3A_1246 = arith.index_cast %parallel_loop3A_1199 : i32 to index
          %parallel_loop3A_1247 = tpu.vector_load %arg11[%parallel_loop3A_1244, %parallel_loop3A_1245, %parallel_loop3A_1246] {strides = array<i32>} : memref<3x32x1024xf32, #tpu.memory_space<vmem>>, vector<16xf32>,
          %parallel_loop3A_1248 = arith.mulf %gather3A_704, %parallel_loop3A_1205 : vector<16xf32>
          %parallel_loop3A_1249 = arith.addf %parallel_loop3A_1203, %parallel_loop3A_1248 : vector<16xf32>
          %parallel_loop3A_1250 = arith.addf %parallel_loop3A_1247, %parallel_loop3A_1249 : vector<16xf32>
          %parallel_loop3A_1251 = arith.constant 2 : i32
          %parallel_loop3A_1252 = arith.addi %add3A_668, %parallel_loop3A_1251 : i32
          %parallel_loop3A_1253 = arith.index_cast %rem3A_109 : i32 to index
          %parallel_loop3A_1254 = arith.index_cast %parallel_loop3A_1252 : i32 to index
          %parallel_loop3A_1255 = arith.index_cast %parallel_loop3A_1199 : i32 to index
          %parallel_loop3A_1256 = tpu.vector_load %arg11[%parallel_loop3A_1253, %parallel_loop3A_1254, %parallel_loop3A_1255] {strides = array<i32>} : memref<3x32x1024xf32, #tpu.memory_space<vmem>>, vector<16xf32>,
          tpu.vector_store %arg11[%parallel_loop3A_1253, %parallel_loop3A_1254, %parallel_loop3A_1255], %parallel_loop3A_1250 {strides = array<i32>} : memref<3x32x1024xf32, #tpu.memory_space<vmem>>, vector<16xf32>,
          %parallel_loop3A_1257 = arith.addf %parallel_loop3A_1186, %parallel_loop3A_1250 : vector<16xf32>
          %parallel_loop3A_1258 = arith.mulf %parallel_loop3A_1250, %parallel_loop3A_1250 : vector<16xf32>
          %parallel_loop3A_1259 = arith.addf %parallel_loop3A_1187, %parallel_loop3A_1258 : vector<16xf32>
          %parallel_loop3A_1260 = arith.constant 3 : i32
          %parallel_loop3A_1261 = arith.addi %add3A_668, %parallel_loop3A_1260 : i32
          %parallel_loop3A_1262 = arith.index_cast %rem3A_109 : i32 to index
          %parallel_loop3A_1263 = arith.index_cast %parallel_loop3A_1261 : i32 to index
          %parallel_loop3A_1264 = arith.index_cast %parallel_loop3A_1199 : i32 to index
          %parallel_loop3A_1265 = tpu.vector_load %arg11[%parallel_loop3A_1262, %parallel_loop3A_1263, %parallel_loop3A_1264] {strides = array<i32>} : memref<3x32x1024xf32, #tpu.memory_space<vmem>>, vector<16xf32>,
          %parallel_loop3A_1266 = arith.mulf %gather3A_716, %parallel_loop3A_1205 : vector<16xf32>
          %parallel_loop3A_1267 = arith.addf %parallel_loop3A_1203, %parallel_loop3A_1266 : vector<16xf32>
          %parallel_loop3A_1268 = arith.addf %parallel_loop3A_1265, %parallel_loop3A_1267 : vector<16xf32>
          %parallel_loop3A_1269 = arith.constant 3 : i32
          %parallel_loop3A_1270 = arith.addi %add3A_668, %parallel_loop3A_1269 : i32
          %parallel_loop3A_1271 = arith.index_cast %rem3A_109 : i32 to index
          %parallel_loop3A_1272 = arith.index_cast %parallel_loop3A_1270 : i32 to index
          %parallel_loop3A_1273 = arith.index_cast %parallel_loop3A_1199 : i32 to index
          %parallel_loop3A_1274 = tpu.vector_load %arg11[%parallel_loop3A_1271, %parallel_loop3A_1272, %parallel_loop3A_1273] {strides = array<i32>} : memref<3x32x1024xf32, #tpu.memory_space<vmem>>, vector<16xf32>,
          tpu.vector_store %arg11[%parallel_loop3A_1271, %parallel_loop3A_1272, %parallel_loop3A_1273], %parallel_loop3A_1268 {strides = array<i32>} : memref<3x32x1024xf32, #tpu.memory_space<vmem>>, vector<16xf32>,
          %parallel_loop3A_1275 = arith.addf %parallel_loop3A_1188, %parallel_loop3A_1268 : vector<16xf32>
          %parallel_loop3A_1276 = arith.mulf %parallel_loop3A_1268, %parallel_loop3A_1268 : vector<16xf32>
          %parallel_loop3A_1277 = arith.addf %parallel_loop3A_1189, %parallel_loop3A_1276 : vector<16xf32>
          %parallel_loop3A_1278 = arith.constant 4 : i32
          %parallel_loop3A_1279 = arith.addi %add3A_668, %parallel_loop3A_1278 : i32
          %parallel_loop3A_1280 = arith.index_cast %rem3A_109 : i32 to index
          %parallel_loop3A_1281 = arith.index_cast %parallel_loop3A_1279 : i32 to index
          %parallel_loop3A_1282 = arith.index_cast %parallel_loop3A_1199 : i32 to index
          %parallel_loop3A_1283 = tpu.vector_load %arg11[%parallel_loop3A_1280, %parallel_loop3A_1281, %parallel_loop3A_1282] {strides = array<i32>} : memref<3x32x1024xf32, #tpu.memory_space<vmem>>, vector<16xf32>,
          %parallel_loop3A_1284 = arith.mulf %gather3A_728, %parallel_loop3A_1205 : vector<16xf32>
          %parallel_loop3A_1285 = arith.addf %parallel_loop3A_1203, %parallel_loop3A_1284 : vector<16xf32>
          %parallel_loop3A_1286 = arith.addf %parallel_loop3A_1283, %parallel_loop3A_1285 : vector<16xf32>
          %parallel_loop3A_1287 = arith.constant 4 : i32
          %parallel_loop3A_1288 = arith.addi %add3A_668, %parallel_loop3A_1287 : i32
          %parallel_loop3A_1289 = arith.index_cast %rem3A_109 : i32 to index
          %parallel_loop3A_1290 = arith.index_cast %parallel_loop3A_1288 : i32 to index
          %parallel_loop3A_1291 = arith.index_cast %parallel_loop3A_1199 : i32 to index
          %parallel_loop3A_1292 = tpu.vector_load %arg11[%parallel_loop3A_1289, %parallel_loop3A_1290, %parallel_loop3A_1291] {strides = array<i32>} : memref<3x32x1024xf32, #tpu.memory_space<vmem>>, vector<16xf32>,
          tpu.vector_store %arg11[%parallel_loop3A_1289, %parallel_loop3A_1290, %parallel_loop3A_1291], %parallel_loop3A_1286 {strides = array<i32>} : memref<3x32x1024xf32, #tpu.memory_space<vmem>>, vector<16xf32>,
          %parallel_loop3A_1293 = arith.addf %parallel_loop3A_1190, %parallel_loop3A_1286 : vector<16xf32>
          %parallel_loop3A_1294 = arith.mulf %parallel_loop3A_1286, %parallel_loop3A_1286 : vector<16xf32>
          %parallel_loop3A_1295 = arith.addf %parallel_loop3A_1191, %parallel_loop3A_1294 : vector<16xf32>
          %parallel_loop3A_1296 = arith.constant 5 : i32
          %parallel_loop3A_1297 = arith.addi %add3A_668, %parallel_loop3A_1296 : i32
          %parallel_loop3A_1298 = arith.index_cast %rem3A_109 : i32 to index
          %parallel_loop3A_1299 = arith.index_cast %parallel_loop3A_1297 : i32 to index
          %parallel_loop3A_1300 = arith.index_cast %parallel_loop3A_1199 : i32 to index
          %parallel_loop3A_1301 = tpu.vector_load %arg11[%parallel_loop3A_1298, %parallel_loop3A_1299, %parallel_loop3A_1300] {strides = array<i32>} : memref<3x32x1024xf32, #tpu.memory_space<vmem>>, vector<16xf32>,
          %parallel_loop3A_1302 = arith.mulf %gather3A_740, %parallel_loop3A_1205 : vector<16xf32>
          %parallel_loop3A_1303 = arith.addf %parallel_loop3A_1203, %parallel_loop3A_1302 : vector<16xf32>
          %parallel_loop3A_1304 = arith.addf %parallel_loop3A_1301, %parallel_loop3A_1303 : vector<16xf32>
          %parallel_loop3A_1305 = arith.constant 5 : i32
          %parallel_loop3A_1306 = arith.addi %add3A_668, %parallel_loop3A_1305 : i32
          %parallel_loop3A_1307 = arith.index_cast %rem3A_109 : i32 to index
          %parallel_loop3A_1308 = arith.index_cast %parallel_loop3A_1306 : i32 to index
          %parallel_loop3A_1309 = arith.index_cast %parallel_loop3A_1199 : i32 to index
          %parallel_loop3A_1310 = tpu.vector_load %arg11[%parallel_loop3A_1307, %parallel_loop3A_1308, %parallel_loop3A_1309] {strides = array<i32>} : memref<3x32x1024xf32, #tpu.memory_space<vmem>>, vector<16xf32>,
          tpu.vector_store %arg11[%parallel_loop3A_1307, %parallel_loop3A_1308, %parallel_loop3A_1309], %parallel_loop3A_1304 {strides = array<i32>} : memref<3x32x1024xf32, #tpu.memory_space<vmem>>, vector<16xf32>,
          %parallel_loop3A_1311 = arith.addf %parallel_loop3A_1192, %parallel_loop3A_1304 : vector<16xf32>
          %parallel_loop3A_1312 = arith.mulf %parallel_loop3A_1304, %parallel_loop3A_1304 : vector<16xf32>
          %parallel_loop3A_1313 = arith.addf %parallel_loop3A_1193, %parallel_loop3A_1312 : vector<16xf32>
          %parallel_loop3A_1314 = arith.constant 6 : i32
          %parallel_loop3A_1315 = arith.addi %add3A_668, %parallel_loop3A_1314 : i32
          %parallel_loop3A_1316 = arith.index_cast %rem3A_109 : i32 to index
          %parallel_loop3A_1317 = arith.index_cast %parallel_loop3A_1315 : i32 to index
          %parallel_loop3A_1318 = arith.index_cast %parallel_loop3A_1199 : i32 to index
          %parallel_loop3A_1319 = tpu.vector_load %arg11[%parallel_loop3A_1316, %parallel_loop3A_1317, %parallel_loop3A_1318] {strides = array<i32>} : memref<3x32x1024xf32, #tpu.memory_space<vmem>>, vector<16xf32>,
          %parallel_loop3A_1320 = arith.mulf %gather3A_752, %parallel_loop3A_1205 : vector<16xf32>
          %parallel_loop3A_1321 = arith.addf %parallel_loop3A_1203, %parallel_loop3A_1320 : vector<16xf32>
          %parallel_loop3A_1322 = arith.addf %parallel_loop3A_1319, %parallel_loop3A_1321 : vector<16xf32>
          %parallel_loop3A_1323 = arith.constant 6 : i32
          %parallel_loop3A_1324 = arith.addi %add3A_668, %parallel_loop3A_1323 : i32
          %parallel_loop3A_1325 = arith.index_cast %rem3A_109 : i32 to index
          %parallel_loop3A_1326 = arith.index_cast %parallel_loop3A_1324 : i32 to index
          %parallel_loop3A_1327 = arith.index_cast %parallel_loop3A_1199 : i32 to index
          %parallel_loop3A_1328 = tpu.vector_load %arg11[%parallel_loop3A_1325, %parallel_loop3A_1326, %parallel_loop3A_1327] {strides = array<i32>} : memref<3x32x1024xf32, #tpu.memory_space<vmem>>, vector<16xf32>,
          tpu.vector_store %arg11[%parallel_loop3A_1325, %parallel_loop3A_1326, %parallel_loop3A_1327], %parallel_loop3A_1322 {strides = array<i32>} : memref<3x32x1024xf32, #tpu.memory_space<vmem>>, vector<16xf32>,
          %parallel_loop3A_1329 = arith.addf %parallel_loop3A_1194, %parallel_loop3A_1322 : vector<16xf32>
          %parallel_loop3A_1330 = arith.mulf %parallel_loop3A_1322, %parallel_loop3A_1322 : vector<16xf32>
          %parallel_loop3A_1331 = arith.addf %parallel_loop3A_1195, %parallel_loop3A_1330 : vector<16xf32>
          %parallel_loop3A_1332 = arith.constant 7 : i32
          %parallel_loop3A_1333 = arith.addi %add3A_668, %parallel_loop3A_1332 : i32
          %parallel_loop3A_1334 = arith.index_cast %rem3A_109 : i32 to index
          %parallel_loop3A_1335 = arith.index_cast %parallel_loop3A_1333 : i32 to index
          %parallel_loop3A_1336 = arith.index_cast %parallel_loop3A_1199 : i32 to index
          %parallel_loop3A_1337 = tpu.vector_load %arg11[%parallel_loop3A_1334, %parallel_loop3A_1335, %parallel_loop3A_1336] {strides = array<i32>} : memref<3x32x1024xf32, #tpu.memory_space<vmem>>, vector<16xf32>,
          %parallel_loop3A_1338 = arith.mulf %gather3A_764, %parallel_loop3A_1205 : vector<16xf32>
          %parallel_loop3A_1339 = arith.addf %parallel_loop3A_1203, %parallel_loop3A_1338 : vector<16xf32>
          %parallel_loop3A_1340 = arith.addf %parallel_loop3A_1337, %parallel_loop3A_1339 : vector<16xf32>
          %parallel_loop3A_1341 = arith.constant 7 : i32
          %parallel_loop3A_1342 = arith.addi %add3A_668, %parallel_loop3A_1341 : i32
          %parallel_loop3A_1343 = arith.index_cast %rem3A_109 : i32 to index
          %parallel_loop3A_1344 = arith.index_cast %parallel_loop3A_1342 : i32 to index
          %parallel_loop3A_1345 = arith.index_cast %parallel_loop3A_1199 : i32 to index
          %parallel_loop3A_1346 = tpu.vector_load %arg11[%parallel_loop3A_1343, %parallel_loop3A_1344, %parallel_loop3A_1345] {strides = array<i32>} : memref<3x32x1024xf32, #tpu.memory_space<vmem>>, vector<16xf32>,
          tpu.vector_store %arg11[%parallel_loop3A_1343, %parallel_loop3A_1344, %parallel_loop3A_1345], %parallel_loop3A_1340 {strides = array<i32>} : memref<3x32x1024xf32, #tpu.memory_space<vmem>>, vector<16xf32>,
          %parallel_loop3A_1347 = arith.addf %parallel_loop3A_1196, %parallel_loop3A_1340 : vector<16xf32>
          %parallel_loop3A_1348 = arith.mulf %parallel_loop3A_1340, %parallel_loop3A_1340 : vector<16xf32>
          %parallel_loop3A_1349 = arith.addf %parallel_loop3A_1197, %parallel_loop3A_1348 : vector<16xf32>
          scf.yield %parallel_loop3A_1221, %parallel_loop3A_1223, %parallel_loop3A_1239, %parallel_loop3A_1241, %parallel_loop3A_1257, %parallel_loop3A_1259, %parallel_loop3A_1275, %parallel_loop3A_1277, %parallel_loop3A_1293, %parallel_loop3A_1295, %parallel_loop3A_1311, %parallel_loop3A_1313, %parallel_loop3A_1329, %parallel_loop3A_1331, %parallel_loop3A_1347, %parallel_loop3A_1349 : vector<16xf32>, vector<16xf32>, vector<16xf32>, vector<16xf32>, vector<16xf32>, vector<16xf32>, vector<16xf32>, vector<16xf32>, vector<16xf32>, vector<16xf32>, vector<16xf32>, vector<16xf32>, vector<16xf32>, vector<16xf32>, vector<16xf32>, vector<16xf32>
        } {sc.loop_unroll_factor = 2 : i64, sc.parallel_access}
        %reduce_sum3A_769 = arith.constant true
        %reduce_sum3A_770 = vector.broadcast %reduce_sum3A_769 : i1 to vector<16xi1>
        %reduce_sum3A_771 = tpu.scan <sum>, %parallel_loop3A_768#0 masked %reduce_sum3A_770 : vector<16xf32>, vector<16xi1> -> vector<16xf32>
        %reduce_sum3A_772 = vector.extract %reduce_sum3A_771[15] : f32 from vector<16xf32>
        %mul3A_773 = arith.mulf %reduce_sum3A_772, %scan3A_46 : f32
        %reduce_sum3A_774 = arith.constant true
        %reduce_sum3A_775 = vector.broadcast %reduce_sum3A_774 : i1 to vector<16xi1>
        %reduce_sum3A_776 = tpu.scan <sum>, %parallel_loop3A_768#1 masked %reduce_sum3A_775 : vector<16xf32>, vector<16xi1> -> vector<16xf32>
        %reduce_sum3A_777 = vector.extract %reduce_sum3A_776[15] : f32 from vector<16xf32>
        %mul3A_778 = arith.mulf %reduce_sum3A_777, %scan3A_46 : f32
        %mul3A_779 = arith.mulf %mul3A_773, %mul3A_773 : f32
        %sub3A_780 = arith.subf %mul3A_778, %mul3A_779 : f32
        %broadcast_in_dim3A_781 = vector.broadcast %mul3A_773 : f32 to vector<16xf32>
        %add3A_782 = arith.constant 9.99999996E-13 : f32
        %add3A_783 = arith.addf %sub3A_780, %add3A_782 : f32
        %broadcast_in_dim3A_784 = vector.broadcast %add3A_783 : f32 to vector<16xf32>
        %bitcast_convert_type3A_785 = tpu.bitcast %broadcast_in_dim3A_784 : vector<16xf32> -> vector<16xi32>
        %shift_right_arithmetic3A_786 = arith.constant 1 : i32
        %shift_right_arithmetic3A_787 = vector.broadcast %shift_right_arithmetic3A_786 : i32 to vector<16xi32>
        %shift_right_arithmetic3A_788 = arith.shrsi %bitcast_convert_type3A_785, %shift_right_arithmetic3A_787 : vector<16xi32>
        %sub3A_789 = arith.constant 1597463007 : i32
        %sub3A_790 = vector.broadcast %sub3A_789 : i32 to vector<16xi32>
        %sub3A_791 = arith.subi %sub3A_790, %shift_right_arithmetic3A_788 : vector<16xi32>
        %bitcast_convert_type3A_792 = tpu.bitcast %sub3A_791 : vector<16xi32> -> vector<16xf32>
        %mul3A_793 = arith.constant 5.000000e-01 : f32
        %mul3A_794 = vector.broadcast %mul3A_793 : f32 to vector<16xf32>
        %mul3A_795 = arith.mulf %mul3A_794, %broadcast_in_dim3A_784 : vector<16xf32>
        %mul3A_796 = arith.mulf %mul3A_795, %bitcast_convert_type3A_792 : vector<16xf32>
        %mul3A_797 = arith.mulf %mul3A_796, %bitcast_convert_type3A_792 : vector<16xf32>
        %sub3A_798 = arith.constant 1.500000e+00 : f32
        %sub3A_799 = vector.broadcast %sub3A_798 : f32 to vector<16xf32>
        %sub3A_800 = arith.subf %sub3A_799, %mul3A_797 : vector<16xf32>
        %mul3A_801 = arith.mulf %bitcast_convert_type3A_792, %sub3A_800 : vector<16xf32>
        %mul3A_802 = arith.constant 5.000000e-01 : f32
        %mul3A_803 = vector.broadcast %mul3A_802 : f32 to vector<16xf32>
        %mul3A_804 = arith.mulf %mul3A_803, %broadcast_in_dim3A_784 : vector<16xf32>
        %mul3A_805 = arith.mulf %mul3A_804, %mul3A_801 : vector<16xf32>
        %mul3A_806 = arith.mulf %mul3A_805, %mul3A_801 : vector<16xf32>
        %sub3A_807 = arith.constant 1.500000e+00 : f32
        %sub3A_808 = vector.broadcast %sub3A_807 : f32 to vector<16xf32>
        %sub3A_809 = arith.subf %sub3A_808, %mul3A_806 : vector<16xf32>
        %mul3A_810 = arith.mulf %mul3A_801, %sub3A_809 : vector<16xf32>
        %mul3A_811 = arith.constant 5.000000e-01 : f32
        %mul3A_812 = vector.broadcast %mul3A_811 : f32 to vector<16xf32>
        %mul3A_813 = arith.mulf %mul3A_812, %broadcast_in_dim3A_784 : vector<16xf32>
        %mul3A_814 = arith.mulf %mul3A_813, %mul3A_810 : vector<16xf32>
        %mul3A_815 = arith.mulf %mul3A_814, %mul3A_810 : vector<16xf32>
        %sub3A_816 = arith.constant 1.500000e+00 : f32
        %sub3A_817 = vector.broadcast %sub3A_816 : f32 to vector<16xf32>
        %sub3A_818 = arith.subf %sub3A_817, %mul3A_815 : vector<16xf32>
        %mul3A_819 = arith.mulf %mul3A_810, %sub3A_818 : vector<16xf32>
        %reduce_sum3A_820 = arith.constant true
        %reduce_sum3A_821 = vector.broadcast %reduce_sum3A_820 : i1 to vector<16xi1>
        %reduce_sum3A_822 = tpu.scan <sum>, %parallel_loop3A_768#2 masked %reduce_sum3A_821 : vector<16xf32>, vector<16xi1> -> vector<16xf32>
        %reduce_sum3A_823 = vector.extract %reduce_sum3A_822[15] : f32 from vector<16xf32>
        %mul3A_824 = arith.mulf %reduce_sum3A_823, %scan3A_46 : f32
        %reduce_sum3A_825 = arith.constant true
        %reduce_sum3A_826 = vector.broadcast %reduce_sum3A_825 : i1 to vector<16xi1>
        %reduce_sum3A_827 = tpu.scan <sum>, %parallel_loop3A_768#3 masked %reduce_sum3A_826 : vector<16xf32>, vector<16xi1> -> vector<16xf32>
        %reduce_sum3A_828 = vector.extract %reduce_sum3A_827[15] : f32 from vector<16xf32>
        %mul3A_829 = arith.mulf %reduce_sum3A_828, %scan3A_46 : f32
        %mul3A_830 = arith.mulf %mul3A_824, %mul3A_824 : f32
        %sub3A_831 = arith.subf %mul3A_829, %mul3A_830 : f32
        %broadcast_in_dim3A_832 = vector.broadcast %mul3A_824 : f32 to vector<16xf32>
        %add3A_833 = arith.constant 9.99999996E-13 : f32
        %add3A_834 = arith.addf %sub3A_831, %add3A_833 : f32
        %broadcast_in_dim3A_835 = vector.broadcast %add3A_834 : f32 to vector<16xf32>
        %bitcast_convert_type3A_836 = tpu.bitcast %broadcast_in_dim3A_835 : vector<16xf32> -> vector<16xi32>
        %shift_right_arithmetic3A_837 = arith.constant 1 : i32
        %shift_right_arithmetic3A_838 = vector.broadcast %shift_right_arithmetic3A_837 : i32 to vector<16xi32>
        %shift_right_arithmetic3A_839 = arith.shrsi %bitcast_convert_type3A_836, %shift_right_arithmetic3A_838 : vector<16xi32>
        %sub3A_840 = arith.constant 1597463007 : i32
        %sub3A_841 = vector.broadcast %sub3A_840 : i32 to vector<16xi32>
        %sub3A_842 = arith.subi %sub3A_841, %shift_right_arithmetic3A_839 : vector<16xi32>
        %bitcast_convert_type3A_843 = tpu.bitcast %sub3A_842 : vector<16xi32> -> vector<16xf32>
        %mul3A_844 = arith.constant 5.000000e-01 : f32
        %mul3A_845 = vector.broadcast %mul3A_844 : f32 to vector<16xf32>
        %mul3A_846 = arith.mulf %mul3A_845, %broadcast_in_dim3A_835 : vector<16xf32>
        %mul3A_847 = arith.mulf %mul3A_846, %bitcast_convert_type3A_843 : vector<16xf32>
        %mul3A_848 = arith.mulf %mul3A_847, %bitcast_convert_type3A_843 : vector<16xf32>
        %sub3A_849 = arith.constant 1.500000e+00 : f32
        %sub3A_850 = vector.broadcast %sub3A_849 : f32 to vector<16xf32>
        %sub3A_851 = arith.subf %sub3A_850, %mul3A_848 : vector<16xf32>
        %mul3A_852 = arith.mulf %bitcast_convert_type3A_843, %sub3A_851 : vector<16xf32>
        %mul3A_853 = arith.constant 5.000000e-01 : f32
        %mul3A_854 = vector.broadcast %mul3A_853 : f32 to vector<16xf32>
        %mul3A_855 = arith.mulf %mul3A_854, %broadcast_in_dim3A_835 : vector<16xf32>
        %mul3A_856 = arith.mulf %mul3A_855, %mul3A_852 : vector<16xf32>
        %mul3A_857 = arith.mulf %mul3A_856, %mul3A_852 : vector<16xf32>
        %sub3A_858 = arith.constant 1.500000e+00 : f32
        %sub3A_859 = vector.broadcast %sub3A_858 : f32 to vector<16xf32>
        %sub3A_860 = arith.subf %sub3A_859, %mul3A_857 : vector<16xf32>
        %mul3A_861 = arith.mulf %mul3A_852, %sub3A_860 : vector<16xf32>
        %mul3A_862 = arith.constant 5.000000e-01 : f32
        %mul3A_863 = vector.broadcast %mul3A_862 : f32 to vector<16xf32>
        %mul3A_864 = arith.mulf %mul3A_863, %broadcast_in_dim3A_835 : vector<16xf32>
        %mul3A_865 = arith.mulf %mul3A_864, %mul3A_861 : vector<16xf32>
        %mul3A_866 = arith.mulf %mul3A_865, %mul3A_861 : vector<16xf32>
        %sub3A_867 = arith.constant 1.500000e+00 : f32
        %sub3A_868 = vector.broadcast %sub3A_867 : f32 to vector<16xf32>
        %sub3A_869 = arith.subf %sub3A_868, %mul3A_866 : vector<16xf32>
        %mul3A_870 = arith.mulf %mul3A_861, %sub3A_869 : vector<16xf32>
        %reduce_sum3A_871 = arith.constant true
        %reduce_sum3A_872 = vector.broadcast %reduce_sum3A_871 : i1 to vector<16xi1>
        %reduce_sum3A_873 = tpu.scan <sum>, %parallel_loop3A_768#4 masked %reduce_sum3A_872 : vector<16xf32>, vector<16xi1> -> vector<16xf32>
        %reduce_sum3A_874 = vector.extract %reduce_sum3A_873[15] : f32 from vector<16xf32>
        %mul3A_875 = arith.mulf %reduce_sum3A_874, %scan3A_46 : f32
        %reduce_sum3A_876 = arith.constant true
        %reduce_sum3A_877 = vector.broadcast %reduce_sum3A_876 : i1 to vector<16xi1>
        %reduce_sum3A_878 = tpu.scan <sum>, %parallel_loop3A_768#5 masked %reduce_sum3A_877 : vector<16xf32>, vector<16xi1> -> vector<16xf32>
        %reduce_sum3A_879 = vector.extract %reduce_sum3A_878[15] : f32 from vector<16xf32>
        %mul3A_880 = arith.mulf %reduce_sum3A_879, %scan3A_46 : f32
        %mul3A_881 = arith.mulf %mul3A_875, %mul3A_875 : f32
        %sub3A_882 = arith.subf %mul3A_880, %mul3A_881 : f32
        %broadcast_in_dim3A_883 = vector.broadcast %mul3A_875 : f32 to vector<16xf32>
        %add3A_884 = arith.constant 9.99999996E-13 : f32
        %add3A_885 = arith.addf %sub3A_882, %add3A_884 : f32
        %broadcast_in_dim3A_886 = vector.broadcast %add3A_885 : f32 to vector<16xf32>
        %bitcast_convert_type3A_887 = tpu.bitcast %broadcast_in_dim3A_886 : vector<16xf32> -> vector<16xi32>
        %shift_right_arithmetic3A_888 = arith.constant 1 : i32
        %shift_right_arithmetic3A_889 = vector.broadcast %shift_right_arithmetic3A_888 : i32 to vector<16xi32>
        %shift_right_arithmetic3A_890 = arith.shrsi %bitcast_convert_type3A_887, %shift_right_arithmetic3A_889 : vector<16xi32>
        %sub3A_891 = arith.constant 1597463007 : i32
        %sub3A_892 = vector.broadcast %sub3A_891 : i32 to vector<16xi32>
        %sub3A_893 = arith.subi %sub3A_892, %shift_right_arithmetic3A_890 : vector<16xi32>
        %bitcast_convert_type3A_894 = tpu.bitcast %sub3A_893 : vector<16xi32> -> vector<16xf32>
        %mul3A_895 = arith.constant 5.000000e-01 : f32
        %mul3A_896 = vector.broadcast %mul3A_895 : f32 to vector<16xf32>
        %mul3A_897 = arith.mulf %mul3A_896, %broadcast_in_dim3A_886 : vector<16xf32>
        %mul3A_898 = arith.mulf %mul3A_897, %bitcast_convert_type3A_894 : vector<16xf32>
        %mul3A_899 = arith.mulf %mul3A_898, %bitcast_convert_type3A_894 : vector<16xf32>
        %sub3A_900 = arith.constant 1.500000e+00 : f32
        %sub3A_901 = vector.broadcast %sub3A_900 : f32 to vector<16xf32>
        %sub3A_902 = arith.subf %sub3A_901, %mul3A_899 : vector<16xf32>
        %mul3A_903 = arith.mulf %bitcast_convert_type3A_894, %sub3A_902 : vector<16xf32>
        %mul3A_904 = arith.constant 5.000000e-01 : f32
        %mul3A_905 = vector.broadcast %mul3A_904 : f32 to vector<16xf32>
        %mul3A_906 = arith.mulf %mul3A_905, %broadcast_in_dim3A_886 : vector<16xf32>
        %mul3A_907 = arith.mulf %mul3A_906, %mul3A_903 : vector<16xf32>
        %mul3A_908 = arith.mulf %mul3A_907, %mul3A_903 : vector<16xf32>
        %sub3A_909 = arith.constant 1.500000e+00 : f32
        %sub3A_910 = vector.broadcast %sub3A_909 : f32 to vector<16xf32>
        %sub3A_911 = arith.subf %sub3A_910, %mul3A_908 : vector<16xf32>
        %mul3A_912 = arith.mulf %mul3A_903, %sub3A_911 : vector<16xf32>
        %mul3A_913 = arith.constant 5.000000e-01 : f32
        %mul3A_914 = vector.broadcast %mul3A_913 : f32 to vector<16xf32>
        %mul3A_915 = arith.mulf %mul3A_914, %broadcast_in_dim3A_886 : vector<16xf32>
        %mul3A_916 = arith.mulf %mul3A_915, %mul3A_912 : vector<16xf32>
        %mul3A_917 = arith.mulf %mul3A_916, %mul3A_912 : vector<16xf32>
        %sub3A_918 = arith.constant 1.500000e+00 : f32
        %sub3A_919 = vector.broadcast %sub3A_918 : f32 to vector<16xf32>
        %sub3A_920 = arith.subf %sub3A_919, %mul3A_917 : vector<16xf32>
        %mul3A_921 = arith.mulf %mul3A_912, %sub3A_920 : vector<16xf32>
        %reduce_sum3A_922 = arith.constant true
        %reduce_sum3A_923 = vector.broadcast %reduce_sum3A_922 : i1 to vector<16xi1>
        %reduce_sum3A_924 = tpu.scan <sum>, %parallel_loop3A_768#6 masked %reduce_sum3A_923 : vector<16xf32>, vector<16xi1> -> vector<16xf32>
        %reduce_sum3A_925 = vector.extract %reduce_sum3A_924[15] : f32 from vector<16xf32>
        %mul3A_926 = arith.mulf %reduce_sum3A_925, %scan3A_46 : f32
        %reduce_sum3A_927 = arith.constant true
        %reduce_sum3A_928 = vector.broadcast %reduce_sum3A_927 : i1 to vector<16xi1>
        %reduce_sum3A_929 = tpu.scan <sum>, %parallel_loop3A_768#7 masked %reduce_sum3A_928 : vector<16xf32>, vector<16xi1> -> vector<16xf32>
        %reduce_sum3A_930 = vector.extract %reduce_sum3A_929[15] : f32 from vector<16xf32>
        %mul3A_931 = arith.mulf %reduce_sum3A_930, %scan3A_46 : f32
        %mul3A_932 = arith.mulf %mul3A_926, %mul3A_926 : f32
        %sub3A_933 = arith.subf %mul3A_931, %mul3A_932 : f32
        %broadcast_in_dim3A_934 = vector.broadcast %mul3A_926 : f32 to vector<16xf32>
        %add3A_935 = arith.constant 9.99999996E-13 : f32
        %add3A_936 = arith.addf %sub3A_933, %add3A_935 : f32
        %broadcast_in_dim3A_937 = vector.broadcast %add3A_936 : f32 to vector<16xf32>
        %bitcast_convert_type3A_938 = tpu.bitcast %broadcast_in_dim3A_937 : vector<16xf32> -> vector<16xi32>
        %shift_right_arithmetic3A_939 = arith.constant 1 : i32
        %shift_right_arithmetic3A_940 = vector.broadcast %shift_right_arithmetic3A_939 : i32 to vector<16xi32>
        %shift_right_arithmetic3A_941 = arith.shrsi %bitcast_convert_type3A_938, %shift_right_arithmetic3A_940 : vector<16xi32>
        %sub3A_942 = arith.constant 1597463007 : i32
        %sub3A_943 = vector.broadcast %sub3A_942 : i32 to vector<16xi32>
        %sub3A_944 = arith.subi %sub3A_943, %shift_right_arithmetic3A_941 : vector<16xi32>
        %bitcast_convert_type3A_945 = tpu.bitcast %sub3A_944 : vector<16xi32> -> vector<16xf32>
        %mul3A_946 = arith.constant 5.000000e-01 : f32
        %mul3A_947 = vector.broadcast %mul3A_946 : f32 to vector<16xf32>
        %mul3A_948 = arith.mulf %mul3A_947, %broadcast_in_dim3A_937 : vector<16xf32>
        %mul3A_949 = arith.mulf %mul3A_948, %bitcast_convert_type3A_945 : vector<16xf32>
        %mul3A_950 = arith.mulf %mul3A_949, %bitcast_convert_type3A_945 : vector<16xf32>
        %sub3A_951 = arith.constant 1.500000e+00 : f32
        %sub3A_952 = vector.broadcast %sub3A_951 : f32 to vector<16xf32>
        %sub3A_953 = arith.subf %sub3A_952, %mul3A_950 : vector<16xf32>
        %mul3A_954 = arith.mulf %bitcast_convert_type3A_945, %sub3A_953 : vector<16xf32>
        %mul3A_955 = arith.constant 5.000000e-01 : f32
        %mul3A_956 = vector.broadcast %mul3A_955 : f32 to vector<16xf32>
        %mul3A_957 = arith.mulf %mul3A_956, %broadcast_in_dim3A_937 : vector<16xf32>
        %mul3A_958 = arith.mulf %mul3A_957, %mul3A_954 : vector<16xf32>
        %mul3A_959 = arith.mulf %mul3A_958, %mul3A_954 : vector<16xf32>
        %sub3A_960 = arith.constant 1.500000e+00 : f32
        %sub3A_961 = vector.broadcast %sub3A_960 : f32 to vector<16xf32>
        %sub3A_962 = arith.subf %sub3A_961, %mul3A_959 : vector<16xf32>
        %mul3A_963 = arith.mulf %mul3A_954, %sub3A_962 : vector<16xf32>
        %mul3A_964 = arith.constant 5.000000e-01 : f32
        %mul3A_965 = vector.broadcast %mul3A_964 : f32 to vector<16xf32>
        %mul3A_966 = arith.mulf %mul3A_965, %broadcast_in_dim3A_937 : vector<16xf32>
        %mul3A_967 = arith.mulf %mul3A_966, %mul3A_963 : vector<16xf32>
        %mul3A_968 = arith.mulf %mul3A_967, %mul3A_963 : vector<16xf32>
        %sub3A_969 = arith.constant 1.500000e+00 : f32
        %sub3A_970 = vector.broadcast %sub3A_969 : f32 to vector<16xf32>
        %sub3A_971 = arith.subf %sub3A_970, %mul3A_968 : vector<16xf32>
        %mul3A_972 = arith.mulf %mul3A_963, %sub3A_971 : vector<16xf32>
        %reduce_sum3A_973 = arith.constant true
        %reduce_sum3A_974 = vector.broadcast %reduce_sum3A_973 : i1 to vector<16xi1>
        %reduce_sum3A_975 = tpu.scan <sum>, %parallel_loop3A_768#8 masked %reduce_sum3A_974 : vector<16xf32>, vector<16xi1> -> vector<16xf32>
        %reduce_sum3A_976 = vector.extract %reduce_sum3A_975[15] : f32 from vector<16xf32>
        %mul3A_977 = arith.mulf %reduce_sum3A_976, %scan3A_46 : f32
        %reduce_sum3A_978 = arith.constant true
        %reduce_sum3A_979 = vector.broadcast %reduce_sum3A_978 : i1 to vector<16xi1>
        %reduce_sum3A_980 = tpu.scan <sum>, %parallel_loop3A_768#9 masked %reduce_sum3A_979 : vector<16xf32>, vector<16xi1> -> vector<16xf32>
        %reduce_sum3A_981 = vector.extract %reduce_sum3A_980[15] : f32 from vector<16xf32>
        %mul3A_982 = arith.mulf %reduce_sum3A_981, %scan3A_46 : f32
        %mul3A_983 = arith.mulf %mul3A_977, %mul3A_977 : f32
        %sub3A_984 = arith.subf %mul3A_982, %mul3A_983 : f32
        %broadcast_in_dim3A_985 = vector.broadcast %mul3A_977 : f32 to vector<16xf32>
        %add3A_986 = arith.constant 9.99999996E-13 : f32
        %add3A_987 = arith.addf %sub3A_984, %add3A_986 : f32
        %broadcast_in_dim3A_988 = vector.broadcast %add3A_987 : f32 to vector<16xf32>
        %bitcast_convert_type3A_989 = tpu.bitcast %broadcast_in_dim3A_988 : vector<16xf32> -> vector<16xi32>
        %shift_right_arithmetic3A_990 = arith.constant 1 : i32
        %shift_right_arithmetic3A_991 = vector.broadcast %shift_right_arithmetic3A_990 : i32 to vector<16xi32>
        %shift_right_arithmetic3A_992 = arith.shrsi %bitcast_convert_type3A_989, %shift_right_arithmetic3A_991 : vector<16xi32>
        %sub3A_993 = arith.constant 1597463007 : i32
        %sub3A_994 = vector.broadcast %sub3A_993 : i32 to vector<16xi32>
        %sub3A_995 = arith.subi %sub3A_994, %shift_right_arithmetic3A_992 : vector<16xi32>
        %bitcast_convert_type3A_996 = tpu.bitcast %sub3A_995 : vector<16xi32> -> vector<16xf32>
        %mul3A_997 = arith.constant 5.000000e-01 : f32
        %mul3A_998 = vector.broadcast %mul3A_997 : f32 to vector<16xf32>
        %mul3A_999 = arith.mulf %mul3A_998, %broadcast_in_dim3A_988 : vector<16xf32>
        %mul3A_1000 = arith.mulf %mul3A_999, %bitcast_convert_type3A_996 : vector<16xf32>
        %mul3A_1001 = arith.mulf %mul3A_1000, %bitcast_convert_type3A_996 : vector<16xf32>
        %sub3A_1002 = arith.constant 1.500000e+00 : f32
        %sub3A_1003 = vector.broadcast %sub3A_1002 : f32 to vector<16xf32>
        %sub3A_1004 = arith.subf %sub3A_1003, %mul3A_1001 : vector<16xf32>
        %mul3A_1005 = arith.mulf %bitcast_convert_type3A_996, %sub3A_1004 : vector<16xf32>
        %mul3A_1006 = arith.constant 5.000000e-01 : f32
        %mul3A_1007 = vector.broadcast %mul3A_1006 : f32 to vector<16xf32>
        %mul3A_1008 = arith.mulf %mul3A_1007, %broadcast_in_dim3A_988 : vector<16xf32>
        %mul3A_1009 = arith.mulf %mul3A_1008, %mul3A_1005 : vector<16xf32>
        %mul3A_1010 = arith.mulf %mul3A_1009, %mul3A_1005 : vector<16xf32>
        %sub3A_1011 = arith.constant 1.500000e+00 : f32
        %sub3A_1012 = vector.broadcast %sub3A_1011 : f32 to vector<16xf32>
        %sub3A_1013 = arith.subf %sub3A_1012, %mul3A_1010 : vector<16xf32>
        %mul3A_1014 = arith.mulf %mul3A_1005, %sub3A_1013 : vector<16xf32>
        %mul3A_1015 = arith.constant 5.000000e-01 : f32
        %mul3A_1016 = vector.broadcast %mul3A_1015 : f32 to vector<16xf32>
        %mul3A_1017 = arith.mulf %mul3A_1016, %broadcast_in_dim3A_988 : vector<16xf32>
        %mul3A_1018 = arith.mulf %mul3A_1017, %mul3A_1014 : vector<16xf32>
        %mul3A_1019 = arith.mulf %mul3A_1018, %mul3A_1014 : vector<16xf32>
        %sub3A_1020 = arith.constant 1.500000e+00 : f32
        %sub3A_1021 = vector.broadcast %sub3A_1020 : f32 to vector<16xf32>
        %sub3A_1022 = arith.subf %sub3A_1021, %mul3A_1019 : vector<16xf32>
        %mul3A_1023 = arith.mulf %mul3A_1014, %sub3A_1022 : vector<16xf32>
        %reduce_sum3A_1024 = arith.constant true
        %reduce_sum3A_1025 = vector.broadcast %reduce_sum3A_1024 : i1 to vector<16xi1>
        %reduce_sum3A_1026 = tpu.scan <sum>, %parallel_loop3A_768#10 masked %reduce_sum3A_1025 : vector<16xf32>, vector<16xi1> -> vector<16xf32>
        %reduce_sum3A_1027 = vector.extract %reduce_sum3A_1026[15] : f32 from vector<16xf32>
        %mul3A_1028 = arith.mulf %reduce_sum3A_1027, %scan3A_46 : f32
        %reduce_sum3A_1029 = arith.constant true
        %reduce_sum3A_1030 = vector.broadcast %reduce_sum3A_1029 : i1 to vector<16xi1>
        %reduce_sum3A_1031 = tpu.scan <sum>, %parallel_loop3A_768#11 masked %reduce_sum3A_1030 : vector<16xf32>, vector<16xi1> -> vector<16xf32>
        %reduce_sum3A_1032 = vector.extract %reduce_sum3A_1031[15] : f32 from vector<16xf32>
        %mul3A_1033 = arith.mulf %reduce_sum3A_1032, %scan3A_46 : f32
        %mul3A_1034 = arith.mulf %mul3A_1028, %mul3A_1028 : f32
        %sub3A_1035 = arith.subf %mul3A_1033, %mul3A_1034 : f32
        %broadcast_in_dim3A_1036 = vector.broadcast %mul3A_1028 : f32 to vector<16xf32>
        %add3A_1037 = arith.constant 9.99999996E-13 : f32
        %add3A_1038 = arith.addf %sub3A_1035, %add3A_1037 : f32
        %broadcast_in_dim3A_1039 = vector.broadcast %add3A_1038 : f32 to vector<16xf32>
        %bitcast_convert_type3A_1040 = tpu.bitcast %broadcast_in_dim3A_1039 : vector<16xf32> -> vector<16xi32>
        %shift_right_arithmetic3A_1041 = arith.constant 1 : i32
        %shift_right_arithmetic3A_1042 = vector.broadcast %shift_right_arithmetic3A_1041 : i32 to vector<16xi32>
        %shift_right_arithmetic3A_1043 = arith.shrsi %bitcast_convert_type3A_1040, %shift_right_arithmetic3A_1042 : vector<16xi32>
        %sub3A_1044 = arith.constant 1597463007 : i32
        %sub3A_1045 = vector.broadcast %sub3A_1044 : i32 to vector<16xi32>
        %sub3A_1046 = arith.subi %sub3A_1045, %shift_right_arithmetic3A_1043 : vector<16xi32>
        %bitcast_convert_type3A_1047 = tpu.bitcast %sub3A_1046 : vector<16xi32> -> vector<16xf32>
        %mul3A_1048 = arith.constant 5.000000e-01 : f32
        %mul3A_1049 = vector.broadcast %mul3A_1048 : f32 to vector<16xf32>
        %mul3A_1050 = arith.mulf %mul3A_1049, %broadcast_in_dim3A_1039 : vector<16xf32>
        %mul3A_1051 = arith.mulf %mul3A_1050, %bitcast_convert_type3A_1047 : vector<16xf32>
        %mul3A_1052 = arith.mulf %mul3A_1051, %bitcast_convert_type3A_1047 : vector<16xf32>
        %sub3A_1053 = arith.constant 1.500000e+00 : f32
        %sub3A_1054 = vector.broadcast %sub3A_1053 : f32 to vector<16xf32>
        %sub3A_1055 = arith.subf %sub3A_1054, %mul3A_1052 : vector<16xf32>
        %mul3A_1056 = arith.mulf %bitcast_convert_type3A_1047, %sub3A_1055 : vector<16xf32>
        %mul3A_1057 = arith.constant 5.000000e-01 : f32
        %mul3A_1058 = vector.broadcast %mul3A_1057 : f32 to vector<16xf32>
        %mul3A_1059 = arith.mulf %mul3A_1058, %broadcast_in_dim3A_1039 : vector<16xf32>
        %mul3A_1060 = arith.mulf %mul3A_1059, %mul3A_1056 : vector<16xf32>
        %mul3A_1061 = arith.mulf %mul3A_1060, %mul3A_1056 : vector<16xf32>
        %sub3A_1062 = arith.constant 1.500000e+00 : f32
        %sub3A_1063 = vector.broadcast %sub3A_1062 : f32 to vector<16xf32>
        %sub3A_1064 = arith.subf %sub3A_1063, %mul3A_1061 : vector<16xf32>
        %mul3A_1065 = arith.mulf %mul3A_1056, %sub3A_1064 : vector<16xf32>
        %mul3A_1066 = arith.constant 5.000000e-01 : f32
        %mul3A_1067 = vector.broadcast %mul3A_1066 : f32 to vector<16xf32>
        %mul3A_1068 = arith.mulf %mul3A_1067, %broadcast_in_dim3A_1039 : vector<16xf32>
        %mul3A_1069 = arith.mulf %mul3A_1068, %mul3A_1065 : vector<16xf32>
        %mul3A_1070 = arith.mulf %mul3A_1069, %mul3A_1065 : vector<16xf32>
        %sub3A_1071 = arith.constant 1.500000e+00 : f32
        %sub3A_1072 = vector.broadcast %sub3A_1071 : f32 to vector<16xf32>
        %sub3A_1073 = arith.subf %sub3A_1072, %mul3A_1070 : vector<16xf32>
        %mul3A_1074 = arith.mulf %mul3A_1065, %sub3A_1073 : vector<16xf32>
        %reduce_sum3A_1075 = arith.constant true
        %reduce_sum3A_1076 = vector.broadcast %reduce_sum3A_1075 : i1 to vector<16xi1>
        %reduce_sum3A_1077 = tpu.scan <sum>, %parallel_loop3A_768#12 masked %reduce_sum3A_1076 : vector<16xf32>, vector<16xi1> -> vector<16xf32>
        %reduce_sum3A_1078 = vector.extract %reduce_sum3A_1077[15] : f32 from vector<16xf32>
        %mul3A_1079 = arith.mulf %reduce_sum3A_1078, %scan3A_46 : f32
        %reduce_sum3A_1080 = arith.constant true
        %reduce_sum3A_1081 = vector.broadcast %reduce_sum3A_1080 : i1 to vector<16xi1>
        %reduce_sum3A_1082 = tpu.scan <sum>, %parallel_loop3A_768#13 masked %reduce_sum3A_1081 : vector<16xf32>, vector<16xi1> -> vector<16xf32>
        %reduce_sum3A_1083 = vector.extract %reduce_sum3A_1082[15] : f32 from vector<16xf32>
        %mul3A_1084 = arith.mulf %reduce_sum3A_1083, %scan3A_46 : f32
        %mul3A_1085 = arith.mulf %mul3A_1079, %mul3A_1079 : f32
        %sub3A_1086 = arith.subf %mul3A_1084, %mul3A_1085 : f32
        %broadcast_in_dim3A_1087 = vector.broadcast %mul3A_1079 : f32 to vector<16xf32>
        %add3A_1088 = arith.constant 9.99999996E-13 : f32
        %add3A_1089 = arith.addf %sub3A_1086, %add3A_1088 : f32
        %broadcast_in_dim3A_1090 = vector.broadcast %add3A_1089 : f32 to vector<16xf32>
        %bitcast_convert_type3A_1091 = tpu.bitcast %broadcast_in_dim3A_1090 : vector<16xf32> -> vector<16xi32>
        %shift_right_arithmetic3A_1092 = arith.constant 1 : i32
        %shift_right_arithmetic3A_1093 = vector.broadcast %shift_right_arithmetic3A_1092 : i32 to vector<16xi32>
        %shift_right_arithmetic3A_1094 = arith.shrsi %bitcast_convert_type3A_1091, %shift_right_arithmetic3A_1093 : vector<16xi32>
        %sub3A_1095 = arith.constant 1597463007 : i32
        %sub3A_1096 = vector.broadcast %sub3A_1095 : i32 to vector<16xi32>
        %sub3A_1097 = arith.subi %sub3A_1096, %shift_right_arithmetic3A_1094 : vector<16xi32>
        %bitcast_convert_type3A_1098 = tpu.bitcast %sub3A_1097 : vector<16xi32> -> vector<16xf32>
        %mul3A_1099 = arith.constant 5.000000e-01 : f32
        %mul3A_1100 = vector.broadcast %mul3A_1099 : f32 to vector<16xf32>
        %mul3A_1101 = arith.mulf %mul3A_1100, %broadcast_in_dim3A_1090 : vector<16xf32>
        %mul3A_1102 = arith.mulf %mul3A_1101, %bitcast_convert_type3A_1098 : vector<16xf32>
        %mul3A_1103 = arith.mulf %mul3A_1102, %bitcast_convert_type3A_1098 : vector<16xf32>
        %sub3A_1104 = arith.constant 1.500000e+00 : f32
        %sub3A_1105 = vector.broadcast %sub3A_1104 : f32 to vector<16xf32>
        %sub3A_1106 = arith.subf %sub3A_1105, %mul3A_1103 : vector<16xf32>
        %mul3A_1107 = arith.mulf %bitcast_convert_type3A_1098, %sub3A_1106 : vector<16xf32>
        %mul3A_1108 = arith.constant 5.000000e-01 : f32
        %mul3A_1109 = vector.broadcast %mul3A_1108 : f32 to vector<16xf32>
        %mul3A_1110 = arith.mulf %mul3A_1109, %broadcast_in_dim3A_1090 : vector<16xf32>
        %mul3A_1111 = arith.mulf %mul3A_1110, %mul3A_1107 : vector<16xf32>
        %mul3A_1112 = arith.mulf %mul3A_1111, %mul3A_1107 : vector<16xf32>
        %sub3A_1113 = arith.constant 1.500000e+00 : f32
        %sub3A_1114 = vector.broadcast %sub3A_1113 : f32 to vector<16xf32>
        %sub3A_1115 = arith.subf %sub3A_1114, %mul3A_1112 : vector<16xf32>
        %mul3A_1116 = arith.mulf %mul3A_1107, %sub3A_1115 : vector<16xf32>
        %mul3A_1117 = arith.constant 5.000000e-01 : f32
        %mul3A_1118 = vector.broadcast %mul3A_1117 : f32 to vector<16xf32>
        %mul3A_1119 = arith.mulf %mul3A_1118, %broadcast_in_dim3A_1090 : vector<16xf32>
        %mul3A_1120 = arith.mulf %mul3A_1119, %mul3A_1116 : vector<16xf32>
        %mul3A_1121 = arith.mulf %mul3A_1120, %mul3A_1116 : vector<16xf32>
        %sub3A_1122 = arith.constant 1.500000e+00 : f32
        %sub3A_1123 = vector.broadcast %sub3A_1122 : f32 to vector<16xf32>
        %sub3A_1124 = arith.subf %sub3A_1123, %mul3A_1121 : vector<16xf32>
        %mul3A_1125 = arith.mulf %mul3A_1116, %sub3A_1124 : vector<16xf32>
        %reduce_sum3A_1126 = arith.constant true
        %reduce_sum3A_1127 = vector.broadcast %reduce_sum3A_1126 : i1 to vector<16xi1>
        %reduce_sum3A_1128 = tpu.scan <sum>, %parallel_loop3A_768#14 masked %reduce_sum3A_1127 : vector<16xf32>, vector<16xi1> -> vector<16xf32>
        %reduce_sum3A_1129 = vector.extract %reduce_sum3A_1128[15] : f32 from vector<16xf32>
        %mul3A_1130 = arith.mulf %reduce_sum3A_1129, %scan3A_46 : f32
        %reduce_sum3A_1131 = arith.constant true
        %reduce_sum3A_1132 = vector.broadcast %reduce_sum3A_1131 : i1 to vector<16xi1>
        %reduce_sum3A_1133 = tpu.scan <sum>, %parallel_loop3A_768#15 masked %reduce_sum3A_1132 : vector<16xf32>, vector<16xi1> -> vector<16xf32>
        %reduce_sum3A_1134 = vector.extract %reduce_sum3A_1133[15] : f32 from vector<16xf32>
        %mul3A_1135 = arith.mulf %reduce_sum3A_1134, %scan3A_46 : f32
        %mul3A_1136 = arith.mulf %mul3A_1130, %mul3A_1130 : f32
        %sub3A_1137 = arith.subf %mul3A_1135, %mul3A_1136 : f32
        %broadcast_in_dim3A_1138 = vector.broadcast %mul3A_1130 : f32 to vector<16xf32>
        %add3A_1139 = arith.constant 9.99999996E-13 : f32
        %add3A_1140 = arith.addf %sub3A_1137, %add3A_1139 : f32
        %broadcast_in_dim3A_1141 = vector.broadcast %add3A_1140 : f32 to vector<16xf32>
        %bitcast_convert_type3A_1142 = tpu.bitcast %broadcast_in_dim3A_1141 : vector<16xf32> -> vector<16xi32>
        %shift_right_arithmetic3A_1143 = arith.constant 1 : i32
        %shift_right_arithmetic3A_1144 = vector.broadcast %shift_right_arithmetic3A_1143 : i32 to vector<16xi32>
        %shift_right_arithmetic3A_1145 = arith.shrsi %bitcast_convert_type3A_1142, %shift_right_arithmetic3A_1144 : vector<16xi32>
        %sub3A_1146 = arith.constant 1597463007 : i32
        %sub3A_1147 = vector.broadcast %sub3A_1146 : i32 to vector<16xi32>
        %sub3A_1148 = arith.subi %sub3A_1147, %shift_right_arithmetic3A_1145 : vector<16xi32>
        %bitcast_convert_type3A_1149 = tpu.bitcast %sub3A_1148 : vector<16xi32> -> vector<16xf32>
        %mul3A_1150 = arith.constant 5.000000e-01 : f32
        %mul3A_1151 = vector.broadcast %mul3A_1150 : f32 to vector<16xf32>
        %mul3A_1152 = arith.mulf %mul3A_1151, %broadcast_in_dim3A_1141 : vector<16xf32>
        %mul3A_1153 = arith.mulf %mul3A_1152, %bitcast_convert_type3A_1149 : vector<16xf32>
        %mul3A_1154 = arith.mulf %mul3A_1153, %bitcast_convert_type3A_1149 : vector<16xf32>
        %sub3A_1155 = arith.constant 1.500000e+00 : f32
        %sub3A_1156 = vector.broadcast %sub3A_1155 : f32 to vector<16xf32>
        %sub3A_1157 = arith.subf %sub3A_1156, %mul3A_1154 : vector<16xf32>
        %mul3A_1158 = arith.mulf %bitcast_convert_type3A_1149, %sub3A_1157 : vector<16xf32>
        %mul3A_1159 = arith.constant 5.000000e-01 : f32
        %mul3A_1160 = vector.broadcast %mul3A_1159 : f32 to vector<16xf32>
        %mul3A_1161 = arith.mulf %mul3A_1160, %broadcast_in_dim3A_1141 : vector<16xf32>
        %mul3A_1162 = arith.mulf %mul3A_1161, %mul3A_1158 : vector<16xf32>
        %mul3A_1163 = arith.mulf %mul3A_1162, %mul3A_1158 : vector<16xf32>
        %sub3A_1164 = arith.constant 1.500000e+00 : f32
        %sub3A_1165 = vector.broadcast %sub3A_1164 : f32 to vector<16xf32>
        %sub3A_1166 = arith.subf %sub3A_1165, %mul3A_1163 : vector<16xf32>
        %mul3A_1167 = arith.mulf %mul3A_1158, %sub3A_1166 : vector<16xf32>
        %mul3A_1168 = arith.constant 5.000000e-01 : f32
        %mul3A_1169 = vector.broadcast %mul3A_1168 : f32 to vector<16xf32>
        %mul3A_1170 = arith.mulf %mul3A_1169, %broadcast_in_dim3A_1141 : vector<16xf32>
        %mul3A_1171 = arith.mulf %mul3A_1170, %mul3A_1167 : vector<16xf32>
        %mul3A_1172 = arith.mulf %mul3A_1171, %mul3A_1167 : vector<16xf32>
        %sub3A_1173 = arith.constant 1.500000e+00 : f32
        %sub3A_1174 = vector.broadcast %sub3A_1173 : f32 to vector<16xf32>
        %sub3A_1175 = arith.subf %sub3A_1174, %mul3A_1172 : vector<16xf32>
        %mul3A_1176 = arith.mulf %mul3A_1167, %sub3A_1175 : vector<16xf32>
        %parallel_loop3A_1177 = arith.constant 0 : i32
        %parallel_loop3A_1178 = arith.constant 64 : i32
        %parallel_loop3A_1179 = arith.constant 1 : i32
        scf.for %parallel_loop3A_1181 = %parallel_loop3A_1177 to %parallel_loop3A_1178 step %parallel_loop3A_1179  : i32 {
          %parallel_loop3A_1182 = arith.constant 16 : i32
          %parallel_loop3A_1183 = arith.muli %parallel_loop3A_1181, %parallel_loop3A_1182 : i32
          %parallel_loop3A_1184 = arith.index_cast %parallel_loop3A_1183 : i32 to index
          %parallel_loop3A_1185 = tpu.vector_load %arg14[%parallel_loop3A_1184] {strides = array<i32>} : memref<1024xf32, #tpu.memory_space<vmem>>, vector<16xf32>,
          %parallel_loop3A_1186 = arith.index_cast %parallel_loop3A_1183 : i32 to index
          %parallel_loop3A_1187 = tpu.vector_load %arg15[%parallel_loop3A_1186] {strides = array<i32>} : memref<1024xf32, #tpu.memory_space<vmem>>, vector<16xf32>,
          %parallel_loop3A_1188 = arith.constant 0 : i32
          %parallel_loop3A_1189 = arith.addi %add3A_668, %parallel_loop3A_1188 : i32
          %parallel_loop3A_1190 = arith.index_cast %rem3A_109 : i32 to index
          %parallel_loop3A_1191 = arith.index_cast %parallel_loop3A_1189 : i32 to index
          %parallel_loop3A_1192 = arith.index_cast %parallel_loop3A_1183 : i32 to index
          %parallel_loop3A_1193 = tpu.vector_load %arg11[%parallel_loop3A_1190, %parallel_loop3A_1191, %parallel_loop3A_1192] {strides = array<i32>} : memref<3x32x1024xf32, #tpu.memory_space<vmem>>, vector<16xf32>,
          %parallel_loop3A_1194 = arith.subf %parallel_loop3A_1193, %broadcast_in_dim3A_781 : vector<16xf32>
          %parallel_loop3A_1195 = arith.mulf %parallel_loop3A_1194, %mul3A_819 : vector<16xf32>
          %parallel_loop3A_1196 = arith.mulf %parallel_loop3A_1195, %parallel_loop3A_1185 : vector<16xf32>
          %parallel_loop3A_1197 = arith.addf %parallel_loop3A_1196, %parallel_loop3A_1187 : vector<16xf32>
          %parallel_loop3A_1198 = arith.constant 0 : i32
          %parallel_loop3A_1199 = arith.addi %add3A_668, %parallel_loop3A_1198 : i32
          %parallel_loop3A_1200 = arith.index_cast %rem3A_109 : i32 to index
          %parallel_loop3A_1201 = arith.index_cast %parallel_loop3A_1199 : i32 to index
          %parallel_loop3A_1202 = arith.index_cast %parallel_loop3A_1183 : i32 to index
          %parallel_loop3A_1203 = tpu.vector_load %arg11[%parallel_loop3A_1200, %parallel_loop3A_1201, %parallel_loop3A_1202] {strides = array<i32>} : memref<3x32x1024xf32, #tpu.memory_space<vmem>>, vector<16xf32>,
          tpu.vector_store %arg11[%parallel_loop3A_1200, %parallel_loop3A_1201, %parallel_loop3A_1202], %parallel_loop3A_1197 {strides = array<i32>} : memref<3x32x1024xf32, #tpu.memory_space<vmem>>, vector<16xf32>,
          %parallel_loop3A_1204 = arith.constant 1 : i32
          %parallel_loop3A_1205 = arith.addi %add3A_668, %parallel_loop3A_1204 : i32
          %parallel_loop3A_1206 = arith.index_cast %rem3A_109 : i32 to index
          %parallel_loop3A_1207 = arith.index_cast %parallel_loop3A_1205 : i32 to index
          %parallel_loop3A_1208 = arith.index_cast %parallel_loop3A_1183 : i32 to index
          %parallel_loop3A_1209 = tpu.vector_load %arg11[%parallel_loop3A_1206, %parallel_loop3A_1207, %parallel_loop3A_1208] {strides = array<i32>} : memref<3x32x1024xf32, #tpu.memory_space<vmem>>, vector<16xf32>,
          %parallel_loop3A_1210 = arith.subf %parallel_loop3A_1209, %broadcast_in_dim3A_832 : vector<16xf32>
          %parallel_loop3A_1211 = arith.mulf %parallel_loop3A_1210, %mul3A_870 : vector<16xf32>
          %parallel_loop3A_1212 = arith.mulf %parallel_loop3A_1211, %parallel_loop3A_1185 : vector<16xf32>
          %parallel_loop3A_1213 = arith.addf %parallel_loop3A_1212, %parallel_loop3A_1187 : vector<16xf32>
          %parallel_loop3A_1214 = arith.constant 1 : i32
          %parallel_loop3A_1215 = arith.addi %add3A_668, %parallel_loop3A_1214 : i32
          %parallel_loop3A_1216 = arith.index_cast %rem3A_109 : i32 to index
          %parallel_loop3A_1217 = arith.index_cast %parallel_loop3A_1215 : i32 to index
          %parallel_loop3A_1218 = arith.index_cast %parallel_loop3A_1183 : i32 to index
          %parallel_loop3A_1219 = tpu.vector_load %arg11[%parallel_loop3A_1216, %parallel_loop3A_1217, %parallel_loop3A_1218] {strides = array<i32>} : memref<3x32x1024xf32, #tpu.memory_space<vmem>>, vector<16xf32>,
          tpu.vector_store %arg11[%parallel_loop3A_1216, %parallel_loop3A_1217, %parallel_loop3A_1218], %parallel_loop3A_1213 {strides = array<i32>} : memref<3x32x1024xf32, #tpu.memory_space<vmem>>, vector<16xf32>,
          %parallel_loop3A_1220 = arith.constant 2 : i32
          %parallel_loop3A_1221 = arith.addi %add3A_668, %parallel_loop3A_1220 : i32
          %parallel_loop3A_1222 = arith.index_cast %rem3A_109 : i32 to index
          %parallel_loop3A_1223 = arith.index_cast %parallel_loop3A_1221 : i32 to index
          %parallel_loop3A_1224 = arith.index_cast %parallel_loop3A_1183 : i32 to index
          %parallel_loop3A_1225 = tpu.vector_load %arg11[%parallel_loop3A_1222, %parallel_loop3A_1223, %parallel_loop3A_1224] {strides = array<i32>} : memref<3x32x1024xf32, #tpu.memory_space<vmem>>, vector<16xf32>,
          %parallel_loop3A_1226 = arith.subf %parallel_loop3A_1225, %broadcast_in_dim3A_883 : vector<16xf32>
          %parallel_loop3A_1227 = arith.mulf %parallel_loop3A_1226, %mul3A_921 : vector<16xf32>
          %parallel_loop3A_1228 = arith.mulf %parallel_loop3A_1227, %parallel_loop3A_1185 : vector<16xf32>
          %parallel_loop3A_1229 = arith.addf %parallel_loop3A_1228, %parallel_loop3A_1187 : vector<16xf32>
          %parallel_loop3A_1230 = arith.constant 2 : i32
          %parallel_loop3A_1231 = arith.addi %add3A_668, %parallel_loop3A_1230 : i32
          %parallel_loop3A_1232 = arith.index_cast %rem3A_109 : i32 to index
          %parallel_loop3A_1233 = arith.index_cast %parallel_loop3A_1231 : i32 to index
          %parallel_loop3A_1234 = arith.index_cast %parallel_loop3A_1183 : i32 to index
          %parallel_loop3A_1235 = tpu.vector_load %arg11[%parallel_loop3A_1232, %parallel_loop3A_1233, %parallel_loop3A_1234] {strides = array<i32>} : memref<3x32x1024xf32, #tpu.memory_space<vmem>>, vector<16xf32>,
          tpu.vector_store %arg11[%parallel_loop3A_1232, %parallel_loop3A_1233, %parallel_loop3A_1234], %parallel_loop3A_1229 {strides = array<i32>} : memref<3x32x1024xf32, #tpu.memory_space<vmem>>, vector<16xf32>,
          %parallel_loop3A_1236 = arith.constant 3 : i32
          %parallel_loop3A_1237 = arith.addi %add3A_668, %parallel_loop3A_1236 : i32
          %parallel_loop3A_1238 = arith.index_cast %rem3A_109 : i32 to index
          %parallel_loop3A_1239 = arith.index_cast %parallel_loop3A_1237 : i32 to index
          %parallel_loop3A_1240 = arith.index_cast %parallel_loop3A_1183 : i32 to index
          %parallel_loop3A_1241 = tpu.vector_load %arg11[%parallel_loop3A_1238, %parallel_loop3A_1239, %parallel_loop3A_1240] {strides = array<i32>} : memref<3x32x1024xf32, #tpu.memory_space<vmem>>, vector<16xf32>,
          %parallel_loop3A_1242 = arith.subf %parallel_loop3A_1241, %broadcast_in_dim3A_934 : vector<16xf32>
          %parallel_loop3A_1243 = arith.mulf %parallel_loop3A_1242, %mul3A_972 : vector<16xf32>
          %parallel_loop3A_1244 = arith.mulf %parallel_loop3A_1243, %parallel_loop3A_1185 : vector<16xf32>
          %parallel_loop3A_1245 = arith.addf %parallel_loop3A_1244, %parallel_loop3A_1187 : vector<16xf32>
          %parallel_loop3A_1246 = arith.constant 3 : i32
          %parallel_loop3A_1247 = arith.addi %add3A_668, %parallel_loop3A_1246 : i32
          %parallel_loop3A_1248 = arith.index_cast %rem3A_109 : i32 to index
          %parallel_loop3A_1249 = arith.index_cast %parallel_loop3A_1247 : i32 to index
          %parallel_loop3A_1250 = arith.index_cast %parallel_loop3A_1183 : i32 to index
          %parallel_loop3A_1251 = tpu.vector_load %arg11[%parallel_loop3A_1248, %parallel_loop3A_1249, %parallel_loop3A_1250] {strides = array<i32>} : memref<3x32x1024xf32, #tpu.memory_space<vmem>>, vector<16xf32>,
          tpu.vector_store %arg11[%parallel_loop3A_1248, %parallel_loop3A_1249, %parallel_loop3A_1250], %parallel_loop3A_1245 {strides = array<i32>} : memref<3x32x1024xf32, #tpu.memory_space<vmem>>, vector<16xf32>,
          %parallel_loop3A_1252 = arith.constant 4 : i32
          %parallel_loop3A_1253 = arith.addi %add3A_668, %parallel_loop3A_1252 : i32
          %parallel_loop3A_1254 = arith.index_cast %rem3A_109 : i32 to index
          %parallel_loop3A_1255 = arith.index_cast %parallel_loop3A_1253 : i32 to index
          %parallel_loop3A_1256 = arith.index_cast %parallel_loop3A_1183 : i32 to index
          %parallel_loop3A_1257 = tpu.vector_load %arg11[%parallel_loop3A_1254, %parallel_loop3A_1255, %parallel_loop3A_1256] {strides = array<i32>} : memref<3x32x1024xf32, #tpu.memory_space<vmem>>, vector<16xf32>,
          %parallel_loop3A_1258 = arith.subf %parallel_loop3A_1257, %broadcast_in_dim3A_985 : vector<16xf32>
          %parallel_loop3A_1259 = arith.mulf %parallel_loop3A_1258, %mul3A_1023 : vector<16xf32>
          %parallel_loop3A_1260 = arith.mulf %parallel_loop3A_1259, %parallel_loop3A_1185 : vector<16xf32>
          %parallel_loop3A_1261 = arith.addf %parallel_loop3A_1260, %parallel_loop3A_1187 : vector<16xf32>
          %parallel_loop3A_1262 = arith.constant 4 : i32
          %parallel_loop3A_1263 = arith.addi %add3A_668, %parallel_loop3A_1262 : i32
          %parallel_loop3A_1264 = arith.index_cast %rem3A_109 : i32 to index
          %parallel_loop3A_1265 = arith.index_cast %parallel_loop3A_1263 : i32 to index
          %parallel_loop3A_1266 = arith.index_cast %parallel_loop3A_1183 : i32 to index
          %parallel_loop3A_1267 = tpu.vector_load %arg11[%parallel_loop3A_1264, %parallel_loop3A_1265, %parallel_loop3A_1266] {strides = array<i32>} : memref<3x32x1024xf32, #tpu.memory_space<vmem>>, vector<16xf32>,
          tpu.vector_store %arg11[%parallel_loop3A_1264, %parallel_loop3A_1265, %parallel_loop3A_1266], %parallel_loop3A_1261 {strides = array<i32>} : memref<3x32x1024xf32, #tpu.memory_space<vmem>>, vector<16xf32>,
          %parallel_loop3A_1268 = arith.constant 5 : i32
          %parallel_loop3A_1269 = arith.addi %add3A_668, %parallel_loop3A_1268 : i32
          %parallel_loop3A_1270 = arith.index_cast %rem3A_109 : i32 to index
          %parallel_loop3A_1271 = arith.index_cast %parallel_loop3A_1269 : i32 to index
          %parallel_loop3A_1272 = arith.index_cast %parallel_loop3A_1183 : i32 to index
          %parallel_loop3A_1273 = tpu.vector_load %arg11[%parallel_loop3A_1270, %parallel_loop3A_1271, %parallel_loop3A_1272] {strides = array<i32>} : memref<3x32x1024xf32, #tpu.memory_space<vmem>>, vector<16xf32>,
          %parallel_loop3A_1274 = arith.subf %parallel_loop3A_1273, %broadcast_in_dim3A_1036 : vector<16xf32>
          %parallel_loop3A_1275 = arith.mulf %parallel_loop3A_1274, %mul3A_1074 : vector<16xf32>
          %parallel_loop3A_1276 = arith.mulf %parallel_loop3A_1275, %parallel_loop3A_1185 : vector<16xf32>
          %parallel_loop3A_1277 = arith.addf %parallel_loop3A_1276, %parallel_loop3A_1187 : vector<16xf32>
          %parallel_loop3A_1278 = arith.constant 5 : i32
          %parallel_loop3A_1279 = arith.addi %add3A_668, %parallel_loop3A_1278 : i32
          %parallel_loop3A_1280 = arith.index_cast %rem3A_109 : i32 to index
          %parallel_loop3A_1281 = arith.index_cast %parallel_loop3A_1279 : i32 to index
          %parallel_loop3A_1282 = arith.index_cast %parallel_loop3A_1183 : i32 to index
          %parallel_loop3A_1283 = tpu.vector_load %arg11[%parallel_loop3A_1280, %parallel_loop3A_1281, %parallel_loop3A_1282] {strides = array<i32>} : memref<3x32x1024xf32, #tpu.memory_space<vmem>>, vector<16xf32>,
          tpu.vector_store %arg11[%parallel_loop3A_1280, %parallel_loop3A_1281, %parallel_loop3A_1282], %parallel_loop3A_1277 {strides = array<i32>} : memref<3x32x1024xf32, #tpu.memory_space<vmem>>, vector<16xf32>,
          %parallel_loop3A_1284 = arith.constant 6 : i32
          %parallel_loop3A_1285 = arith.addi %add3A_668, %parallel_loop3A_1284 : i32
          %parallel_loop3A_1286 = arith.index_cast %rem3A_109 : i32 to index
          %parallel_loop3A_1287 = arith.index_cast %parallel_loop3A_1285 : i32 to index
          %parallel_loop3A_1288 = arith.index_cast %parallel_loop3A_1183 : i32 to index
          %parallel_loop3A_1289 = tpu.vector_load %arg11[%parallel_loop3A_1286, %parallel_loop3A_1287, %parallel_loop3A_1288] {strides = array<i32>} : memref<3x32x1024xf32, #tpu.memory_space<vmem>>, vector<16xf32>,
          %parallel_loop3A_1290 = arith.subf %parallel_loop3A_1289, %broadcast_in_dim3A_1087 : vector<16xf32>
          %parallel_loop3A_1291 = arith.mulf %parallel_loop3A_1290, %mul3A_1125 : vector<16xf32>
          %parallel_loop3A_1292 = arith.mulf %parallel_loop3A_1291, %parallel_loop3A_1185 : vector<16xf32>
          %parallel_loop3A_1293 = arith.addf %parallel_loop3A_1292, %parallel_loop3A_1187 : vector<16xf32>
          %parallel_loop3A_1294 = arith.constant 6 : i32
          %parallel_loop3A_1295 = arith.addi %add3A_668, %parallel_loop3A_1294 : i32
          %parallel_loop3A_1296 = arith.index_cast %rem3A_109 : i32 to index
          %parallel_loop3A_1297 = arith.index_cast %parallel_loop3A_1295 : i32 to index
          %parallel_loop3A_1298 = arith.index_cast %parallel_loop3A_1183 : i32 to index
          %parallel_loop3A_1299 = tpu.vector_load %arg11[%parallel_loop3A_1296, %parallel_loop3A_1297, %parallel_loop3A_1298] {strides = array<i32>} : memref<3x32x1024xf32, #tpu.memory_space<vmem>>, vector<16xf32>,
          tpu.vector_store %arg11[%parallel_loop3A_1296, %parallel_loop3A_1297, %parallel_loop3A_1298], %parallel_loop3A_1293 {strides = array<i32>} : memref<3x32x1024xf32, #tpu.memory_space<vmem>>, vector<16xf32>,
          %parallel_loop3A_1300 = arith.constant 7 : i32
          %parallel_loop3A_1301 = arith.addi %add3A_668, %parallel_loop3A_1300 : i32
          %parallel_loop3A_1302 = arith.index_cast %rem3A_109 : i32 to index
          %parallel_loop3A_1303 = arith.index_cast %parallel_loop3A_1301 : i32 to index
          %parallel_loop3A_1304 = arith.index_cast %parallel_loop3A_1183 : i32 to index
          %parallel_loop3A_1305 = tpu.vector_load %arg11[%parallel_loop3A_1302, %parallel_loop3A_1303, %parallel_loop3A_1304] {strides = array<i32>} : memref<3x32x1024xf32, #tpu.memory_space<vmem>>, vector<16xf32>,
          %parallel_loop3A_1306 = arith.subf %parallel_loop3A_1305, %broadcast_in_dim3A_1138 : vector<16xf32>
          %parallel_loop3A_1307 = arith.mulf %parallel_loop3A_1306, %mul3A_1176 : vector<16xf32>
          %parallel_loop3A_1308 = arith.mulf %parallel_loop3A_1307, %parallel_loop3A_1185 : vector<16xf32>
          %parallel_loop3A_1309 = arith.addf %parallel_loop3A_1308, %parallel_loop3A_1187 : vector<16xf32>
          %parallel_loop3A_1310 = arith.constant 7 : i32
          %parallel_loop3A_1311 = arith.addi %add3A_668, %parallel_loop3A_1310 : i32
          %parallel_loop3A_1312 = arith.index_cast %rem3A_109 : i32 to index
          %parallel_loop3A_1313 = arith.index_cast %parallel_loop3A_1311 : i32 to index
          %parallel_loop3A_1314 = arith.index_cast %parallel_loop3A_1183 : i32 to index
          %parallel_loop3A_1315 = tpu.vector_load %arg11[%parallel_loop3A_1312, %parallel_loop3A_1313, %parallel_loop3A_1314] {strides = array<i32>} : memref<3x32x1024xf32, #tpu.memory_space<vmem>>, vector<16xf32>,
          tpu.vector_store %arg11[%parallel_loop3A_1312, %parallel_loop3A_1313, %parallel_loop3A_1314], %parallel_loop3A_1309 {strides = array<i32>} : memref<3x32x1024xf32, #tpu.memory_space<vmem>>, vector<16xf32>,
        } {sc.loop_unroll_factor = 2 : i64, sc.parallel_access}
        %scan3A_1180 = arith.constant 0 : i32
        scf.yield %scan3A_1180 : i32
      }
      %scan3A_131 = arith.constant 2 : i32
      %dma_start3A_132 = arith.constant 0 : i32
      %dma_start3A_133 = arith.constant 0 : i32
      %dma_start3A_134 = tpu.memref_slice %arg11[%rem3A_109, %dma_start3A_132, %dma_start3A_133] : memref<3x32x1024xf32, #tpu.memory_space<vmem>> -> memref<1x32x1024xf32, #tpu.memory_space<vmem>>
      %dma_start3A_135 = tpu.memref_squeeze %dma_start3A_134 : memref<1x32x1024xf32, #tpu.memory_space<vmem>> -> memref<32x1024xf32, #tpu.memory_space<vmem>>
      %dma_start3A_136 = arith.constant 0 : i32
      %dma_start3A_137 = tpu.memref_slice %arg8[%add3A_112, %dma_start3A_136] : memref<8192x1024xf32, #tpu.memory_space<hbm>> -> memref<32x1024xf32, #tpu.memory_space<hbm>>
      %dma_start3A_138 = tpu.memref_slice %arg17[%rem3A_109] : memref<3x!tpu.dma_semaphore, #tpu.memory_space<semaphore_mem>> -> memref<1x!tpu.dma_semaphore, #tpu.memory_space<semaphore_mem>>
      %dma_start3A_139 = tpu.memref_squeeze %dma_start3A_138 : memref<1x!tpu.dma_semaphore, #tpu.memory_space<semaphore_mem>> -> memref<!tpu.dma_semaphore, #tpu.memory_space<semaphore_mem>>
      %dma_start3A_140 = arith.constant 0 : i32
      %dma_start3A_141 = tpu.memref_slice %arg8[%add3A_112, %dma_start3A_140] : memref<8192x1024xf32, #tpu.memory_space<hbm>> -> memref<32x1024xf32, #tpu.memory_space<hbm>>
      %dma_start3A_142 = arith.constant 0 : i32
      %dma_start3A_143 = arith.constant 0 : i32
      %dma_start3A_144 = tpu.memref_slice %arg11[%rem3A_109, %dma_start3A_142, %dma_start3A_143] : memref<3x32x1024xf32, #tpu.memory_space<vmem>> -> memref<1x32x1024xf32, #tpu.memory_space<vmem>>
      %dma_start3A_145 = tpu.memref_squeeze %dma_start3A_144 : memref<1x32x1024xf32, #tpu.memory_space<vmem>> -> memref<32x1024xf32, #tpu.memory_space<vmem>>
      tpu.enqueue_dma source(%dma_start3A_145 : memref<32x1024xf32, #tpu.memory_space<vmem>>) target(%dma_start3A_141 : memref<32x1024xf32, #tpu.memory_space<hbm>>) target_semaphore(%dma_start3A_139 : memref<!tpu.dma_semaphore, #tpu.memory_space<semaphore_mem>>)
      %add3A_146 = arith.constant 2 : i32
      %add3A_147 = arith.addi %scan3A_107, %add3A_146 : i32
      %lt3A = arith.constant 8 : i32
      %lt3A_148 = arith.cmpi slt, %add3A_147, %lt3A : i32
      %convert_element_type3A = arith.extui %lt3A_148 : i1 to i32
      %cond3A = arith.constant 0 : i32
      %cond3A_149 = arith.cmpi ne, %convert_element_type3A, %cond3A : i32
      scf.if %cond3A_149 {
        %add3A_151 = arith.constant 2 : i32
        %add3A_152 = arith.addi %scan3A_107, %add3A_151 : i32
        %rem3A_153 = arith.constant 3 : i32
        %rem3A_154 = arith.remsi %add3A_152, %rem3A_153 : i32
        %add3A_155 = arith.constant 2 : i32
        %add3A_156 = arith.addi %scan3A_107, %add3A_155 : i32
        %mul3A_157 = arith.constant 32 : i32
        %mul3A_158 = arith.muli %add3A_156, %mul3A_157 : i32
        %add3A_159 = arith.addi %mul3A_2, %mul3A_158 : i32
        %ge3A = arith.constant 1 : i32
        %ge3A_160 = arith.cmpi sge, %scan3A_107, %ge3A : i32
        %convert_element_type3A_161 = arith.extui %ge3A_160 : i1 to i32
        %cond3A_162 = arith.constant 0 : i32
        %cond3A_163 = arith.cmpi ne, %convert_element_type3A_161, %cond3A_162 : i32
        scf.if %cond3A_163 {
          %sub3A = arith.constant 96 : i32
          %sub3A_176 = arith.subi %add3A_159, %sub3A : i32
          %dma_wait3A_177 = arith.constant 0 : i32
          %dma_wait3A_178 = arith.constant 0 : i32
          %dma_wait3A_179 = tpu.memref_slice %arg11[%rem3A_154, %dma_wait3A_177, %dma_wait3A_178] : memref<3x32x1024xf32, #tpu.memory_space<vmem>> -> memref<1x32x1024xf32, #tpu.memory_space<vmem>>
          %dma_wait3A_180 = tpu.memref_squeeze %dma_wait3A_179 : memref<1x32x1024xf32, #tpu.memory_space<vmem>> -> memref<32x1024xf32, #tpu.memory_space<vmem>>
          %dma_wait3A_181 = arith.constant 0 : i32
          %dma_wait3A_182 = tpu.memref_slice %arg8[%sub3A_176, %dma_wait3A_181] : memref<8192x1024xf32, #tpu.memory_space<hbm>> -> memref<32x1024xf32, #tpu.memory_space<hbm>>
          %dma_wait3A_183 = tpu.memref_slice %arg17[%rem3A_154] : memref<3x!tpu.dma_semaphore, #tpu.memory_space<semaphore_mem>> -> memref<1x!tpu.dma_semaphore, #tpu.memory_space<semaphore_mem>>
          %dma_wait3A_184 = tpu.memref_squeeze %dma_wait3A_183 : memref<1x!tpu.dma_semaphore, #tpu.memory_space<semaphore_mem>> -> memref<!tpu.dma_semaphore, #tpu.memory_space<semaphore_mem>>
          %dma_wait3A_185 = arith.constant 0 : i32
          %dma_wait3A_186 = tpu.memref_slice %arg8[%sub3A_176, %dma_wait3A_185] : memref<8192x1024xf32, #tpu.memory_space<hbm>> -> memref<32x1024xf32, #tpu.memory_space<hbm>>
          %dma_wait3A_187 = arith.constant 0 : i32
          %dma_wait3A_188 = arith.constant 0 : i32
          %dma_wait3A_189 = tpu.memref_slice %arg11[%rem3A_154, %dma_wait3A_187, %dma_wait3A_188] : memref<3x32x1024xf32, #tpu.memory_space<vmem>> -> memref<1x32x1024xf32, #tpu.memory_space<vmem>>
          %dma_wait3A_190 = tpu.memref_squeeze %dma_wait3A_189 : memref<1x32x1024xf32, #tpu.memory_space<vmem>> -> memref<32x1024xf32, #tpu.memory_space<vmem>>
          tpu.wait_dma2 semaphore(%dma_wait3A_184 : memref<!tpu.dma_semaphore, #tpu.memory_space<semaphore_mem>>) src(%dma_wait3A_190 : memref<32x1024xf32, #tpu.memory_space<vmem>>) dst(%dma_wait3A_186 : memref<32x1024xf32, #tpu.memory_space<hbm>>)
        } else {
        }
        "tpu.region"() ({
          %run_scoped3A_176 = tpu.sem_alloc : memref<!tpu.dma_semaphore, #tpu.memory_space<semaphore_mem>>
          %dma_start3A_177 = arith.constant 0 : i32
          %dma_start3A_178 = tpu.memref_slice %arg9[%rem3A_154, %dma_start3A_177] : memref<3x32xi32, #tpu.memory_space<vmem>> -> memref<1x32xi32, #tpu.memory_space<vmem>>
          %dma_start3A_179 = tpu.memref_squeeze %dma_start3A_178 : memref<1x32xi32, #tpu.memory_space<vmem>> -> memref<32xi32, #tpu.memory_space<vmem>>
          %dma_start3A_180 = tpu.memref_slice %arg3[%add3A_159] : memref<8192xi32, #tpu.memory_space<hbm>> -> memref<32xi32, #tpu.memory_space<hbm>>
          %dma_start3A_181 = arith.constant 0 : i32
          %dma_start3A_182 = tpu.memref_slice %arg9[%rem3A_154, %dma_start3A_181] : memref<3x32xi32, #tpu.memory_space<vmem>> -> memref<1x32xi32, #tpu.memory_space<vmem>>
          %dma_start3A_183 = tpu.memref_squeeze %dma_start3A_182 : memref<1x32xi32, #tpu.memory_space<vmem>> -> memref<32xi32, #tpu.memory_space<vmem>>
          %dma_start3A_184 = tpu.memref_slice %arg3[%add3A_159] : memref<8192xi32, #tpu.memory_space<hbm>> -> memref<32xi32, #tpu.memory_space<hbm>>
          tpu.enqueue_dma source(%dma_start3A_184 : memref<32xi32, #tpu.memory_space<hbm>>) target(%dma_start3A_183 : memref<32xi32, #tpu.memory_space<vmem>>) target_semaphore(%run_scoped3A_176 : memref<!tpu.dma_semaphore, #tpu.memory_space<semaphore_mem>>)
          %dma_wait3A_185 = arith.constant 0 : i32
          %dma_wait3A_186 = tpu.memref_slice %arg9[%rem3A_154, %dma_wait3A_185] : memref<3x32xi32, #tpu.memory_space<vmem>> -> memref<1x32xi32, #tpu.memory_space<vmem>>
          %dma_wait3A_187 = tpu.memref_squeeze %dma_wait3A_186 : memref<1x32xi32, #tpu.memory_space<vmem>> -> memref<32xi32, #tpu.memory_space<vmem>>
          %dma_wait3A_188 = tpu.memref_slice %arg3[%add3A_159] : memref<8192xi32, #tpu.memory_space<hbm>> -> memref<32xi32, #tpu.memory_space<hbm>>
          %dma_wait3A_189 = arith.constant 0 : i32
          %dma_wait3A_190 = tpu.memref_slice %arg9[%rem3A_154, %dma_wait3A_189] : memref<3x32xi32, #tpu.memory_space<vmem>> -> memref<1x32xi32, #tpu.memory_space<vmem>>
          %dma_wait3A_191 = tpu.memref_squeeze %dma_wait3A_190 : memref<1x32xi32, #tpu.memory_space<vmem>> -> memref<32xi32, #tpu.memory_space<vmem>>
          %dma_wait3A_192 = tpu.memref_slice %arg3[%add3A_159] : memref<8192xi32, #tpu.memory_space<hbm>> -> memref<32xi32, #tpu.memory_space<hbm>>
          tpu.wait_dma2 semaphore(%run_scoped3A_176 : memref<!tpu.dma_semaphore, #tpu.memory_space<semaphore_mem>>) src(%dma_wait3A_192 : memref<32xi32, #tpu.memory_space<hbm>>) dst(%dma_wait3A_191 : memref<32xi32, #tpu.memory_space<vmem>>)
          tpu.yield
        }) : () -> ()
        "tpu.region"() ({
          %run_scoped3A_176 = tpu.sem_alloc : memref<!tpu.dma_semaphore, #tpu.memory_space<semaphore_mem>>
          %dma_start3A_177 = arith.constant 0 : i32
          %dma_start3A_178 = tpu.memref_slice %arg10[%rem3A_154, %dma_start3A_177] : memref<3x32xf32, #tpu.memory_space<vmem>> -> memref<1x32xf32, #tpu.memory_space<vmem>>
          %dma_start3A_179 = tpu.memref_squeeze %dma_start3A_178 : memref<1x32xf32, #tpu.memory_space<vmem>> -> memref<32xf32, #tpu.memory_space<vmem>>
          %dma_start3A_180 = tpu.memref_slice %arg4[%add3A_159] : memref<8192xf32, #tpu.memory_space<hbm>> -> memref<32xf32, #tpu.memory_space<hbm>>
          %dma_start3A_181 = arith.constant 0 : i32
          %dma_start3A_182 = tpu.memref_slice %arg10[%rem3A_154, %dma_start3A_181] : memref<3x32xf32, #tpu.memory_space<vmem>> -> memref<1x32xf32, #tpu.memory_space<vmem>>
          %dma_start3A_183 = tpu.memref_squeeze %dma_start3A_182 : memref<1x32xf32, #tpu.memory_space<vmem>> -> memref<32xf32, #tpu.memory_space<vmem>>
          %dma_start3A_184 = tpu.memref_slice %arg4[%add3A_159] : memref<8192xf32, #tpu.memory_space<hbm>> -> memref<32xf32, #tpu.memory_space<hbm>>
          tpu.enqueue_dma source(%dma_start3A_184 : memref<32xf32, #tpu.memory_space<hbm>>) target(%dma_start3A_183 : memref<32xf32, #tpu.memory_space<vmem>>) target_semaphore(%run_scoped3A_176 : memref<!tpu.dma_semaphore, #tpu.memory_space<semaphore_mem>>)
          %dma_wait3A_185 = arith.constant 0 : i32
          %dma_wait3A_186 = tpu.memref_slice %arg10[%rem3A_154, %dma_wait3A_185] : memref<3x32xf32, #tpu.memory_space<vmem>> -> memref<1x32xf32, #tpu.memory_space<vmem>>
          %dma_wait3A_187 = tpu.memref_squeeze %dma_wait3A_186 : memref<1x32xf32, #tpu.memory_space<vmem>> -> memref<32xf32, #tpu.memory_space<vmem>>
          %dma_wait3A_188 = tpu.memref_slice %arg4[%add3A_159] : memref<8192xf32, #tpu.memory_space<hbm>> -> memref<32xf32, #tpu.memory_space<hbm>>
          %dma_wait3A_189 = arith.constant 0 : i32
          %dma_wait3A_190 = tpu.memref_slice %arg10[%rem3A_154, %dma_wait3A_189] : memref<3x32xf32, #tpu.memory_space<vmem>> -> memref<1x32xf32, #tpu.memory_space<vmem>>
          %dma_wait3A_191 = tpu.memref_squeeze %dma_wait3A_190 : memref<1x32xf32, #tpu.memory_space<vmem>> -> memref<32xf32, #tpu.memory_space<vmem>>
          %dma_wait3A_192 = tpu.memref_slice %arg4[%add3A_159] : memref<8192xf32, #tpu.memory_space<hbm>> -> memref<32xf32, #tpu.memory_space<hbm>>
          tpu.wait_dma2 semaphore(%run_scoped3A_176 : memref<!tpu.dma_semaphore, #tpu.memory_space<semaphore_mem>>) src(%dma_wait3A_192 : memref<32xf32, #tpu.memory_space<hbm>>) dst(%dma_wait3A_191 : memref<32xf32, #tpu.memory_space<vmem>>)
          tpu.yield
        }) : () -> ()
        %dma_start3A_164 = arith.constant 0 : i32
        %dma_start3A_165 = arith.constant 0 : i32
        %dma_start3A_166 = tpu.memref_slice %arg11[%rem3A_154, %dma_start3A_164, %dma_start3A_165] : memref<3x32x1024xf32, #tpu.memory_space<vmem>> -> memref<1x32x1024xf32, #tpu.memory_space<vmem>>
        %dma_start3A_167 = tpu.memref_squeeze %dma_start3A_166 : memref<1x32x1024xf32, #tpu.memory_space<vmem>> -> memref<32x1024xf32, #tpu.memory_space<vmem>>
        %dma_start3A_168 = arith.constant 0 : i32
        %dma_start3A_169 = tpu.memref_slice %arg9[%rem3A_154, %dma_start3A_168] : memref<3x32xi32, #tpu.memory_space<vmem>> -> memref<1x32xi32, #tpu.memory_space<vmem>>
        %dma_start3A_170 = tpu.memref_squeeze %dma_start3A_169 : memref<1x32xi32, #tpu.memory_space<vmem>> -> memref<32xi32, #tpu.memory_space<vmem>>
        %dma_start3A_171 = arith.constant 0 : i32
        %dma_start3A_172 = arith.constant 0 : i32
        %dma_start3A_173 = tpu.memref_slice %arg2[%dma_start3A_171, %dma_start3A_172] : memref<50000x1024xf32, #tpu.memory_space<hbm>> -> memref<50000x1024xf32, #tpu.memory_space<hbm>>
        %dma_start3A_174 = tpu.memref_slice %arg16[%rem3A_154] : memref<3x!tpu.dma_semaphore, #tpu.memory_space<semaphore_mem>> -> memref<1x!tpu.dma_semaphore, #tpu.memory_space<semaphore_mem>>
        %dma_start3A_175 = tpu.memref_squeeze %dma_start3A_174 : memref<1x!tpu.dma_semaphore, #tpu.memory_space<semaphore_mem>> -> memref<!tpu.dma_semaphore, #tpu.memory_space<semaphore_mem>>
        tpu.enqueue_indirect_dma source(%dma_start3A_173 : memref<50000x1024xf32, #tpu.memory_space<hbm>>) target(%dma_start3A_167 : memref<32x1024xf32, #tpu.memory_space<vmem>>) offsets(%dma_start3A_170 : memref<32xi32, #tpu.memory_space<vmem>>) semaphore(%dma_start3A_175 : memref<!tpu.dma_semaphore, #tpu.memory_space<semaphore_mem>>)
      } else {
      }
      %scan3A_150 = arith.constant 0 : i32
      scf.yield %scan3A_150 : i32
    }
    %scan3A_53 = arith.constant 8 : i32
    %add3A_54 = arith.constant 160 : i32
    %add3A_55 = arith.addi %mul3A_2, %add3A_54 : i32
    %dma_wait3A = arith.constant 2 : i32
    %dma_wait3A_56 = arith.constant 2 : i32
    %dma_wait3A_57 = arith.constant 0 : i32
    %dma_wait3A_58 = arith.constant 0 : i32
    %dma_wait3A_59 = tpu.memref_slice %arg11[%dma_wait3A, %dma_wait3A_57, %dma_wait3A_58] : memref<3x32x1024xf32, #tpu.memory_space<vmem>> -> memref<1x32x1024xf32, #tpu.memory_space<vmem>>
    %dma_wait3A_60 = tpu.memref_squeeze %dma_wait3A_59 : memref<1x32x1024xf32, #tpu.memory_space<vmem>> -> memref<32x1024xf32, #tpu.memory_space<vmem>>
    %dma_wait3A_61 = arith.constant 0 : i32
    %dma_wait3A_62 = tpu.memref_slice %arg8[%add3A_55, %dma_wait3A_61] : memref<8192x1024xf32, #tpu.memory_space<hbm>> -> memref<32x1024xf32, #tpu.memory_space<hbm>>
    %dma_wait3A_63 = tpu.memref_slice %arg17[%dma_wait3A_56] : memref<3x!tpu.dma_semaphore, #tpu.memory_space<semaphore_mem>> -> memref<1x!tpu.dma_semaphore, #tpu.memory_space<semaphore_mem>>
    %dma_wait3A_64 = tpu.memref_squeeze %dma_wait3A_63 : memref<1x!tpu.dma_semaphore, #tpu.memory_space<semaphore_mem>> -> memref<!tpu.dma_semaphore, #tpu.memory_space<semaphore_mem>>
    %dma_wait3A_65 = arith.constant 0 : i32
    %dma_wait3A_66 = tpu.memref_slice %arg8[%add3A_55, %dma_wait3A_65] : memref<8192x1024xf32, #tpu.memory_space<hbm>> -> memref<32x1024xf32, #tpu.memory_space<hbm>>
    %dma_wait3A_67 = arith.constant 0 : i32
    %dma_wait3A_68 = arith.constant 0 : i32
    %dma_wait3A_69 = tpu.memref_slice %arg11[%dma_wait3A, %dma_wait3A_67, %dma_wait3A_68] : memref<3x32x1024xf32, #tpu.memory_space<vmem>> -> memref<1x32x1024xf32, #tpu.memory_space<vmem>>
    %dma_wait3A_70 = tpu.memref_squeeze %dma_wait3A_69 : memref<1x32x1024xf32, #tpu.memory_space<vmem>> -> memref<32x1024xf32, #tpu.memory_space<vmem>>
    tpu.wait_dma2 semaphore(%dma_wait3A_64 : memref<!tpu.dma_semaphore, #tpu.memory_space<semaphore_mem>>) src(%dma_wait3A_70 : memref<32x1024xf32, #tpu.memory_space<vmem>>) dst(%dma_wait3A_66 : memref<32x1024xf32, #tpu.memory_space<hbm>>)
    %add3A_71 = arith.constant 192 : i32
    %add3A_72 = arith.addi %mul3A_2, %add3A_71 : i32
    %dma_wait3A_73 = arith.constant 0 : i32
    %dma_wait3A_74 = arith.constant 0 : i32
    %dma_wait3A_75 = arith.constant 0 : i32
    %dma_wait3A_76 = arith.constant 0 : i32
    %dma_wait3A_77 = tpu.memref_slice %arg11[%dma_wait3A_73, %dma_wait3A_75, %dma_wait3A_76] : memref<3x32x1024xf32, #tpu.memory_space<vmem>> -> memref<1x32x1024xf32, #tpu.memory_space<vmem>>
    %dma_wait3A_78 = tpu.memref_squeeze %dma_wait3A_77 : memref<1x32x1024xf32, #tpu.memory_space<vmem>> -> memref<32x1024xf32, #tpu.memory_space<vmem>>
    %dma_wait3A_79 = arith.constant 0 : i32
    %dma_wait3A_80 = tpu.memref_slice %arg8[%add3A_72, %dma_wait3A_79] : memref<8192x1024xf32, #tpu.memory_space<hbm>> -> memref<32x1024xf32, #tpu.memory_space<hbm>>
    %dma_wait3A_81 = tpu.memref_slice %arg17[%dma_wait3A_74] : memref<3x!tpu.dma_semaphore, #tpu.memory_space<semaphore_mem>> -> memref<1x!tpu.dma_semaphore, #tpu.memory_space<semaphore_mem>>
    %dma_wait3A_82 = tpu.memref_squeeze %dma_wait3A_81 : memref<1x!tpu.dma_semaphore, #tpu.memory_space<semaphore_mem>> -> memref<!tpu.dma_semaphore, #tpu.memory_space<semaphore_mem>>
    %dma_wait3A_83 = arith.constant 0 : i32
    %dma_wait3A_84 = tpu.memref_slice %arg8[%add3A_72, %dma_wait3A_83] : memref<8192x1024xf32, #tpu.memory_space<hbm>> -> memref<32x1024xf32, #tpu.memory_space<hbm>>
    %dma_wait3A_85 = arith.constant 0 : i32
    %dma_wait3A_86 = arith.constant 0 : i32
    %dma_wait3A_87 = tpu.memref_slice %arg11[%dma_wait3A_73, %dma_wait3A_85, %dma_wait3A_86] : memref<3x32x1024xf32, #tpu.memory_space<vmem>> -> memref<1x32x1024xf32, #tpu.memory_space<vmem>>
    %dma_wait3A_88 = tpu.memref_squeeze %dma_wait3A_87 : memref<1x32x1024xf32, #tpu.memory_space<vmem>> -> memref<32x1024xf32, #tpu.memory_space<vmem>>
    tpu.wait_dma2 semaphore(%dma_wait3A_82 : memref<!tpu.dma_semaphore, #tpu.memory_space<semaphore_mem>>) src(%dma_wait3A_88 : memref<32x1024xf32, #tpu.memory_space<vmem>>) dst(%dma_wait3A_84 : memref<32x1024xf32, #tpu.memory_space<hbm>>)
    %add3A_89 = arith.constant 224 : i32
    %add3A_90 = arith.addi %mul3A_2, %add3A_89 : i32
    %dma_wait3A_91 = arith.constant 1 : i32
    %dma_wait3A_92 = arith.constant 1 : i32
    %dma_wait3A_93 = arith.constant 0 : i32
    %dma_wait3A_94 = arith.constant 0 : i32
    %dma_wait3A_95 = tpu.memref_slice %arg11[%dma_wait3A_91, %dma_wait3A_93, %dma_wait3A_94] : memref<3x32x1024xf32, #tpu.memory_space<vmem>> -> memref<1x32x1024xf32, #tpu.memory_space<vmem>>
    %dma_wait3A_96 = tpu.memref_squeeze %dma_wait3A_95 : memref<1x32x1024xf32, #tpu.memory_space<vmem>> -> memref<32x1024xf32, #tpu.memory_space<vmem>>
    %dma_wait3A_97 = arith.constant 0 : i32
    %dma_wait3A_98 = tpu.memref_slice %arg8[%add3A_90, %dma_wait3A_97] : memref<8192x1024xf32, #tpu.memory_space<hbm>> -> memref<32x1024xf32, #tpu.memory_space<hbm>>
    %dma_wait3A_99 = tpu.memref_slice %arg17[%dma_wait3A_92] : memref<3x!tpu.dma_semaphore, #tpu.memory_space<semaphore_mem>> -> memref<1x!tpu.dma_semaphore, #tpu.memory_space<semaphore_mem>>
    %dma_wait3A_100 = tpu.memref_squeeze %dma_wait3A_99 : memref<1x!tpu.dma_semaphore, #tpu.memory_space<semaphore_mem>> -> memref<!tpu.dma_semaphore, #tpu.memory_space<semaphore_mem>>
    %dma_wait3A_101 = arith.constant 0 : i32
    %dma_wait3A_102 = tpu.memref_slice %arg8[%add3A_90, %dma_wait3A_101] : memref<8192x1024xf32, #tpu.memory_space<hbm>> -> memref<32x1024xf32, #tpu.memory_space<hbm>>
    %dma_wait3A_103 = arith.constant 0 : i32
    %dma_wait3A_104 = arith.constant 0 : i32
    %dma_wait3A_105 = tpu.memref_slice %arg11[%dma_wait3A_91, %dma_wait3A_103, %dma_wait3A_104] : memref<3x32x1024xf32, #tpu.memory_space<vmem>> -> memref<1x32x1024xf32, #tpu.memory_space<vmem>>
    %dma_wait3A_106 = tpu.memref_squeeze %dma_wait3A_105 : memref<1x32x1024xf32, #tpu.memory_space<vmem>> -> memref<32x1024xf32, #tpu.memory_space<vmem>>
    tpu.wait_dma2 semaphore(%dma_wait3A_100 : memref<!tpu.dma_semaphore, #tpu.memory_space<semaphore_mem>>) src(%dma_wait3A_106 : memref<32x1024xf32, #tpu.memory_space<vmem>>) dst(%dma_wait3A_102 : memref<32x1024xf32, #tpu.memory_space<hbm>>)
    return
  }
}

</mosaic_0001>

<sc_bundles>
// kernel: kernel.3.cloned.1.call-start
scs
__scs_entry_jumppad:
0x0: {  	(pc) =	sbr.rel $0x88, $3  }
0x1: {  	(tag) =	ssettag $0x0;
	lr =	simm.s32 $0x1  }
0x2: {  	[smem:$0x3F9B] =	sst lr;
	_ =	strace $0xD0000000  }
0x3: {  	_ = 	snop  }
0x4: {  	_ = 	snop  }
0x5: {  	_ = 	snop  }
0x6: {  	_ = 	snop  }
0x7: {  	_ = 	snop  }
__scs_overlays_trampoline_lowered:
0x8: {  	[smem:$0x3FAA] =	sst s0  }
0x9: {  	[smem:$0x3FAB] =	sst s1  }
0xa: {  	[smem:$0x3FAC] =	sst s2  }
0xb: {  	[smem:$0x3FAD] =	sst s3  }
0xc: {  	[smem:$0x3FAE] =	sst s4  }
0xd: {  	[smem:$0x3FAF] =	sst s5  }
0xe: {  	[smem:$0x3FB0] =	sst s6  }
0xf: {  	[smem:$0x3FB1] =	sst s7  }
0x10: {  	[smem:$0x3FB2] =	sst s8  }
0x11: {  	[smem:$0x3FB3] =	sst s9;
	s0 =	simm.s32 @!p0 $0x0  }
0x12: {  	s1 =	sld [smem:$0x3F99];
	s0 =	simm.s32 @p0 $0x1  }
0x13: {  	[smem:$0x3FB4] =	sst s0;
	s0 =	simm.s32 @!p1 $0x0  }
0x14: {  	s2 =	sld [smem:$0x3F98];
	s0 =	simm.s32 @p1 $0x1  }
0x15: {  	[smem:$0x3FB5] =	sst s0;
	s0 =	simm.s32 @!p2 $0x0  }
0x16: {  	s3 =	sld [smem:$0x3FDB];
	s0 =	simm.s32 @p2 $0x1  }
0x17: {  	s4 =	simm.s32 $0x1BF5;
	[smem:$0x3FB7] =	sst s0  }
0x18: {  	s0 =	sld [smem:$0x3F9A];
	_ =	swait.ge [sflag:s4], $0x0  }
0x19: {  	s7 =	sld [smem:$0x3F9B]  }
0x1a: {  	s8 =	sadd.s32 $0xFFFFE003, lr  }
0x1b: {  	s9 =	sadd.s32 $0xFFFFFEF7, lr;
	s5 =	simm.s32 $0xFFFFFFFF;
	p2 =	slt.u32 s8, $0xFFFFF086  }
0x1c: {  	p1 =	slt.u32 s9, $0xF7A;
	s5 =	simm.s32 @!p2 $0x0  }
0x1d: {  	s5 =	simm.s32 @p1 $0x1;
	p0 =	seq.s32 s7, s2  }
0x1e: {  	s7 =	smul.u32 @!p0 $0xF7A, s2;
	p2 =	seq.s32 @!p0 s5, $0x0  }
0x1f: {  	s9 =	smul.u32 $0xF7A, s1;
	s8 =	simm.s32 @!p0 $0x1BF5;
	p2 =	por !p2, p0  }
0x20: {  	[sflag:s8] =	ssyncset.s32 @!p0 $0xFFFFF086;
	s6 =	sadd.s32 @!p0 s3, s7;
	s7 =	simm.s32 @!p0 $0x108  }
0x21: {  	s3 =	sadd.s32 s3, s9;
	s6 =	sadd.s32 @!p0 $0x88, s6;
	s7 =	simm.s32 @p2 $0x1082  }
0x22: {  	[simem:s7], [sflag:s8] =	dma.local @!p0 [hbm:s6], $0xF7A  }
0x23: {  	s9 =	sor.u32 $0xD0000000, s2;
	s6 =	simm.s32 $0x108;
	_ =	swait.ge @!p0 [sflag:s8], $0x0  }
0x24: {  	s3 =	sadd.s32 $0x88, s3;
	s6 =	simm.s32 @!p1 $0x1082;
	[sflag:s4] =	ssyncset.s32 $0xFFFFF086  }
0x25: {  	[simem:s6], [sflag:s4] =	dma.local [hbm:s3], $0xF7A  }
0x26: {  	[smem:$0x3F9B] =	sst s1;
	(tag) =	ssettag s2;
	_ =	strace s9  }
0x27: {  	s1 =	sld [smem:$0x3FAB]  }
0x28: {  	s2 =	sld [smem:$0x3FAC]  }
0x29: {  	s4 =	sld [smem:$0x3FAE]  }
0x2a: {  	p0 =	seq.s32 s5, $0x0;
	s5 =	sld [smem:$0x3FAF]  }
0x2b: {  	s6 =	sld [smem:$0x3FB0]  }
0x2c: {  	s7 =	sld [smem:$0x3FB1]  }
0x2d: {  	s3 =	simm.s32 $0x108;
	s8 =	sld [smem:$0x3FB2]  }
0x2e: {  	s3 =	simm.s32 @!p0 $0x1082;
	s9 =	sld [smem:$0x3FB3]  }
0x2f: {  	lr =	sadd.s32 s0, s3;
	s0 =	sld [smem:$0x3FAA]  }
0x30: {  	s3 =	sld [smem:$0x3FAD]  }
0x31: {  	[smem:$0x3FB6] =	sst s10  }
0x32: {  	s10 =	sld [smem:$0x3FB4];
	_ =	sdelay $0x3  }
0x33: {  	p0 =	seq.s32 s10, $0x1;
	s10 =	sld [smem:$0x3FB6];
	_ =	sdelay $0x3  }
0x34: {  	[smem:$0x3FB6] =	sst s10  }
0x35: {  	s10 =	sld [smem:$0x3FB5];
	_ =	sdelay $0x3  }
0x36: {  	p1 =	seq.s32 s10, $0x1;
	s10 =	sld [smem:$0x3FB6];
	_ =	sdelay $0x3  }
0x37: {  	[smem:$0x3FB6] =	sst s10  }
0x38: {  	s10 =	sld [smem:$0x3FB7]  }
0x39: {  	_ = 	snop;
	(pc) =	sbr.ind lr, $3  }
0x3a: {  	_ = 	snop  }
0x3b: {  	_ = 	snop  }
0x3c: {  	p2 =	seq.s32 s10, $0x1;
	s10 =	sld [smem:$0x3FB6]  }
0x3d: {  	_ =	shalt  }
0x3e: {  	_ =	shalt  }
0x3f: {  	_ =	shalt  }
0x40: {  	_ =	shalt  }
0x41: {  	_ =	shalt  }
0x42: {  	_ =	shalt  }
0x43: {  	_ =	shalt  }
0x44: {  	_ =	shalt  }
0x45: {  	_ =	shalt  }
0x46: {  	_ =	shalt  }
0x47: {  	_ =	shalt  }
0x48: {  	_ =	shalt  }
0x49: {  	_ =	shalt  }
0x4a: {  	_ =	shalt  }
0x4b: {  	_ =	shalt  }
0x4c: {  	_ =	shalt  }
0x4d: {  	_ =	shalt  }
0x4e: {  	_ =	shalt  }
0x4f: {  	_ =	shalt  }
0x50: {  	_ =	shalt  }
0x51: {  	_ =	shalt  }
0x52: {  	_ =	shalt  }
0x53: {  	_ =	shalt  }
0x54: {  	_ =	shalt  }
0x55: {  	_ =	shalt  }
0x56: {  	_ =	shalt  }
0x57: {  	_ =	shalt  }
0x58: {  	_ =	shalt  }
0x59: {  	_ =	shalt  }
0x5a: {  	_ =	shalt  }
0x5b: {  	_ =	shalt  }
0x5c: {  	_ =	shalt  }
0x5d: {  	_ =	shalt  }
0x5e: {  	_ =	shalt  }
0x5f: {  	_ =	shalt  }
0x60: {  	_ =	shalt  }
0x61: {  	_ =	shalt  }
0x62: {  	_ =	shalt  }
0x63: {  	_ =	shalt  }
0x64: {  	_ =	shalt  }
0x65: {  	_ =	shalt  }
0x66: {  	_ =	shalt  }
0x67: {  	_ =	shalt  }
0x68: {  	_ =	shalt  }
0x69: {  	_ =	shalt  }
0x6a: {  	_ =	shalt  }
0x6b: {  	_ =	shalt  }
0x6c: {  	_ =	shalt  }
0x6d: {  	_ =	shalt  }
0x6e: {  	_ =	shalt  }
0x6f: {  	_ =	shalt  }
0x70: {  	_ =	shalt  }
0x71: {  	_ =	shalt  }
0x72: {  	_ =	shalt  }
0x73: {  	_ =	shalt  }
0x74: {  	_ =	shalt  }
0x75: {  	_ =	shalt  }
0x76: {  	_ =	shalt  }
0x77: {  	_ =	shalt  }
0x78: {  	_ =	shalt  }
0x79: {  	_ =	shalt  }
0x7a: {  	_ =	shalt  }
0x7b: {  	_ =	shalt  }
0x7c: {  	_ =	shalt  }
0x7d: {  	_ =	shalt  }
0x7e: {  	_ =	shalt  }
0x7f: {  	_ =	shalt  }
0x80: {  	_ =	shalt  }
0x81: {  	_ =	shalt  }
0x82: {  	_ =	shalt  }
0x83: {  	_ =	shalt  }
0x84: {  	_ =	shalt  }
0x85: {  	_ =	shalt  }
0x86: {  	_ =	shalt  }
0x87: {  	_ =	shalt  }
.Lfunc_end0:
.L_simem_size_0:
called_computation_lowered:
.L_overlay_start_0:
0x88: {  	s2 =	sld [smem:$0x3FD9]  }
0x89: {  	s3 =	sld [smem:$0x3FFE];
	_ =	sdelay $0x1  }
0x8a: {  	s1 =	srdreg.scid  }
0x8b: {  	s0 =	sand.u32 $0x1, s1  }
0x8c: {  	s17 =	sshll.u32 s0, $0xA;
	s2 =	sadd.s32 s3, s2  }
0x8d: {  	s2 =	sadd.s32 s2, s17  }
0x8e: {  	[smem:$0x3FC2] =	sst s2  }
0x8f: {  	_ = 	snop  }
0x90: {  	s2 =	sld [smem:$0x3FC7]  }
0x91: {  	s18 =	sld [smem:$0x3FC6]  }
0x92: {  	s4 =	sld [smem:$0x3FC5]  }
0x93: {  	s5 =	sld [smem:$0x3FC4]  }
0x94: {  	s6 =	sld [smem:$0x3FD0];
	(tm) =	ssettm $0x1  }
0x95: {  	s7 =	sld [smem:$0x3FFB];
	_ =	sdelay $0x3  }
0x96: {  	_ =	strace s7  }
0x97: {  	s7 =	sld [smem:$0x3FFC];
	_ =	sdelay $0x3  }
0x98: {  	_ =	strace s7  }
0x99: {  	s7 =	sld [smem:$0x3FFD];
	_ =	sdelay $0x3  }
0x9a: {  	_ =	strace s7  }
0x9b: {  	_ =	strace $0x8FFFFFFF  }
0x9c: {  	s19 =	sld [smem:$0x3FDB];
	_ =	sdelay $0x1  }
0x9d: {  	s8 =	simm.s32 $_scs_section_size  }
0x9e: {  	s9 =	simm.s32 $_size__tile_overlayer_lowered;
	s10 =	simm.s32 $_tile_overlayer_lowered  }
0x9f: {  	s22 =	simm.s32 $0x1BFF;
	s21 =	sshll.u32 s10, $0x1;
	s7 =	sadd.s32 s8, s19  }
0xa0: {  	s11 =	simm.s32 $0x0;
	s20 =	sshll.u32 s9, $0x1;
	s9 =	sadd.s32 s21, s7  }
0xa1: {  	[timem:s11], [sflag:s22] =	dma.local [hbm:s9], s20  }
0xa2: {  	_ =	swait.ge [sflag:s22], s20  }
0xa3: {  	s8 =	ssub.s32 $0x0, s20;
	[sflag:s22] =	ssyncset.done $0x0  }
0xa4: {  	[sflag:s22] =	ssyncadd.s32 s8;
	_ =	sdelay $0x1  }
0xa5: {  	s23 =	simm.s32 $0x1B8B  }
0xa6: {  	_ =	swait.ge [sflag:s23], $0x1  }
0xa7: {  	[sflag:s23] =	ssyncset.done $0x0  }
0xa8: {  	s25 =	simm.s32 $0x1B8E;
	s24 =	sld [smem:$0x3FFE];
	[sflag:s23] =	ssyncadd.s32 $0xFFFFFFFF  }
0xa9: {  	s26 =	simm.s32 $execute0_lowered;
	[smem:$0x3FD2] =	sst s25  }
0xaa: {  	s9 =	sshll.u32 s26, $0x1;
	_ =	strace $0x80000046;
	[dreg:$0x1] =	wrdreg $0xFFFFFFFF  }
0xab: {  	s28 =	simm.s32 $_size_execute0_lowered;
	s7 =	sadd.s32 s7, s9;
	[dreg:$0x0] =	wrdreg $0x0  }
0xac: {  	s9 =	sshll.u32 s28, $0x1;
	[dreg:$0x2] =	wrdreg s7  }
0xad: {  	[dreg:$0x3] =	wrdreg s9  }
0xae: {  	[dreg:$0x4] =	wrdreg $0xC0  }
0xaf: {  	_ =	task [dreg:s11], $0x5FFFF  }
0xb0: {  	[dreg:$0x1] =	wrdreg $0xFFFFFFFF  }
0xb1: {  	[dreg:$0x0] =	wrdreg $0x60  }
0xb2: {  	[dreg:$0x2] =	wrdreg s2  }
0xb3: {  	[dreg:$0x3] =	wrdreg s24  }
0xb4: {  	[dreg:$0x4] =	wrdreg s18  }
0xb5: {  	[dreg:$0x5] =	wrdreg s4  }
0xb6: {  	[dreg:$0x6] =	wrdreg s5  }
0xb7: {  	[dreg:$0x7] =	wrdreg s6  }
0xb8: {  	[dreg:$0x8] =	wrdreg $0x9  }
0xb9: {  	_ =	task.clear_ibuf [dreg:s11], $0x9FFFF;
	_ =	strace $0x90000046  }
0xba: {  	s29 =	simm.s32 $0x9;
	_ =	strace $0x80000048  }
0xbb: {  	_ =	swait.ge [sflag:s29], $0x1  }
0xbc: {  	[sflag:s29] =	ssyncadd.s32 $0xFFFFFFFF  }
0xbd: {  	_ =	strace $0x90000048  }
0xbe: {  	_ =	sfence  }
0xbf: {  	s30 =	sld [smem:$0x0];
	_ =	sdelay $0x2  }
0xc0: {  	s31 =	sshll.u32 s1, $0xD;
	s1 =	sshrl.u32 s1, $0x2  }
0xc1: {  	s3 =	sand.u32 $0x4000, s31;
	s1 =	sadd.s32 s1, s30  }
0xc2: {  	s0 =	sor.u32 s3, s0;
	s1 =	sshll.u32 s1, $0x11  }
0xc3: {  	s0 =	sor.u32 s1, s0  }
0xc4: {  	s0 =	sadd.s32 $0x8F2B, s0  }
0xc5: {  	[sflag:s0] =	ssyncadd.remote.s32 $0x1  }
0xc6: {  	_ =	sfence.sel $0xFFFF  }
0xc7: {  	[dreg:$0x0] =	wrdreg $0xFFFFFFFF;
	(pc) =	sbr.abs _section_cstart, $3  }
0xc8: {  	[dreg:$0x1] =	wrdreg $0xFFFFFFFF  }
0xc9: {  	_ =	task.clear_ibuf [dreg:s11], $0x2FFFF;
	_ =	strace $0x9FFFFFFF  }
0xca: {  	(tm) =	ssettm $0x7FFFFFFF  }
0xcb: {  	_ =	shalt  }
tec
execute0_lowered:
.L_overlay_start_1:
0x0: {  	(tag) =	ssettag $0x1  }
0x1: {  	s1 =	rddreg [dreg:$0x0]  }
0x2: {  	s0 =	rddreg [dreg:$0x1]  }
0x3: {  	s2 =	rddreg [dreg:$0x5];
	s6 =	simm.s32 $0x0  }
0x4: {  	s3 =	srdreg.scid;
	s5 =	stileid.u32;
	s20 =	simm.s32 $0x7  }
0x5: {  	s30 =	simm.s32 $0x0;
	[smem:$0x7FF] =	sst s6;
	s3 =	sand.u32 $0x1, s3  }
0x6: {  	s5 =	sshll.u32 s5, $0x9;
	s4 =	ssub.s32 $0x2, s3;
	s3 =	sshll.u32 s3, $0x8  }
0x7: {  	v2 =	vlaneseq.u32;
	s7 =	sadd.s32 $0x400, s0;
	s9 =	sadd.s32 $0x800, s0;
	s8 =	sor.u32 s3, s5  }
0x8: {  	vm0 =	vmmov $0xffff;
	v3 =	vimm.s32 $0x0;
	v4 =	vimm.s32 $0x1;
	s12 =	sadd.s32 $0x100, s1;
	s10 =	sshrl.u32 s4, $0x1;
	s3 =	sshrl.u32 s8, $0x3  }
0x9: {  	v5 =	vimm.s32 $0x2;
	v6 =	vimm.s32 $0x3;
	v7 =	vimm.s32 $0x4;
	_ =	strace $0x80000047;
	s25 =	ssub.s32 s4, s10;
	s26 =	sadd.s32 s7, s3  }
.Ltmp0:
0xa: {  	v8 =	vimm.s32 $0x5;
	v1 =	vshrl.u32 v2, $0x3;
	v0 =	vand.u32 $0x7, v2;
	s28 =	sadd.s32 s9, s3;
	[dreg:$0x7] =	wrdreg s26;
	(pc) =	sbr.rel .LBB2_1-.Ltmp0, $4  }
0xb: {  	v9 =	vimm.s32 $0x6;
	v10 =	vimm.s32 $0x7;
	[tilespmem:$0x1FFD0] =	vst v0;
	v0 =	vmul.u32 $0x8, v1;
	s3 =	sor.u32 $0x4, s3;
	s0 =	smax.u32 s25, $0x1;
	[dreg:$0x8] =	wrdreg s28  }
0xc: {  	v11 =	vimm.s32 $0x8;
	v12 =	vimm.s32 $0x9;
	v13 =	vimm.s32 $0xA;
	s13 =	sadd.s32 $0x200, s1;
	s29 =	sadd.s32 s7, s3;
	[dreg:$0xb] =	wrdreg s0  }
0xd: {  	v14 =	vimm.s32 $0xB;
	v15 =	vimm.s32 $0xC;
	s31 =	sshll.u32 s8, $0x7;
	[tilespmem:$0x1FFE0] =	vst v0;
	v0 =	vor.u32 $0x8, v2;
	s3 =	sadd.s32 s9, s3;
	[dreg:$0x9] =	wrdreg s29  }
0xe: {  	v16 =	vimm.s32 $0xD;
	v17 =	vimm.s32 $0xE;
	v18 =	vimm.s32 $0xF;
	s14 =	sadd.s32 $0x300, s1;
	s17 =	sadd.s32 s2, s31;
	[tilespmem:$0x1FFF0] =	vst v0;
	[dreg:$0xa] =	wrdreg s3  }
.LBB2_17:
0xf: {  	s0 =	simm.s32 $0x6  }
0x10: {  	_ =	swait.ge [sflag:s0], $0x8000  }
0x11: {  	[sflag:s0] =	ssyncset.done $0x0  }
0x12: {  	s29 =	simm.s32 $0x4;
	[sflag:s0] =	ssyncadd.s32 $0xFFFF8000  }
0x13: {  	_ =	swait.ge [sflag:s29], $0x8000  }
0x14: {  	[sflag:s29] =	ssyncset.done $0x0  }
0x15: {  	s2 =	simm.s32 $0x5;
	[sflag:s29] =	ssyncadd.s32 $0xFFFF8000  }
0x16: {  	_ =	swait.ge [sflag:s2], $0x8000  }
0x17: {  	s30 =	sadd.s32 $0x1, s30;
	s31 =	rddreg [dreg:$0xb]  }
0x18: {  	p0 =	sne.s32 s30, s31  }
.Ltmp1:
0x19: {  	_ = 	snop;
	(pc) =	sbr.rel @!p0 .LBB2_18-.Ltmp1, $3  }
0x1a: {  	_ =	sdelay $0x1  }
0x1b: {  	[sflag:s2] =	ssyncset.done $0x0  }
0x1c: {  	[sflag:s2] =	ssyncadd.s32 $0xFFFF8000  }
.LBB2_1:
0x1d: {  	s0 =	rddreg [dreg:$0x3];
	s2 =	simm.s32 $0x19000  }
0x1e: {  	[tilespmem:s2], [sflag:$0x7] =	stream.linear.gather [hbm4b:s0+s6], $0x400, $0x38;
	[tilespmem:$0x19800] =	vst v63  }
0x1f: {  	_ =	swait.ge [sflag:s20], $0x400  }
0x20: {  	[sflag:s20] =	ssyncset.done $0x0  }
0x21: {  	[sflag:s20] =	ssyncadd.s32 $0xFFFFFC00  }
0x22: {  	s25 =	simm.s32 $0x19400;
	s24 =	rddreg [dreg:$0x4]  }
0x23: {  	[tilespmem:s25], [sflag:$0x7] =	stream.linear.gather [hbm4b:s24+s6], $0x400, $0x38;
	[tilespmem:$0x19800] =	vst v63  }
0x24: {  	_ =	swait.ge [sflag:s20], $0x400  }
0x25: {  	[sflag:s20] =	ssyncset.done $0x0  }
0x26: {  	[sflag:s20] =	ssyncadd.s32 $0xFFFFFC00  }
0x27: {  	s28 =	simm.s32 $0x18400;
	s26 =	rddreg [dreg:$0x2]  }
0x28: {  	[tilespmem:s28], [sflag:$0x7] =	stream.linear.gather [hbm4b:s26+s6], $0x800, $0x38;
	[tilespmem:$0x19800] =	vst v63  }
0x29: {  	_ =	swait.ge [sflag:s20], $0x800  }
0x2a: {  	s29 =	sand.u32 $0x70, s6;
	s31 =	sand.u32 $0x700, s6;
	[sflag:s20] =	ssyncset.done $0x0  }
0x2b: {  	s0 =	sor.u32 s29, s31;
	[sflag:s20] =	ssyncadd.s32 $0xFFFFF800  }
0x2c: {  	s2 =	sadd.s32 $0x18400, s0;
	v19 =	vld [tilespmem:s0+$0x18400]  }
0x2d: {  	v20 =	vld [tilespmem:s2+$0x80];
	_ =	sdelay $0x3  }
0x2e: {  	s3 =	simm.s32 $0x10  }
0x2f: {  	s4 =	sand.u32 $0x70, s3;
	s2 =	simm.s32 $0x20;
	v19 =	vsub.f32 v20, v19  }
0x30: {  	s3 =	simm.s32 $0x20;
	s0 =	simm.s32 $0x18C00;
	s5 =	sand.u32 $0x700, s2  }
.LBB2_2:
0x31: {  	p0 =	sne.s32 s3, $0x3F0;
	s4 =	sor.u32 s4, s5;
	[tilespmem:s0+$0x0] =	vst v19  }
0x32: {  	s5 =	sadd.s32 $0x18400, s4;
	v19 =	vld [tilespmem:s4+$0x18400]  }
0x33: {  	v20 =	vld [tilespmem:s5+$0x80];
	_ =	sdelay $0x1  }
.Ltmp2:
0x34: {  	(pc) =	sbr.rel @p0 .LBB2_2-.Ltmp2, $3  }
0x35: {  	_ =	sdelay $0x1  }
0x36: {  	s2 =	sadd.s32 $0x20, s2;
	s0 =	sadd.s32 $0x10, s0;
	v19 =	vsub.f32 v20, v19  }
0x37: {  	s4 =	sand.u32 $0x70, s3;
	s3 =	sadd.s32 $0x10, s3;
	s5 =	sand.u32 $0x700, s2  }
0x38: {  	s2 =	sor.u32 s4, s5;
	[tilespmem:s0+$0x0] =	vst v19  }
0x39: {  	v19 =	vld [tilespmem:s2+$0x18400];
	s2 =	sadd.s32 $0x18400, s2  }
0x3a: {  	v20 =	vld [tilespmem:s2+$0x80];
	_ =	sdelay $0x4  }
0x3b: {  	v19 =	vsub.f32 v20, v19  }
0x3c: {  	s25 =	sadd.s32 $0x10, s0  }
0x3d: {  	s31 =	simm.s32 $0x0;
	s26 =	rddreg [dreg:$0x7];
	[tilespmem:s25+$0x0] =	vst v19  }
0x3e: {  	[tilespmem:s31], [sflag:$0x7] =	stream.linear.gather [hbm4b:s26+s31], $0x20, $0x38;
	[tilespmem:$0x19800] =	vst v63  }
0x3f: {  	_ =	swait.ge [sflag:s20], $0x20  }
0x40: {  	[sflag:s20] =	ssyncset.done $0x0  }
0x41: {  	s29 =	simm.s32 $0x200;
	s28 =	rddreg [dreg:$0x8];
	[sflag:s20] =	ssyncadd.s32 $0xFFFFFFE0  }
0x42: {  	[tilespmem:s29], [sflag:$0x7] =	stream.linear.gather [hbm4b:s28+s31], $0x20, $0x38;
	[tilespmem:$0x19800] =	vst v63  }
0x43: {  	_ =	swait.ge [sflag:s20], $0x20  }
0x44: {  	[sflag:s20] =	ssyncset.done $0x0  }
0x45: {  	[sflag:s20] =	ssyncadd.s32 $0xFFFFFFE0  }
0x46: {  	v19 =	vld [tilespmem:$0x0];
	_ =	sdelay $0x2  }
0x47: {  	v0 =	vld [tilespmem:$0x1FFD0];
	_ =	sdelay $0x1  }
0x48: {  	v1 =	vld [tilespmem:$0x1FFE0];
	v20 =	vshll.u32 v19, $0x3  }
0x49: {  	v19 =	vand.u32 $0x7, v19;
	v20 =	vand.u32 $0xFFFFFFC0, v20  }
0x4a: {  	v19 =	vor.u32 v19, v20  }
0x4b: {  	v20 =	vperm.xlane v19, v0;
	_ =	sdelay $0x1  }
0x4c: {  	v20 =	vadd.s32 v1, v20  }
0x4d: {  	v2 =	vld [tilespmem:$0x1FFF0];
	_ =	sdelay $0x2  }
0x4e: {  	s2 =	simm.s32 $0x400  }
0x4f: {  	[tilespmem:s2], [sflag:$0x1] =	stream.indirect_vreg.gather [hbm4b:s1+s31], $0x80, v20, vm0, $0xb8;
	[tilespmem:$0x19800] =	vst v63  }
0x50: {  	s3 =	simm.s32 $0xC00;
	v19 =	vperm.xlane v19, v2  }
0x51: {  	[tilespmem:s3], [sflag:$0x1] =	stream.indirect_vreg.gather [hbm4b:s12+s31], $0x80, v20, vm0, $0xb8;
	[tilespmem:$0x19800] =	vst v63  }
0x52: {  	s4 =	simm.s32 $0x1400;
	v19 =	vadd.s32 v1, v19  }
0x53: {  	[tilespmem:s4], [sflag:$0x1] =	stream.indirect_vreg.gather [hbm4b:s13+s31], $0x80, v20, vm0, $0xb8;
	[tilespmem:$0x19800] =	vst v63  }
0x54: {  	s5 =	simm.s32 $0x1C00  }
0x55: {  	[tilespmem:s5], [sflag:$0x1] =	stream.indirect_vreg.gather [hbm4b:s14+s31], $0x80, v20, vm0, $0xb8;
	[tilespmem:$0x19800] =	vst v63  }
0x56: {  	s10 =	simm.s32 $0x2400  }
0x57: {  	[tilespmem:s10], [sflag:$0x1] =	stream.indirect_vreg.gather [hbm4b:s1+s31], $0x80, v19, vm0, $0xb8;
	[tilespmem:$0x19800] =	vst v63  }
0x58: {  	s11 =	simm.s32 $0x2C00  }
0x59: {  	[tilespmem:s11], [sflag:$0x1] =	stream.indirect_vreg.gather [hbm4b:s12+s31], $0x80, v19, vm0, $0xb8;
	[tilespmem:$0x19800] =	vst v63  }
0x5a: {  	s15 =	simm.s32 $0x3400  }
0x5b: {  	[tilespmem:s15], [sflag:$0x1] =	stream.indirect_vreg.gather [hbm4b:s13+s31], $0x80, v19, vm0, $0xb8;
	[tilespmem:$0x19800] =	vst v63  }
0x5c: {  	s16 =	simm.s32 $0x3C00  }
0x5d: {  	[tilespmem:s16], [sflag:$0x1] =	stream.indirect_vreg.gather [hbm4b:s14+s31], $0x80, v19, vm0, $0xb8;
	[tilespmem:$0x19800] =	vst v63  }
0x5e: {  	v19 =	vld [tilespmem:$0x10];
	_ =	sdelay $0x4  }
0x5f: {  	v20 =	vshll.u32 v19, $0x3  }
0x60: {  	v19 =	vand.u32 $0x7, v19;
	v20 =	vand.u32 $0xFFFFFFC0, v20  }
0x61: {  	v19 =	vor.u32 v19, v20  }
0x62: {  	v20 =	vperm.xlane v19, v0;
	_ =	sdelay $0x1  }
0x63: {  	v20 =	vadd.s32 v1, v20;
	_ =	sdelay $0x3  }
0x64: {  	s18 =	simm.s32 $0x4400  }
0x65: {  	[tilespmem:s18], [sflag:$0x1] =	stream.indirect_vreg.gather [hbm4b:s1+s31], $0x80, v20, vm0, $0xb8;
	[tilespmem:$0x19800] =	vst v63  }
0x66: {  	s19 =	simm.s32 $0x4C00;
	v19 =	vperm.xlane v19, v2  }
0x67: {  	[tilespmem:s19], [sflag:$0x1] =	stream.indirect_vreg.gather [hbm4b:s12+s31], $0x80, v20, vm0, $0xb8;
	[tilespmem:$0x19800] =	vst v63  }
0x68: {  	s21 =	simm.s32 $0x5400;
	v19 =	vadd.s32 v1, v19  }
0x69: {  	[tilespmem:s21], [sflag:$0x1] =	stream.indirect_vreg.gather [hbm4b:s13+s31], $0x80, v20, vm0, $0xb8;
	[tilespmem:$0x19800] =	vst v63  }
0x6a: {  	s22 =	simm.s32 $0x5C00  }
0x6b: {  	[tilespmem:s22], [sflag:$0x1] =	stream.indirect_vreg.gather [hbm4b:s14+s31], $0x80, v20, vm0, $0xb8;
	[tilespmem:$0x19800] =	vst v63  }
0x6c: {  	s23 =	simm.s32 $0x6400  }
0x6d: {  	[tilespmem:s23], [sflag:$0x1] =	stream.indirect_vreg.gather [hbm4b:s1+s31], $0x80, v19, vm0, $0xb8;
	[tilespmem:$0x19800] =	vst v63  }
0x6e: {  	s24 =	simm.s32 $0x6C00  }
0x6f: {  	[tilespmem:s24], [sflag:$0x1] =	stream.indirect_vreg.gather [hbm4b:s12+s31], $0x80, v19, vm0, $0xb8;
	[tilespmem:$0x19800] =	vst v63  }
0x70: {  	s25 =	simm.s32 $0x7400  }
0x71: {  	[tilespmem:s25], [sflag:$0x1] =	stream.indirect_vreg.gather [hbm4b:s13+s31], $0x80, v19, vm0, $0xb8;
	[tilespmem:$0x19800] =	vst v63  }
0x72: {  	s26 =	simm.s32 $0x7C00  }
0x73: {  	[tilespmem:s26], [sflag:$0x1] =	stream.indirect_vreg.gather [hbm4b:s14+s31], $0x80, v19, vm0, $0xb8;
	[tilespmem:$0x19800] =	vst v63  }
0x74: {  	s29 =	simm.s32 $0x80;
	s28 =	rddreg [dreg:$0x9]  }
0x75: {  	[tilespmem:s29], [sflag:$0x7] =	stream.linear.gather [hbm4b:s28+s31], $0x20, $0x38;
	[tilespmem:$0x19800] =	vst v63  }
0x76: {  	_ =	swait.ge [sflag:s20], $0x20  }
0x77: {  	[sflag:s20] =	ssyncset.done $0x0  }
0x78: {  	s3 =	simm.s32 $0x280;
	s2 =	rddreg [dreg:$0xa];
	[sflag:s20] =	ssyncadd.s32 $0xFFFFFFE0  }
0x79: {  	[tilespmem:s3], [sflag:$0x7] =	stream.linear.gather [hbm4b:s2+s31], $0x20, $0x38;
	[tilespmem:$0x19800] =	vst v63  }
0x7a: {  	_ =	swait.ge [sflag:s20], $0x20  }
0x7b: {  	[sflag:s20] =	ssyncset.done $0x0  }
0x7c: {  	[sflag:s20] =	ssyncadd.s32 $0xFFFFFFE0  }
0x7d: {  	v19 =	vld [tilespmem:$0x80];
	_ =	sdelay $0x4  }
0x7e: {  	v20 =	vshll.u32 v19, $0x3  }
0x7f: {  	v19 =	vand.u32 $0x7, v19;
	v20 =	vand.u32 $0xFFFFFFC0, v20  }
0x80: {  	v19 =	vor.u32 v19, v20  }
0x81: {  	v20 =	vperm.xlane v19, v0;
	_ =	sdelay $0x1  }
0x82: {  	v20 =	vadd.s32 v1, v20;
	_ =	sdelay $0x3  }
0x83: {  	s4 =	simm.s32 $0x8400  }
0x84: {  	[tilespmem:s4], [sflag:$0x2] =	stream.indirect_vreg.gather [hbm4b:s1+s31], $0x80, v20, vm0, $0xb8;
	[tilespmem:$0x19800] =	vst v63  }
0x85: {  	s5 =	simm.s32 $0x8C00;
	v19 =	vperm.xlane v19, v2  }
0x86: {  	[tilespmem:s5], [sflag:$0x2] =	stream.indirect_vreg.gather [hbm4b:s12+s31], $0x80, v20, vm0, $0xb8;
	[tilespmem:$0x19800] =	vst v63  }
0x87: {  	s10 =	simm.s32 $0x9400;
	v19 =	vadd.s32 v1, v19  }
0x88: {  	[tilespmem:s10], [sflag:$0x2] =	stream.indirect_vreg.gather [hbm4b:s13+s31], $0x80, v20, vm0, $0xb8;
	[tilespmem:$0x19800] =	vst v63  }
0x89: {  	s11 =	simm.s32 $0x9C00  }
0x8a: {  	[tilespmem:s11], [sflag:$0x2] =	stream.indirect_vreg.gather [hbm4b:s14+s31], $0x80, v20, vm0, $0xb8;
	[tilespmem:$0x19800] =	vst v63  }
0x8b: {  	s15 =	simm.s32 $0xA400  }
0x8c: {  	[tilespmem:s15], [sflag:$0x2] =	stream.indirect_vreg.gather [hbm4b:s1+s31], $0x80, v19, vm0, $0xb8;
	[tilespmem:$0x19800] =	vst v63  }
0x8d: {  	s16 =	simm.s32 $0xAC00  }
0x8e: {  	[tilespmem:s16], [sflag:$0x2] =	stream.indirect_vreg.gather [hbm4b:s12+s31], $0x80, v19, vm0, $0xb8;
	[tilespmem:$0x19800] =	vst v63  }
0x8f: {  	s18 =	simm.s32 $0xB400  }
0x90: {  	[tilespmem:s18], [sflag:$0x2] =	stream.indirect_vreg.gather [hbm4b:s13+s31], $0x80, v19, vm0, $0xb8;
	[tilespmem:$0x19800] =	vst v63  }
0x91: {  	s19 =	simm.s32 $0xBC00  }
0x92: {  	[tilespmem:s19], [sflag:$0x2] =	stream.indirect_vreg.gather [hbm4b:s14+s31], $0x80, v19, vm0, $0xb8;
	[tilespmem:$0x19800] =	vst v63  }
0x93: {  	v19 =	vld [tilespmem:$0x90];
	_ =	sdelay $0x4  }
0x94: {  	v20 =	vshll.u32 v19, $0x3  }
0x95: {  	v19 =	vand.u32 $0x7, v19;
	v20 =	vand.u32 $0xFFFFFFC0, v20  }
0x96: {  	v19 =	vor.u32 v19, v20  }
0x97: {  	v20 =	vperm.xlane v19, v0;
	_ =	sdelay $0x1  }
0x98: {  	v20 =	vadd.s32 v1, v20;
	_ =	sdelay $0x3  }
0x99: {  	s21 =	simm.s32 $0xC400  }
0x9a: {  	[tilespmem:s21], [sflag:$0x2] =	stream.indirect_vreg.gather [hbm4b:s1+s31], $0x80, v20, vm0, $0xb8;
	[tilespmem:$0x19800] =	vst v63  }
0x9b: {  	s22 =	simm.s32 $0xCC00;
	v19 =	vperm.xlane v19, v2  }
0x9c: {  	[tilespmem:s22], [sflag:$0x2] =	stream.indirect_vreg.gather [hbm4b:s12+s31], $0x80, v20, vm0, $0xb8;
	[tilespmem:$0x19800] =	vst v63  }
0x9d: {  	s23 =	simm.s32 $0xD400;
	v19 =	vadd.s32 v1, v19  }
0x9e: {  	[tilespmem:s23], [sflag:$0x2] =	stream.indirect_vreg.gather [hbm4b:s13+s31], $0x80, v20, vm0, $0xb8;
	[tilespmem:$0x19800] =	vst v63  }
0x9f: {  	s24 =	simm.s32 $0xDC00  }
0xa0: {  	[tilespmem:s24], [sflag:$0x2] =	stream.indirect_vreg.gather [hbm4b:s14+s31], $0x80, v20, vm0, $0xb8;
	[tilespmem:$0x19800] =	vst v63  }
0xa1: {  	s25 =	simm.s32 $0xE400  }
0xa2: {  	[tilespmem:s25], [sflag:$0x2] =	stream.indirect_vreg.gather [hbm4b:s1+s31], $0x80, v19, vm0, $0xb8;
	[tilespmem:$0x19800] =	vst v63  }
0xa3: {  	s26 =	simm.s32 $0xEC00  }
0xa4: {  	[tilespmem:s26], [sflag:$0x2] =	stream.indirect_vreg.gather [hbm4b:s12+s31], $0x80, v19, vm0, $0xb8;
	[tilespmem:$0x19800] =	vst v63  }
.Ltmp3:
0xa5: {  	_ = 	snop;
	(pc) =	sbr.rel .LBB2_4-.Ltmp3, $4  }
0xa6: {  	s28 =	simm.s32 $0xF400  }
0xa7: {  	[tilespmem:s28], [sflag:$0x2] =	stream.indirect_vreg.gather [hbm4b:s13+s31], $0x80, v19, vm0, $0xb8;
	[tilespmem:$0x19800] =	vst v63  }
0xa8: {  	s29 =	simm.s32 $0xFC00  }
0xa9: {  	[tilespmem:s29], [sflag:$0x2] =	stream.indirect_vreg.gather [hbm4b:s14+s31], $0x80, v19, vm0, $0xb8;
	[tilespmem:$0x19800] =	vst v63  }
.LBB2_16:
0xaa: {  	s31 =	sadd.s32 $0x1, s31  }
0xab: {  	p0 =	sne.s32 s31, $0x8  }
.Ltmp4:
0xac: {  	_ = 	snop;
	(pc) =	sbr.rel @!p0 .LBB2_17-.Ltmp4, $1  }
0xad: {  	_ =	sdelay $0x3  }
.LBB2_4:
0xae: {  	s0 =	smul.u32 $0xAB, s31;
	_ =	sdelay $0x1  }
0xaf: {  	s0 =	sshrl.u32 s0, $0x9  }
0xb0: {  	s0 =	sand.u32 $0x7F, s0  }
0xb1: {  	s0 =	smul.u32 $0x3, s0;
	_ =	sdelay $0x1  }
0xb2: {  	s0 =	ssub.s32 s31, s0  }
0xb3: {  	s0 =	sand.u32 $0xFF, s0  }
0xb4: {  	s2 =	sadd.s32 $0x1, s0  }
0xb5: {  	p1 =	por $0x1, $0x1;
	s3 =	sshll.u32 s0, $0x7;
	_ =	swait.ge [sflag:s2], $0x8000  }
0xb6: {  	s29 =	sshll.u32 s0, $0xF;
	s28 =	sor.u32 $0x200, s3;
	[sflag:s2] =	ssyncset.done $0x0  }
0xb7: {  	s5 =	sor.u32 $0x400, s29;
	v19 =	vmov s28;
	[sflag:s2] =	ssyncadd.s32 $0xFFFF8000;
	s2 =	simm.s32 $0x0  }
.LBB2_5:
0xb8: {  	_ =	sdelay $0x1  }
0xb9: {  	s3 =	sshll.u32 s2, $0x4  }
0xba: {  	s3 =	sand.u32 $0x3FFFFFF0, s3  }
0xbb: {  	s4 =	simm.s32 $0x0;
	v20 =	vld.idx.msk [tilespmem:v19+s3+$0x0 ss:$0x1], $0xffff  }
0xbc: {  	s26 =	sshll.u32 s2, $0xE;
	s25 =	sand.u32 $0x1C00, s4  }
0xbd: {  	s10 =	simm.s32 $0x18C00;
	s2 =	sand.u32 $0x3FFFC000, s26;
	s11 =	sshrl.u32 s25, $0x2  }
0xbe: {  	s19 =	sand.u32 $0x60, s4;
	s2 =	sadd.s32 s2, s5;
	s11 =	sadd.s32 $0x18400, s11  }
0xbf: {  	v23 =	vld [tilespmem:s10+$0x0];
	s3 =	sadd.s32 s25, s2;
	s28 =	sor.u32 s19, s11  }
0xc0: {  	s29 =	sadd.s32 s19, s3;
	v30 =	vld [tilespmem:s28+$0x0];
	v21 =	vperm.xlane v20, v3;
	v22 =	vperm.xlane v20, v4  }
0xc1: {  	v31 =	vld [tilespmem:s29+$0x280];
	v24 =	vperm.xlane v20, v5;
	v25 =	vperm.xlane v20, v6  }
0xc2: {  	v33 =	vld [tilespmem:s29+$0x300];
	v26 =	vperm.xlane v20, v7;
	v28 =	vperm.xlane v20, v9  }
0xc3: {  	s21 =	sand.u32 $0x380, s4;
	s19 =	sor.u32 $0x10, s19;
	v35 =	vld [tilespmem:s29+$0x380];
	v27 =	vperm.xlane v20, v8;
	v29 =	vperm.xlane v20, v10  }
0xc4: {  	s21 =	sor.u32 s19, s21;
	v58 =	vld [tilespmem:s29+$0x100];
	v32 =	vmul.f32 v23, v21;
	v36 =	vmul.f32 v23, v28  }
0xc5: {  	v42 =	vld [tilespmem:s21+$0x18C00];
	v37 =	vmul.f32 v23, v27;
	v38 =	vmul.f32 v23, v29  }
0xc6: {  	v45 =	vld [tilespmem:s29+$0x0];
	v39 =	vmul.f32 v23, v24;
	v40 =	vmul.f32 v23, v26;
	v41 =	vadd.f32 v32, v30  }
0xc7: {  	v59 =	vld [tilespmem:s29+$0x200];
	v43 =	vmul.f32 v23, v25;
	v37 =	vadd.f32 v37, v30;
	v36 =	vadd.f32 v36, v30  }
0xc8: {  	v48 =	vld [tilespmem:s29+$0x180];
	v23 =	vmul.f32 v23, v22;
	v39 =	vadd.f32 v39, v30;
	v38 =	vadd.f32 v38, v30  }
0xc9: {  	v34 =	vimm.f32 $0.0e+00;
	s11 =	sor.u32 s19, s11;
	v50 =	vld [tilespmem:s29+$0x80];
	v46 =	vadd.f32 v40, v30;
	v43 =	vadd.f32 v43, v30  }
0xca: {  	v55 =	vld [tilespmem:s11+$0x0];
	v49 =	vmul.f32 v42, v24;
	v51 =	vmul.f32 v42, v25;
	v23 =	vadd.f32 v23, v30  }
0xcb: {  	v53 =	vmul.f32 v42, v26;
	v37 =	vadd.f32 v31, v37;
	v44 =	vadd.f32 v33, v36  }
0xcc: {  	v62 =	vmul.f32 v42, v27;
	v47 =	vadd.f32 v35, v38;
	v52 =	vadd.f32 v58, v39  }
0xcd: {  	v41 =	vadd.f32 v41, v45;
	v45 =	vmul.f32 v42, v21;
	v46 =	vadd.f32 v59, v46  }
0xce: {  	v48 =	vadd.f32 v48, v43;
	v50 =	vadd.f32 v50, v23;
	v23 =	vmul.f32 v42, v22  }
0xcf: {  	v49 =	vadd.f32 v49, v55;
	v57 =	vadd.f32 v51, v55;
	v31 =	vmul.f32 v37, v37  }
0xd0: {  	s3 =	sadd.s32 s19, s3;
	v33 =	vmul.f32 v44, v44;
	v36 =	vadd.f32 v37, v34;
	v40 =	vadd.f32 v52, v34  }
0xd1: {  	v30 =	vld [tilespmem:s3+$0x200];
	v60 =	vmul.f32 v47, v47;
	v35 =	vadd.f32 v47, v34;
	v39 =	vadd.f32 v44, v34  }
0xd2: {  	v38 =	vmul.f32 v52, v52;
	v59 =	vadd.f32 v41, v34;
	[tilespmem:s29+$0x280] =	vst v37;
	v37 =	vadd.f32 v53, v55  }
0xd3: {  	v61 =	vmul.f32 v41, v41;
	v54 =	vadd.f32 v46, v34;
	v23 =	vadd.f32 v23, v55  }
0xd4: {  	v58 =	vld [tilespmem:s3+$0x80];
	[tilespmem:s29+$0x300] =	vst v44;
	v43 =	vmul.f32 v50, v50;
	v31 =	vadd.f32 v31, v34;
	v33 =	vadd.f32 v33, v34  }
0xd5: {  	v53 =	vld [tilespmem:s3+$0x0];
	[tilespmem:s29+$0x380] =	vst v47;
	v47 =	vmul.f32 v48, v48;
	v32 =	vadd.f32 v60, v34;
	v51 =	vadd.f32 v61, v34  }
0xd6: {  	[tilespmem:s29+$0x100] =	vst v52;
	v56 =	vmul.f32 v46, v46;
	v60 =	vld [tilespmem:s3+$0x180];
	v30 =	vadd.f32 v30, v37;
	v52 =	vadd.f32 v43, v34  }
0xd7: {  	[tilespmem:s29+$0x0] =	vst v41;
	v47 =	vadd.f32 v47, v34;
	v43 =	vmul.f32 v42, v28;
	v61 =	vadd.f32 v45, v55  }
0xd8: {  	v44 =	vld [tilespmem:s3+$0x280];
	[tilespmem:s29+$0x200] =	vst v46;
	v45 =	vadd.f32 v56, v34;
	v42 =	vmul.f32 v42, v29;
	v37 =	vadd.f32 v30, v54  }
0xd9: {  	v41 =	vld [tilespmem:s3+$0x300];
	[tilespmem:s3+$0x200] =	vst v30;
	v54 =	vadd.f32 v43, v55;
	v56 =	vmul.f32 v30, v30;
	v30 =	vadd.f32 v58, v23  }
0xda: {  	[tilespmem:s29+$0x180] =	vst v48;
	v58 =	vadd.f32 v62, v55;
	v63 =	vadd.f32 v61, v53;
	v53 =	vld [tilespmem:s3+$0x380]  }
0xdb: {  	p0 =	por p1, p1;
	[tilespmem:s29+$0x80] =	vst v50;
	v55 =	vadd.f32 v42, v55;
	v43 =	vimm.f32 $0.0e+00;
	v23 =	vadd.f32 v60, v57;
	v57 =	vld [tilespmem:s3+$0x100]  }
0xdc: {  	s22 =	simm.s32 $0x100;
	s19 =	simm.s32 $0x0;
	s21 =	simm.s32 $0x18C20;
	v42 =	vimm.f32 $0.0e+00;
	v46 =	vadd.f32 v63, v59;
	v59 =	vmul.f32 v63, v63;
	[tilespmem:s3+$0x0] =	vst v63  }
.LBB2_6:
0xdd: {  	s10 =	sand.u32 $0x1C00, s22;
	s19 =	sadd.s32 $0x2, s19;
	[tilespmem:s3+$0x80] =	vst v30;
	v60 =	vmul.f32 v30, v30;
	v45 =	vadd.f32 v56, v45;
	v44 =	vadd.f32 v44, v58;
	s4 =	sadd.s32 $0x20, s4  }
0xde: {  	v34 =	vadd.f32 v48, v34;
	v41 =	vadd.f32 v41, v54;
	s11 =	sshrl.u32 s10, $0x2;
	p1 =	slt.u32 s19, $0x3E  }
0xdf: {  	v54 =	vmul.f32 v23, v23;
	s23 =	sand.u32 $0x60, s4;
	s24 =	sadd.s32 s10, s2;
	v51 =	vadd.f32 v59, v51;
	s11 =	sadd.s32 $0x18400, s11;
	v48 =	vld [tilespmem:s21+$0x0];
	v53 =	vadd.f32 v53, v55  }
0xe0: {  	v43 =	vadd.f32 v50, v43;
	s15 =	sand.u32 $0x380, s4;
	s25 =	sor.u32 $0x10, s23;
	v50 =	vmul.f32 v41, v41;
	s10 =	sor.u32 s23, s11;
	v49 =	vadd.f32 v57, v49;
	[tilespmem:s3+$0x300] =	vst v41  }
0xe1: {  	v52 =	vadd.f32 v60, v52;
	v39 =	vadd.f32 v41, v39;
	s11 =	sor.u32 s25, s11;
	s15 =	sor.u32 s25, s15;
	v55 =	vld [tilespmem:s10+$0x0];
	s10 =	sadd.s32 s23, s24;
	[tilespmem:s3+$0x380] =	vst v53;
	v41 =	vmul.f32 v53, v53  }
0xe2: {  	v43 =	vadd.f32 v30, v43;
	s23 =	sadd.s32 s25, s24;
	v56 =	vld [tilespmem:s10+$0x180];
	v30 =	vadd.f32 v49, v40;
	v40 =	vmul.f32 v49, v49;
	[tilespmem:s3+$0x280] =	vst v44  }
0xe3: {  	v34 =	vadd.f32 v23, v34;
	v36 =	vadd.f32 v44, v36;
	v57 =	vld [tilespmem:s10+$0x100];
	[tilespmem:s3+$0x100] =	vst v49;
	v49 =	vmul.f32 v44, v44  }
0xe4: {  	v44 =	vmul.f32 v48, v21;
	v58 =	vld [tilespmem:s10+$0x380];
	v59 =	vmul.f32 v48, v29;
	[tilespmem:s3+$0x180] =	vst v23;
	v23 =	vadd.f32 v54, v47;
	s3 =	smov.u32 s23  }
0xe5: {  	v38 =	vadd.f32 v38, v42;
	v47 =	vmul.f32 v48, v24;
	v60 =	vmul.f32 v48, v28;
	v54 =	vld [tilespmem:s10+$0x280]  }
0xe6: {  	v33 =	vadd.f32 v50, v33;
	v42 =	vmul.f32 v48, v27;
	v61 =	vadd.f32 v44, v55;
	v62 =	vld [tilespmem:s10+$0x300]  }
0xe7: {  	v35 =	vadd.f32 v53, v35;
	v63 =	vmul.f32 v48, v26;
	v47 =	vadd.f32 v47, v55;
	v50 =	vld [tilespmem:s10+$0x0]  }
0xe8: {  	v32 =	vadd.f32 v41, v32;
	v53 =	vmul.f32 v48, v25;
	v42 =	vadd.f32 v42, v55;
	v0 =	vld [tilespmem:s15+$0x18C00]  }
0xe9: {  	v48 =	vmul.f32 v48, v22;
	v60 =	vadd.f32 v60, v55;
	v59 =	vadd.f32 v59, v55;
	v44 =	vld [tilespmem:s3+$0x280]  }
0xea: {  	v54 =	vadd.f32 v54, v42;
	v41 =	vld [tilespmem:s3+$0x300];
	v42 =	vadd.f32 v40, v38  }
0xeb: {  	v31 =	vadd.f32 v49, v31;
	v60 =	vadd.f32 v62, v60  }
0xec: {  	v58 =	vadd.f32 v58, v59;
	v62 =	vadd.f32 v63, v55;
	v49 =	vld [tilespmem:s10+$0x200];
	[tilespmem:s10+$0x280] =	vst v54;
	v38 =	vmul.f32 v54, v54  }
0xed: {  	v53 =	vadd.f32 v53, v55;
	v36 =	vadd.f32 v54, v36;
	[tilespmem:s10+$0x300] =	vst v60;
	v40 =	vmul.f32 v60, v60  }
0xee: {  	v47 =	vadd.f32 v57, v47;
	v31 =	vadd.f32 v38, v31;
	[tilespmem:s10+$0x380] =	vst v58;
	v38 =	vmul.f32 v58, v58  }
0xef: {  	v54 =	vmul.f32 v0, v24;
	v57 =	vmul.f32 v0, v25;
	v33 =	vadd.f32 v40, v33;
	v63 =	vld [tilespmem:s11+$0x0]  }
0xf0: {  	v40 =	vadd.f32 v47, v30;
	v30 =	vmul.f32 v0, v26;
	v59 =	vld [tilespmem:s10+$0x80];
	[tilespmem:s10+$0x100] =	vst v47;
	v32 =	vadd.f32 v38, v32  }
0xf1: {  	v35 =	vadd.f32 v58, v35;
	v50 =	vadd.f32 v61, v50;
	v58 =	vmul.f32 v0, v21  }
0xf2: {  	v39 =	vadd.f32 v60, v39;
	v38 =	vmul.f32 v47, v47;
	v47 =	vadd.f32 v49, v62  }
0xf3: {  	v55 =	vadd.f32 v48, v55;
	v48 =	vadd.f32 v56, v53;
	v60 =	vmul.f32 v50, v50;
	[tilespmem:s10+$0x0] =	vst v50;
	v53 =	vld [tilespmem:s3+$0x200]  }
0xf4: {  	v56 =	vmul.f32 v0, v22;
	v46 =	vadd.f32 v50, v46;
	[tilespmem:s10+$0x200] =	vst v47;
	v49 =	vadd.f32 v54, v63  }
0xf5: {  	v50 =	vadd.f32 v59, v55;
	[tilespmem:s10+$0x180] =	vst v48;
	v55 =	vadd.f32 v57, v63;
	v59 =	vmul.f32 v0, v27  }
0xf6: {  	v51 =	vadd.f32 v60, v51;
	v54 =	vmul.f32 v48, v48;
	v30 =	vadd.f32 v30, v63;
	v57 =	vld [tilespmem:s3+$0x80]  }
0xf7: {  	v37 =	vadd.f32 v47, v37;
	v61 =	vmul.f32 v47, v47;
	[tilespmem:s10+$0x80] =	vst v50;
	v60 =	vmul.f32 v50, v50;
	v62 =	vld [tilespmem:s3+$0x0]  }
0xf8: {  	v2 =	vadd.f32 v56, v63;
	v1 =	vld [tilespmem:s3+$0x180];
	v30 =	vadd.f32 v53, v30  }
0xf9: {  	v47 =	vadd.f32 v54, v23;
	v23 =	vmul.f32 v0, v28;
	v52 =	vadd.f32 v60, v52  }
.Ltmp5:
0xfa: {  	v0 =	vmul.f32 v0, v29;
	v53 =	vadd.f32 v58, v63;
	[tilespmem:s3+$0x200] =	vst v30;
	v37 =	vadd.f32 v30, v37;
	(pc) =	sbr.rel @p1 .LBB2_6-.Ltmp5, $4  }
0xfb: {  	v45 =	vadd.f32 v61, v45;
	v54 =	vadd.f32 v23, v63;
	v56 =	vmul.f32 v30, v30  }
0xfc: {  	v30 =	vadd.f32 v57, v2;
	v60 =	vadd.f32 v53, v62;
	v53 =	vld [tilespmem:s3+$0x380]  }
0xfd: {  	v58 =	vadd.f32 v59, v63;
	v57 =	vld [tilespmem:s3+$0x100];
	v23 =	vadd.f32 v1, v55  }
0xfe: {  	s22 =	sadd.s32 $0x100, s22;
	s21 =	sadd.s32 $0x20, s21;
	v55 =	vadd.f32 v0, v63;
	[tilespmem:s3+$0x0] =	vst v60;
	v46 =	vadd.f32 v60, v46;
	v59 =	vmul.f32 v60, v60  }
0xff: {  	_ = 	snop  }
0x100: {  	v1 =	vadd.f32 v50, v43;
	v0 =	vadd.f32 v59, v51  }
0x101: {  	v2 =	vmul.f32 v30, v30;
	(xrf2) =	vadd.scan.msk.f32 $0xffff, v46  }
0x102: {  	v1 =	vadd.f32 v30, v1;
	(xrf2) =	vadd.scan.msk.f32 $0xffff, v0  }
0x103: {  	v0 =	vadd.f32 v2, v52  }
0x104: {  	(xrf2) =	vadd.scan.msk.f32 $0xffff, v1  }
0x105: {  	(xrf2) =	vadd.scan.msk.f32 $0xffff, v0;
	_ =	sdelay $0x1  }
0x106: {  	v27 =	vadd.f32 v57, v49;
	v1 =	vadd.f32 v38, v42;
	_ =	sdelay $0x1  }
0x107: {  	v0 =	vmul.f32 v27, v27  }
0x108: {  	v2 =	vadd.f32 v27, v40  }
0x109: {  	v21 =	vadd.f32 v48, v34;
	v0 =	vadd.f32 v0, v1;
	v1, _, _ =	vpop (xrf2)  }
0x10a: {  	v22 =	vmul.f32 v23, v23;
	(xrf2) =	vadd.scan.msk.f32 $0xffff, v2;
	(v2sf) =	vpush v1, $0xF;
	v1, _, _ =	vpop (xrf2)  }
0x10b: {  	v2 =	vadd.f32 v23, v21;
	(xrf2) =	vadd.scan.msk.f32 $0xffff, v0;
	(v2sf) =	vpush v1, $0xF  }
0x10c: {  	v28 =	vadd.f32 v44, v58;
	v0 =	vadd.f32 v22, v47;
	v1, _, _ =	vpop (xrf2)  }
0x10d: {  	(xrf2) =	vadd.scan.msk.f32 $0xffff, v2;
	(v2sf) =	vpush v1, $0xF;
	v1, _, _ =	vpop (xrf2)  }
0x10e: {  	v21 =	vmul.f32 v28, v28;
	v2 =	vadd.f32 v56, v45;
	(xrf2) =	vadd.scan.msk.f32 $0xffff, v0;
	(v2sf) =	vpush v1, $0xF  }
0x10f: {  	v25 =	vadd.f32 v41, v54;
	v0 =	vadd.f32 v28, v36;
	(xrf2) =	vadd.scan.msk.f32 $0xffff, v37  }
0x110: {  	v1 =	vadd.f32 v21, v31;
	(xrf2) =	vadd.scan.msk.f32 $0xffff, v2  }
0x111: {  	(xrf2) =	vadd.scan.msk.f32 $0xffff, v0;
	v0 =	vadd.f32 v25, v39  }
0x112: {  	(xrf2) =	vadd.scan.msk.f32 $0xffff, v1;
	v1 =	vmul.f32 v25, v25;
	_ =	sdelay $0x1  }
0x113: {  	v26 =	vadd.f32 v53, v55;
	v2, _, _ =	vpop (xrf2);
	v1 =	vadd.f32 v1, v33  }
0x114: {  	(xrf2) =	vadd.scan.msk.f32 $0xffff, v0;
	(v2sf) =	vpush v2, $0xF;
	v0, _, _ =	vpop (xrf2)  }
0x115: {  	v2 =	vmul.f32 v26, v26;
	(xrf2) =	vadd.scan.msk.f32 $0xffff, v1;
	(v2sf) =	vpush v0, $0xF  }
0x116: {  	v0 =	vadd.f32 v26, v35;
	v21, _, _ =	vpop (xrf2)  }
0x117: {  	v2 =	vadd.f32 v2, v32;
	v1, _, _ =	vpop (xrf2);
	(v2sf) =	vpush v21, $0xF  }
0x118: {  	(xrf2) =	vadd.scan.msk.f32 $0xffff, v0;
	s4 =	spop (v2sf);
	(v2sf) =	vpush v1, $0xF  }
0x119: {  	v1, _, _ =	vpop (xrf2);
	(xrf2) =	vadd.scan.msk.f32 $0xffff, v2;
	s4 =	smul.f32 $9.765625000e-04, s4;
	s10 =	spop (v2sf)  }
0x11a: {  	v0, _, _ =	vpop (xrf2);
	(v2sf) =	vpush v1, $0xF;
	s10 =	smul.f32 $9.765625000e-04, s10  }
0x11b: {  	v1, _, _ =	vpop (xrf2);
	(v2sf) =	vpush v0, $0xF;
	s11 =	smul.f32 s4, s4;
	s15 =	spop (v2sf)  }
0x11c: {  	v0, _, _ =	vpop (xrf2);
	(v2sf) =	vpush v1, $0xF;
	s22 =	smul.f32 $9.765625000e-04, s15;
	s18 =	spop (v2sf)  }
0x11d: {  	(v2sf) =	vpush v0, $0xF;
	s10 =	ssub.f32 s10, s11;
	s19 =	smul.f32 $9.765625000e-04, s18  }
0x11e: {  	v0, _, _ =	vpop (xrf2);
	s21 =	smul.f32 s22, s22  }
0x11f: {  	(v2sf) =	vpush v0, $0xF;
	v0, _, _ =	vpop (xrf2);
	s10 =	sadd.f32 $9.999999960e-13, s10  }
0x120: {  	(v2sf) =	vpush v0, $0xF;
	s11 =	ssub.f32 s19, s21;
	_ =	sdelay $0x1  }
0x121: {  	v0, _, _ =	vpop (xrf2);
	v1 =	vmov s10;
	s23 =	sadd.f32 $9.999999960e-13, s11  }
0x122: {  	v2 =	vshra.s32 v1, $0x1;
	s24 =	spop (v2sf);
	(v2sf) =	vpush v0, $0xF;
	v0, _, _ =	vpop (xrf2)  }
0x123: {  	v1 =	vmul.f32 $5.000000000e-01, v1;
	s10 =	smul.f32 $9.765625000e-04, s24;
	v21 =	vmov s23;
	s25 =	spop (v2sf);
	(v2sf) =	vpush v0, $0xF  }
0x124: {  	v0 =	vsub.s32 $0x5F3759DF, v2;
	v2 =	vshra.s32 v21, $0x1;
	v21 =	vmul.f32 $5.000000000e-01, v21;
	s11 =	smul.f32 $9.765625000e-04, s25  }
0x125: {  	s26 =	spop (v2sf);
	v22 =	vmul.f32 v0, v1;
	s19 =	smul.f32 s10, s10;
	v2 =	vsub.s32 $0x5F3759DF, v2  }
0x126: {  	s23 =	smul.f32 $9.765625000e-04, s26;
	s21 =	spop (v2sf);
	v24 =	vmul.f32 v2, v21  }
0x127: {  	v22 =	vmul.f32 v0, v22;
	s11 =	ssub.f32 s11, s19;
	s21 =	smul.f32 $9.765625000e-04, s21  }
0x128: {  	s16 =	smul.f32 s23, s23;
	s28 =	spop (v2sf);
	v24 =	vmul.f32 v2, v24  }
0x129: {  	v22 =	vsub.f32 $1.500000000e+00, v22;
	s11 =	sadd.f32 $9.999999960e-13, s11;
	s25 =	spop (v2sf)  }
0x12a: {  	s18 =	spop (v2sf);
	v24 =	vsub.f32 $1.500000000e+00, v24;
	s26 =	smul.f32 $9.765625000e-04, s25  }
0x12b: {  	v0 =	vmul.f32 v0, v22;
	s29 =	spop (v2sf);
	s19 =	smul.f32 $9.765625000e-04, s18  }
0x12c: {  	s16 =	ssub.f32 s21, s16;
	v2 =	vmul.f32 v2, v24;
	s15 =	smul.f32 $9.765625000e-04, s29  }
0x12d: {  	s25 =	spop (v2sf);
	v22 =	vmul.f32 v0, v1;
	s18 =	smul.f32 s19, s19  }
0x12e: {  	s29 =	spop (v2sf);
	s21 =	smul.f32 $9.765625000e-04, s25;
	v24 =	vmul.f32 v2, v21  }
0x12f: {  	v29 =	vmov s11;
	s11 =	sadd.f32 $9.999999960e-13, s16;
	v22 =	vmul.f32 v22, v0;
	s16 =	smul.f32 $9.765625000e-04, s29  }
0x130: {  	s29 =	smul.f32 s21, s21;
	v24 =	vmul.f32 v24, v2  }
0x131: {  	v31 =	vshra.s32 v29, $0x1;
	v29 =	vmul.f32 $5.000000000e-01, v29;
	s15 =	ssub.f32 s15, s18;
	v22 =	vsub.f32 $1.500000000e+00, v22  }
0x132: {  	s24 =	smul.f32 $9.765625000e-04, s28;
	v31 =	vsub.s32 $0x5F3759DF, v31;
	v49 =	vmov s11;
	s16 =	ssub.f32 s16, s29;
	v24 =	vsub.f32 $1.500000000e+00, v24  }
0x133: {  	v48 =	vmul.f32 v31, v29;
	s15 =	sadd.f32 $9.999999960e-13, s15;
	v0 =	vmul.f32 v22, v0;
	v22 =	vshra.s32 v49, $0x1  }
0x134: {  	s28 =	smul.f32 s24, s24;
	v33 =	vmul.f32 $5.000000000e-01, v49;
	v22 =	vsub.s32 $0x5F3759DF, v22;
	v2 =	vmul.f32 v24, v2  }
0x135: {  	s25 =	spop (v2sf);
	s16 =	sadd.f32 $9.999999960e-13, s16;
	v51 =	vmov s15;
	v24 =	vmul.f32 v31, v48;
	v1 =	vmul.f32 v0, v1  }
0x136: {  	s25 =	smul.f32 $9.765625000e-04, s25;
	s11 =	spop (v2sf);
	v50 =	vmul.f32 v22, v33;
	v56 =	vshra.s32 v51, $0x1;
	v34 =	vmul.f32 $5.000000000e-01, v51  }
0x137: {  	s26 =	ssub.f32 s26, s28;
	s11 =	smul.f32 $9.765625000e-04, s11;
	v54 =	vmov s16;
	v36 =	vsub.s32 $0x5F3759DF, v56;
	v21 =	vmul.f32 v2, v21  }
0x138: {  	s28 =	smul.f32 s25, s25;
	v24 =	vsub.f32 $1.500000000e+00, v24;
	v1 =	vmul.f32 v1, v0;
	v32 =	vmul.f32 v22, v50  }
0x139: {  	s29 =	sadd.f32 $9.999999960e-13, s26;
	v58 =	vmul.f32 v36, v34;
	v60 =	vshra.s32 v54, $0x1;
	v37 =	vmul.f32 $5.000000000e-01, v54  }
0x13a: {  	s11 =	ssub.f32 s11, s28;
	v41 =	vsub.s32 $0x5F3759DF, v60;
	v21 =	vmul.f32 v21, v2;
	v24 =	vmul.f32 v31, v24  }
0x13b: {  	v31 =	vmov s29;
	v1 =	vsub.f32 $1.500000000e+00, v1;
	v32 =	vsub.f32 $1.500000000e+00, v32  }
0x13c: {  	s11 =	sadd.f32 $9.999999960e-13, s11;
	v39 =	vmul.f32 v36, v58;
	v62 =	vmul.f32 v41, v37;
	v55 =	vshra.s32 v31, $0x1  }
0x13d: {  	v31 =	vmul.f32 $5.000000000e-01, v31;
	v52 =	vsub.f32 $1.500000000e+00, v21;
	v53 =	vmul.f32 v24, v29  }
0x13e: {  	v21 =	vmul.f32 v1, v0;
	v0 =	vmul.f32 v22, v32;
	v1 =	vmov s11  }
0x13f: {  	v35 =	vsub.s32 $0x5F3759DF, v55;
	v39 =	vsub.f32 $1.500000000e+00, v39;
	v43 =	vmul.f32 v41, v62  }
0x140: {  	v57 =	vmul.f32 v35, v31;
	v59 =	vshra.s32 v1, $0x1;
	v1 =	vmul.f32 $5.000000000e-01, v1  }
0x141: {  	v22 =	vmul.f32 v52, v2;
	v2 =	vmul.f32 v53, v24;
	v40 =	vsub.s32 $0x5F3759DF, v59  }
0x142: {  	v32 =	vmul.f32 v0, v33;
	v61 =	vmul.f32 v40, v1  }
0x143: {  	v63 =	vmul.f32 v36, v39;
	v38 =	vmul.f32 v35, v57  }
0x144: {  	v44 =	vsub.f32 $1.500000000e+00, v43;
	v2 =	vsub.f32 $1.500000000e+00, v2;
	v42 =	vmul.f32 v40, v61  }
0x145: {  	[tilespmem:s3+$0x80] =	vst v30;
	v32 =	vmul.f32 v32, v0;
	v30 =	vmul.f32 v63, v34;
	v38 =	vsub.f32 $1.500000000e+00, v38  }
0x146: {  	v36 =	vmul.f32 v41, v44;
	v2 =	vmul.f32 v2, v24;
	v24 =	vsub.f32 $1.500000000e+00, v42  }
0x147: {  	v32 =	vsub.f32 $1.500000000e+00, v32;
	v30 =	vmul.f32 v30, v63;
	v35 =	vmul.f32 v35, v38  }
0x148: {  	v41 =	vmul.f32 v36, v37;
	v45 =	vmul.f32 v40, v24  }
0x149: {  	[tilespmem:s3+$0x180] =	vst v23;
	v0 =	vmul.f32 v32, v0;
	v38 =	vmul.f32 v35, v31  }
0x14a: {  	[tilespmem:s3+$0x280] =	vst v28;
	v28 =	vmul.f32 v2, v29;
	v30 =	vsub.f32 $1.500000000e+00, v30;
	v40 =	vmul.f32 v45, v1  }
0x14b: {  	[tilespmem:s3+$0x380] =	vst v26;
	v47 =	vmul.f32 v41, v36;
	v24 =	vmov s4;
	s4 =	simm.s32 $0x0;
	v38 =	vmul.f32 v38, v35  }
0x14c: {  	[tilespmem:s3+$0x100] =	vst v27;
	v26 =	vmov s10;
	v27 =	vmul.f32 v0, v33;
	s18 =	sand.u32 $0x1C00, s4;
	v46 =	vmul.f32 v40, v45  }
0x14d: {  	[tilespmem:s3+$0x300] =	vst v25;
	s16 =	simm.s32 $0x19400;
	v48 =	vmul.f32 v28, v2;
	v50 =	vmul.f32 v30, v63;
	s26 =	sand.u32 $0x60, s4;
	s10 =	sadd.s32 s18, s2;
	v29 =	vsub.f32 $1.500000000e+00, v38  }
0x14e: {  	v51 =	vsub.f32 $1.500000000e+00, v47;
	v28 =	vld [tilespmem:s16+$0x0];
	v49 =	vmul.f32 v27, v0;
	s3 =	sadd.s32 s26, s10;
	v23 =	vsub.f32 $1.500000000e+00, v46  }
0x14f: {  	v52 =	vmul.f32 v50, v34;
	v54 =	vld [tilespmem:s3+$0x300];
	v29 =	vmul.f32 v29, v35  }
0x150: {  	v25 =	vmov s22;
	v53 =	vmul.f32 v51, v36;
	v56 =	vld [tilespmem:s3+$0x100];
	v39 =	vmul.f32 v23, v45  }
0x151: {  	v58 =	vld [tilespmem:s3+$0x380];
	v57 =	vmul.f32 v52, v50;
	v35 =	vsub.f32 $1.500000000e+00, v49;
	v31 =	vmul.f32 v29, v31  }
0x152: {  	s28 =	sor.u32 $0x10, s26;
	v55 =	vsub.f32 $1.500000000e+00, v48;
	v59 =	vld [tilespmem:s3+$0x0];
	v37 =	vmul.f32 v53, v37;
	v1 =	vmul.f32 v39, v1  }
0x153: {  	v60 =	vld [tilespmem:s3+$0x280];
	v33 =	vmul.f32 v35, v0;
	v35 =	vmov s19;
	s19 =	sadd.s32 s28, s10;
	v31 =	vmul.f32 v31, v29  }
0x154: {  	v30 =	vmov s23;
	v32 =	vmul.f32 v55, v2;
	v61 =	vld [tilespmem:s19+$0x80];
	v1 =	vmul.f32 v1, v39  }
0x155: {  	s22 =	simm.s32 $0x19000;
	v0 =	vsub.f32 $1.500000000e+00, v57;
	v57 =	vld [tilespmem:s19+$0x280];
	v2 =	vsub.f32 $1.500000000e+00, v31;
	v31 =	vmul.f32 v37, v53  }
0x156: {  	v27 =	vmov s24;
	v23 =	vld [tilespmem:s22+$0x0];
	v37 =	vmov s25;
	v1 =	vsub.f32 $1.500000000e+00, v1  }
0x157: {  	s29 =	sand.u32 $0x380, s4;
	v63 =	vld [tilespmem:s19+$0x380];
	v36 =	vmul.f32 v0, v50;
	v62 =	vsub.f32 v58, v37;
	v0 =	vsub.f32 $1.500000000e+00, v31  }
0x158: {  	s10 =	sor.u32 s29, s28;
	v29 =	vmul.f32 v2, v29;
	v2 =	vld [tilespmem:s3+$0x180];
	v31 =	vmul.f32 v1, v39;
	v1 =	vsub.f32 v56, v26  }
0x159: {  	v34 =	vld [tilespmem:s10+$0x19000];
	v47 =	vsub.f32 v61, v25;
	v38 =	vmul.f32 v0, v53;
	v0 =	vsub.f32 v59, v24  }
0x15a: {  	v58 =	vld [tilespmem:s19+$0x100];
	v43 =	vsub.f32 v57, v35;
	v41 =	vmul.f32 v1, v32;
	v1 =	vsub.f32 v60, v35  }
0x15b: {  	v39 =	vmov s21;
	v40 =	vmul.f32 v62, v31;
	v0 =	vmul.f32 v0, v21;
	v60 =	vld [tilespmem:s19+$0x180]  }
0x15c: {  	v61 =	vld [tilespmem:s19+$0x300];
	v43 =	vmul.f32 v43, v36;
	v59 =	vsub.f32 v54, v39;
	v1 =	vmul.f32 v1, v36  }
0x15d: {  	v2 =	vsub.f32 v2, v30;
	v40 =	vmul.f32 v40, v23;
	v42 =	vmul.f32 v0, v23  }
0x15e: {  	v50 =	vld [tilespmem:s19+$0x200];
	v44 =	vsub.f32 v63, v37;
	v0 =	vmul.f32 v59, v38;
	v1 =	vmul.f32 v1, v23  }
0x15f: {  	v46 =	vld [tilespmem:s3+$0x80];
	v62 =	vsub.f32 v58, v26;
	v2 =	vmul.f32 v2, v33;
	v40 =	vadd.f32 v40, v28  }
0x160: {  	v48 =	vld [tilespmem:s19+$0x0];
	v0 =	vmul.f32 v0, v23;
	v63 =	vsub.f32 v60, v30;
	v1 =	vadd.f32 v1, v28  }
0x161: {  	s23 =	simm.s32 $0x19020;
	v43 =	vmul.f32 v43, v34;
	v54 =	vsub.f32 v61, v39;
	v45 =	vmul.f32 v62, v32;
	[tilespmem:s3+$0x380] =	vst v40;
	v40 =	vld [tilespmem:s10+$0x19400]  }
0x162: {  	s24 =	simm.s32 $0x19420;
	v49 =	vld [tilespmem:s3+$0x200];
	s22 =	simm.s32 $0x100;
	s21 =	simm.s32 $0x0;
	v52 =	vmul.f32 v2, v23;
	v51 =	vadd.f32 v0, v28;
	v53 =	vmul.f32 v63, v33;
	[tilespmem:s3+$0x280] =	vst v1  }
.LBB2_8:
0x163: {  	s10 =	sand.u32 $0x1C00, s22;
	s21 =	sadd.s32 $0x2, s21;
	v0 =	vmul.f32 v47, v22;
	v1 =	vsub.f32 v50, v27;
	v2 =	vmul.f32 v44, v31;
	s4 =	sadd.s32 $0x20, s4  }
0x164: {  	v44 =	vadd.f32 v52, v28;
	s15 =	sand.u32 $0x60, s4;
	v55 =	vld [tilespmem:s24+$0x0];
	s16 =	sadd.s32 s10, s2;
	p1 =	slt.u32 s21, $0x3E;
	v47 =	vmul.f32 v53, v34;
	v50 =	vmul.f32 v54, v38  }
0x165: {  	v48 =	vsub.f32 v48, v24;
	s10 =	sand.u32 $0x380, s4;
	v52 =	vld [tilespmem:s23+$0x0];
	s11 =	sadd.s32 s15, s16;
	s15 =	sor.u32 $0x10, s15;
	v0 =	vmul.f32 v0, v34;
	v1 =	vmul.f32 v1, v29  }
0x166: {  	v41 =	vmul.f32 v41, v23;
	v46 =	vsub.f32 v46, v25;
	v53 =	vld [tilespmem:s11+$0x300];
	s10 =	sor.u32 s10, s15;
	s25 =	sadd.s32 s15, s16;
	[tilespmem:s3+$0x300] =	vst v51;
	v47 =	vadd.f32 v47, v40  }
0x167: {  	v51 =	vld [tilespmem:s10+$0x19000];
	[tilespmem:s3+$0x180] =	vst v44;
	v44 =	vsub.f32 v49, v27;
	v0 =	vadd.f32 v0, v40;
	v49 =	vmul.f32 v50, v34  }
0x168: {  	v42 =	vadd.f32 v42, v28;
	v48 =	vmul.f32 v48, v21;
	v1 =	vmul.f32 v1, v34;
	v50 =	vld [tilespmem:s11+$0x100];
	[tilespmem:s19+$0x180] =	vst v47  }
0x169: {  	v46 =	vmul.f32 v46, v22;
	v47 =	vld [tilespmem:s11+$0x380];
	v44 =	vmul.f32 v44, v29;
	[tilespmem:s19+$0x80] =	vst v0;
	v0 =	vadd.f32 v49, v40  }
0x16a: {  	v45 =	vmul.f32 v45, v34;
	v1 =	vadd.f32 v1, v40;
	v49 =	vld [tilespmem:s11+$0x0];
	[tilespmem:s3+$0x0] =	vst v42;
	v42 =	vmul.f32 v48, v34  }
0x16b: {  	v43 =	vadd.f32 v43, v40;
	v41 =	vadd.f32 v41, v28;
	v48 =	vld [tilespmem:s11+$0x280];
	[tilespmem:s19+$0x300] =	vst v0;
	v0 =	vmul.f32 v2, v34  }
0x16c: {  	v45 =	vadd.f32 v45, v40;
	v46 =	vmul.f32 v46, v23;
	v44 =	vmul.f32 v44, v23;
	v2 =	vld [tilespmem:s11+$0x180];
	[tilespmem:s19+$0x200] =	vst v1  }
0x16d: {  	v23 =	vmovc v52;
	v34 =	vmov v51;
	v1 =	vsub.f32 v50, v26;
	v50 =	vld [tilespmem:s25+$0x80];
	[tilespmem:s3+$0x100] =	vst v41;
	v0 =	vadd.f32 v0, v40  }
0x16e: {  	v46 =	vadd.f32 v46, v28;
	v47 =	vsub.f32 v47, v37;
	v51 =	vld [tilespmem:s25+$0x380];
	[tilespmem:s19+$0x100] =	vst v45  }
0x16f: {  	v28 =	vadd.f32 v44, v28;
	v45 =	vsub.f32 v49, v24;
	v41 =	vmul.f32 v1, v32;
	v1 =	vld [tilespmem:s25+$0x280];
	[tilespmem:s19+$0x280] =	vst v43  }
0x170: {  	v40 =	vadd.f32 v42, v40;
	v43 =	vsub.f32 v48, v35;
	v44 =	vmul.f32 v47, v31;
	v49 =	vld [tilespmem:s25+$0x100];
	[tilespmem:s3+$0x80] =	vst v46  }
0x171: {  	v42 =	vmul.f32 v45, v21;
	v2 =	vsub.f32 v2, v30;
	v45 =	vsub.f32 v53, v39;
	v52 =	vld [tilespmem:s25+$0x180];
	[tilespmem:s3+$0x200] =	vst v28;
	s3 =	smov.u32 s11  }
0x172: {  	v46 =	vmul.f32 v43, v36;
	v43 =	vmul.f32 v44, v23;
	v47 =	vsub.f32 v50, v25;
	v50 =	vld [tilespmem:s25+$0x200];
	[tilespmem:s19+$0x0] =	vst v40  }
0x173: {  	v42 =	vmul.f32 v42, v23;
	v40 =	vmul.f32 v45, v38;
	v54 =	vld [tilespmem:s25+$0x300];
	v44 =	vsub.f32 v51, v37;
	[tilespmem:s19+$0x380] =	vst v0;
	s19 =	smov.u32 s25  }
.Ltmp6:
0x174: {  	v28 =	vmovc v55;
	v0 =	vmul.f32 v46, v23;
	v43 =	vadd.f32 v43, v55;
	v48 =	vld [tilespmem:s19+$0x0];
	v1 =	vsub.f32 v1, v35;
	(pc) =	sbr.rel @p1 .LBB2_8-.Ltmp6, $4  }
0x175: {  	v2 =	vmul.f32 v2, v33;
	v45 =	vmul.f32 v40, v23;
	v40 =	vld [tilespmem:s10+$0x19400];
	v53 =	vsub.f32 v49, v26  }
0x176: {  	v46 =	vld [tilespmem:s3+$0x80];
	v0 =	vadd.f32 v0, v28;
	[tilespmem:s3+$0x380] =	vst v43;
	v43 =	vsub.f32 v52, v30;
	v1 =	vmul.f32 v1, v36  }
0x177: {  	v52 =	vmul.f32 v2, v23;
	v49 =	vld [tilespmem:s3+$0x200];
	v51 =	vadd.f32 v45, v28;
	v45 =	vmul.f32 v53, v32  }
0x178: {  	s22 =	sadd.s32 $0x100, s22;
	s24 =	sadd.s32 $0x20, s24;
	s23 =	sadd.s32 $0x20, s23;
	[tilespmem:s3+$0x280] =	vst v0;
	v53 =	vmul.f32 v43, v33;
	v43 =	vmul.f32 v1, v34;
	v54 =	vsub.f32 v54, v39  }
0x179: {  	v0 =	vmul.f32 v47, v22  }
0x17a: {  	v1 =	vsub.f32 v50, v27;
	v2 =	vmul.f32 v53, v34  }
0x17b: {  	v26 =	vadd.f32 v52, v28;
	v30 =	vmul.f32 v54, v38;
	v0 =	vmul.f32 v0, v34  }
0x17c: {  	[tilespmem:s3+$0x300] =	vst v51;
	v1 =	vmul.f32 v1, v29;
	v2 =	vadd.f32 v2, v40  }
0x17d: {  	v24 =	vsub.f32 v48, v24;
	[tilespmem:s3+$0x180] =	vst v26;
	v26 =	vmul.f32 v30, v34;
	v0 =	vadd.f32 v0, v40  }
0x17e: {  	v25 =	vsub.f32 v46, v25;
	v30 =	vadd.f32 v42, v28;
	v1 =	vmul.f32 v1, v34;
	[tilespmem:s19+$0x180] =	vst v2  }
0x17f: {  	v27 =	vsub.f32 v49, v27;
	v2 =	vmul.f32 v41, v23;
	[tilespmem:s19+$0x80] =	vst v0;
	v0 =	vadd.f32 v26, v40  }
0x180: {  	v22 =	vmul.f32 v25, v22;
	v25 =	vmul.f32 v45, v34;
	[tilespmem:s3+$0x0] =	vst v30;
	v1 =	vadd.f32 v1, v40  }
0x181: {  	v26 =	vmul.f32 v27, v29;
	v2 =	vadd.f32 v2, v28;
	[tilespmem:s19+$0x300] =	vst v0  }
0x182: {  	v0 =	vmul.f32 v24, v21;
	v21 =	vmul.f32 v22, v23;
	v22 =	vadd.f32 v25, v40;
	[tilespmem:s19+$0x200] =	vst v1  }
0x183: {  	v1 =	vmul.f32 v44, v31;
	v24 =	vadd.f32 v43, v40;
	v23 =	vmul.f32 v26, v23;
	[tilespmem:s3+$0x100] =	vst v2  }
0x184: {  	v0 =	vmul.f32 v0, v34;
	v2 =	vadd.f32 v21, v28;
	[tilespmem:s19+$0x100] =	vst v22  }
0x185: {  	v1 =	vmul.f32 v1, v34;
	v21 =	vadd.f32 v23, v28;
	[tilespmem:s19+$0x280] =	vst v24  }
0x186: {  	s4 =	simm.s32 $0x0;
	[tilespmem:s3+$0x80] =	vst v2;
	v0 =	vadd.f32 v0, v40  }
0x187: {  	s26 =	sand.u32 $0x1C00, s4;
	v1 =	vadd.f32 v1, v40;
	[tilespmem:s3+$0x200] =	vst v21  }
0x188: {  	s10 =	simm.s32 $0x18C00;
	s11 =	sshrl.u32 s26, $0x2;
	[tilespmem:s19+$0x0] =	vst v0  }
0x189: {  	s2 =	sadd.s32 $0x2000, s2;
	s15 =	sand.u32 $0x60, s4;
	s11 =	sadd.s32 $0x18400, s11;
	[tilespmem:s19+$0x380] =	vst v1  }
0x18a: {  	s28 =	sor.u32 s15, s11;
	s3 =	sadd.s32 s26, s2;
	v0 =	vld [tilespmem:s10+$0x0]  }
0x18b: {  	v27 =	vperm.xlane v20, v16;
	v25 =	vperm.xlane v20, v14;
	s29 =	sadd.s32 s15, s3;
	v1 =	vld [tilespmem:s28+$0x0]  }
0x18c: {  	v26 =	vperm.xlane v20, v15;
	v23 =	vperm.xlane v20, v12;
	v2 =	vld [tilespmem:s29+$0x280]  }
0x18d: {  	s16 =	sand.u32 $0x380, s4;
	v28 =	vperm.xlane v20, v17;
	v21 =	vperm.xlane v20, v11;
	s15 =	sor.u32 $0x10, s15;
	v29 =	vld [tilespmem:s29+$0x300]  }
0x18e: {  	v24 =	vperm.xlane v20, v13;
	v20 =	vperm.xlane v20, v18;
	s16 =	sor.u32 s15, s16;
	v30 =	vld [tilespmem:s29+$0x380]  }
0x18f: {  	v41 =	vld [tilespmem:s16+$0x18C00];
	v22 =	vmul.f32 v0, v21;
	v31 =	vmul.f32 v0, v28  }
0x190: {  	s11 =	sor.u32 s15, s11;
	v36 =	vld [tilespmem:s29+$0x100];
	v32 =	vmul.f32 v0, v27;
	v60 =	vmul.f32 v0, v20  }
0x191: {  	v54 =	vld [tilespmem:s11+$0x0];
	v35 =	vmul.f32 v0, v24;
	v61 =	vmul.f32 v0, v26  }
0x192: {  	v63 =	vld [tilespmem:s29+$0x0];
	v62 =	vmul.f32 v0, v25;
	v22 =	vadd.f32 v22, v1;
	v32 =	vadd.f32 v32, v1  }
0x193: {  	v44 =	vld [tilespmem:s29+$0x200];
	v0 =	vmul.f32 v0, v23;
	v31 =	vadd.f32 v31, v1;
	v37 =	vadd.f32 v35, v1  }
0x194: {  	v57 =	vld [tilespmem:s29+$0x180];
	v58 =	vmul.f32 v41, v24;
	v34 =	vadd.f32 v60, v1;
	v42 =	vadd.f32 v61, v1  }
0x195: {  	v33 =	vimm.f32 $0.0e+00;
	v59 =	vadd.f32 v62, v1;
	v0 =	vadd.f32 v0, v1  }
0x196: {  	v61 =	vmul.f32 v41, v25;
	v48 =	vadd.f32 v58, v54;
	v2 =	vadd.f32 v2, v32  }
0x197: {  	v62 =	vmul.f32 v41, v26;
	v29 =	vadd.f32 v29, v31;
	v43 =	vadd.f32 v30, v34  }
0x198: {  	v36 =	vadd.f32 v36, v37;
	v22 =	vadd.f32 v22, v63;
	v63 =	vmul.f32 v41, v21  }
0x199: {  	v60 =	vld [tilespmem:s29+$0x80];
	v42 =	vadd.f32 v44, v42;
	v47 =	vadd.f32 v57, v59;
	v30 =	vmul.f32 v2, v2  }
0x19a: {  	v31 =	vmul.f32 v29, v29;
	v35 =	vadd.f32 v2, v33;
	v34 =	vmul.f32 v43, v43  }
0x19b: {  	s3 =	sadd.s32 s15, s3;
	v39 =	vadd.f32 v36, v33;
	v37 =	vmul.f32 v36, v36;
	v38 =	vadd.f32 v29, v33  }
0x19c: {  	v1 =	vld [tilespmem:s3+$0x200];
	v59 =	vmul.f32 v22, v22;
	v45 =	vadd.f32 v22, v33;
	[tilespmem:s29+$0x280] =	vst v2;
	v2 =	vadd.f32 v61, v54  }
0x19d: {  	[tilespmem:s29+$0x300] =	vst v29;
	v29 =	vadd.f32 v62, v54;
	v46 =	vmul.f32 v47, v47;
	v62 =	vadd.f32 v42, v33  }
0x19e: {  	v56 =	vld [tilespmem:s3+$0x180];
	v57 =	vmul.f32 v42, v42;
	v49 =	vadd.f32 v60, v0;
	v30 =	vadd.f32 v30, v33  }
0x19f: {  	[tilespmem:s29+$0x0] =	vst v22;
	v22 =	vmul.f32 v41, v28;
	v32 =	vadd.f32 v31, v33;
	v31 =	vadd.f32 v34, v33  }
0x1a0: {  	v55 =	vld [tilespmem:s3+$0x0];
	[tilespmem:s29+$0x200] =	vst v42;
	v42 =	vimm.f32 $0.0e+00;
	v34 =	vadd.f32 v43, v33;
	v50 =	vadd.f32 v59, v33  }
0x1a1: {  	v0 =	vmul.f32 v41, v23;
	v60 =	vld [tilespmem:s3+$0x80];
	v1 =	vadd.f32 v1, v29;
	v46 =	vadd.f32 v46, v33  }
0x1a2: {  	[tilespmem:s29+$0x380] =	vst v43;
	v29 =	vadd.f32 v63, v54;
	v63 =	vmul.f32 v41, v27;
	v44 =	vadd.f32 v57, v33  }
0x1a3: {  	[tilespmem:s29+$0x100] =	vst v36;
	v43 =	vld [tilespmem:s3+$0x280];
	v41 =	vmul.f32 v41, v20;
	v53 =	vadd.f32 v22, v54;
	v22 =	vadd.f32 v56, v2  }
0x1a4: {  	v40 =	vld [tilespmem:s3+$0x300];
	[tilespmem:s29+$0x180] =	vst v47;
	v61 =	vmul.f32 v49, v49;
	v0 =	vadd.f32 v0, v54;
	v36 =	vadd.f32 v1, v62  }
0x1a5: {  	v52 =	vld [tilespmem:s3+$0x380];
	[tilespmem:s29+$0x80] =	vst v49;
	v59 =	vadd.f32 v29, v55;
	v55 =	vmul.f32 v1, v1;
	v57 =	vadd.f32 v63, v54  }
0x1a6: {  	v56 =	vld [tilespmem:s3+$0x100];
	[tilespmem:s3+$0x200] =	vst v1;
	v54 =	vadd.f32 v41, v54;
	v41 =	vimm.f32 $0.0e+00;
	v29 =	vadd.f32 v60, v0  }
0x1a7: {  	s21 =	simm.s32 $0x18C20;
	s22 =	simm.s32 $0x100;
	s19 =	simm.s32 $0x0;
	v51 =	vadd.f32 v61, v33;
	v45 =	vadd.f32 v59, v45;
	v58 =	vmul.f32 v59, v59;
	[tilespmem:s3+$0x0] =	vst v59  }
.LBB2_10:
0x1a8: {  	s10 =	sand.u32 $0x1C00, s22;
	s19 =	sadd.s32 $0x2, s19;
	[tilespmem:s3+$0x80] =	vst v29;
	v0 =	vmul.f32 v29, v29;
	v44 =	vadd.f32 v55, v44;
	v1 =	vadd.f32 v43, v57;
	s4 =	sadd.s32 $0x20, s4  }
0x1a9: {  	v2 =	vadd.f32 v47, v33;
	v33 =	vadd.f32 v40, v53;
	s11 =	sshrl.u32 s10, $0x2;
	p1 =	slt.u32 s19, $0x3E  }
0x1aa: {  	v43 =	vmul.f32 v22, v22;
	s15 =	sand.u32 $0x60, s4;
	s16 =	sadd.s32 s10, s2;
	v50 =	vadd.f32 v58, v50;
	s11 =	sadd.s32 $0x18400, s11;
	v40 =	vld [tilespmem:s21+$0x0];
	v47 =	vadd.f32 v52, v54  }
0x1ab: {  	v42 =	vadd.f32 v49, v42;
	s23 =	sand.u32 $0x380, s4;
	s18 =	sor.u32 $0x10, s15;
	v49 =	vmul.f32 v33, v33;
	s10 =	sor.u32 s15, s11;
	v48 =	vadd.f32 v56, v48;
	[tilespmem:s3+$0x300] =	vst v33  }
0x1ac: {  	v0 =	vadd.f32 v0, v51;
	v38 =	vadd.f32 v33, v38;
	s11 =	sor.u32 s18, s11;
	v52 =	vld [tilespmem:s10+$0x0];
	s10 =	sadd.s32 s15, s16;
	s15 =	sor.u32 s18, s23;
	[tilespmem:s3+$0x380] =	vst v47;
	v51 =	vmul.f32 v47, v47  }
0x1ad: {  	v42 =	vadd.f32 v29, v42;
	s16 =	sadd.s32 s18, s16;
	v53 =	vld [tilespmem:s10+$0x180];
	v29 =	vadd.f32 v48, v39;
	v39 =	vmul.f32 v48, v48;
	[tilespmem:s3+$0x280] =	vst v1  }
0x1ae: {  	v33 =	vadd.f32 v22, v2;
	v2 =	vadd.f32 v1, v35;
	v1 =	vmul.f32 v1, v1;
	v54 =	vld [tilespmem:s10+$0x100];
	[tilespmem:s3+$0x100] =	vst v48  }
0x1af: {  	v35 =	vmul.f32 v40, v21;
	v48 =	vld [tilespmem:s10+$0x380];
	v55 =	vmul.f32 v40, v20;
	[tilespmem:s3+$0x180] =	vst v22;
	v22 =	vadd.f32 v43, v46;
	s3 =	smov.u32 s16  }
0x1b0: {  	v37 =	vadd.f32 v37, v41;
	v43 =	vmul.f32 v40, v24;
	v56 =	vmul.f32 v40, v28;
	v46 =	vld [tilespmem:s10+$0x280]  }
0x1b1: {  	v32 =	vadd.f32 v49, v32;
	v57 =	vadd.f32 v35, v52;
	v35 =	vmul.f32 v40, v27;
	v58 =	vld [tilespmem:s10+$0x300]  }
0x1b2: {  	v34 =	vadd.f32 v47, v34;
	v60 =	vmul.f32 v40, v26;
	v59 =	vadd.f32 v43, v52;
	v49 =	vld [tilespmem:s10+$0x0]  }
0x1b3: {  	v31 =	vadd.f32 v51, v31;
	v47 =	vmul.f32 v40, v25;
	v35 =	vadd.f32 v35, v52;
	v61 =	vld [tilespmem:s15+$0x18C00]  }
0x1b4: {  	v51 =	vmul.f32 v40, v23;
	v56 =	vadd.f32 v56, v52;
	v55 =	vadd.f32 v55, v52;
	v43 =	vld [tilespmem:s3+$0x280]  }
0x1b5: {  	v41 =	vadd.f32 v39, v37;
	v35 =	vadd.f32 v46, v35;
	v40 =	vld [tilespmem:s3+$0x300]  }
0x1b6: {  	v1 =	vadd.f32 v1, v30;
	v46 =	vadd.f32 v58, v56  }
0x1b7: {  	v37 =	vadd.f32 v48, v55;
	v58 =	vadd.f32 v60, v52;
	v56 =	vld [tilespmem:s10+$0x200];
	[tilespmem:s10+$0x280] =	vst v35;
	v30 =	vmul.f32 v35, v35  }
0x1b8: {  	v47 =	vadd.f32 v47, v52;
	v35 =	vadd.f32 v35, v2;
	[tilespmem:s10+$0x300] =	vst v46;
	v2 =	vmul.f32 v46, v46  }
0x1b9: {  	v48 =	vadd.f32 v54, v59;
	v30 =	vadd.f32 v30, v1;
	[tilespmem:s10+$0x380] =	vst v37;
	v1 =	vmul.f32 v37, v37  }
0x1ba: {  	v54 =	vmul.f32 v61, v24;
	v55 =	vmul.f32 v61, v25;
	v32 =	vadd.f32 v2, v32;
	v2 =	vld [tilespmem:s11+$0x0]  }
0x1bb: {  	v39 =	vadd.f32 v48, v29;
	v59 =	vld [tilespmem:s10+$0x80];
	[tilespmem:s10+$0x100] =	vst v48;
	v31 =	vadd.f32 v1, v31;
	v1 =	vmul.f32 v61, v26  }
0x1bc: {  	v34 =	vadd.f32 v37, v34;
	v29 =	vadd.f32 v57, v49;
	v57 =	vmul.f32 v61, v21  }
0x1bd: {  	v38 =	vadd.f32 v46, v38;
	v37 =	vmul.f32 v48, v48;
	v56 =	vadd.f32 v56, v58  }
0x1be: {  	v47 =	vadd.f32 v53, v47;
	v49 =	vadd.f32 v51, v52;
	v46 =	vmul.f32 v29, v29;
	[tilespmem:s10+$0x0] =	vst v29;
	v51 =	vld [tilespmem:s3+$0x200]  }
0x1bf: {  	v45 =	vadd.f32 v29, v45;
	v29 =	vmul.f32 v61, v23;
	[tilespmem:s10+$0x200] =	vst v56;
	v48 =	vadd.f32 v54, v2  }
0x1c0: {  	v58 =	vmul.f32 v61, v27;
	v54 =	vadd.f32 v55, v2;
	v49 =	vadd.f32 v59, v49;
	[tilespmem:s10+$0x180] =	vst v47  }
0x1c1: {  	v50 =	vadd.f32 v46, v50;
	v46 =	vmul.f32 v47, v47;
	v1 =	vadd.f32 v1, v2;
	v52 =	vld [tilespmem:s3+$0x80]  }
0x1c2: {  	v36 =	vadd.f32 v56, v36;
	v55 =	vmul.f32 v56, v56;
	[tilespmem:s10+$0x80] =	vst v49;
	v53 =	vmul.f32 v49, v49;
	v56 =	vld [tilespmem:s3+$0x0]  }
0x1c3: {  	v29 =	vadd.f32 v29, v2;
	v59 =	vld [tilespmem:s3+$0x180];
	v1 =	vadd.f32 v51, v1  }
0x1c4: {  	v46 =	vadd.f32 v46, v22;
	v51 =	vadd.f32 v53, v0;
	v0 =	vmul.f32 v61, v28  }
.Ltmp7:
0x1c5: {  	v60 =	vmul.f32 v61, v20;
	v22 =	vadd.f32 v57, v2;
	[tilespmem:s3+$0x200] =	vst v1;
	v36 =	vadd.f32 v1, v36;
	(pc) =	sbr.rel @p1 .LBB2_10-.Ltmp7, $4  }
0x1c6: {  	v44 =	vadd.f32 v55, v44;
	v55 =	vmul.f32 v1, v1;
	v53 =	vadd.f32 v0, v2  }
0x1c7: {  	v29 =	vadd.f32 v52, v29;
	v0 =	vadd.f32 v22, v56;
	v52 =	vld [tilespmem:s3+$0x380]  }
0x1c8: {  	v57 =	vadd.f32 v58, v2;
	v56 =	vld [tilespmem:s3+$0x100];
	v22 =	vadd.f32 v59, v54  }
0x1c9: {  	s22 =	sadd.s32 $0x100, s22;
	s21 =	sadd.s32 $0x20, s21;
	v54 =	vadd.f32 v60, v2;
	[tilespmem:s3+$0x0] =	vst v0;
	v45 =	vadd.f32 v0, v45;
	v58 =	vmul.f32 v0, v0  }
0x1ca: {  	_ = 	snop  }
0x1cb: {  	v1 =	vadd.f32 v49, v42;
	v0 =	vadd.f32 v58, v50;
	(xrf2) =	vadd.scan.msk.f32 $0xffff, v45  }
0x1cc: {  	v2 =	vmul.f32 v29, v29  }
0x1cd: {  	v1 =	vadd.f32 v29, v1;
	(xrf2) =	vadd.scan.msk.f32 $0xffff, v0  }
0x1ce: {  	v0 =	vadd.f32 v2, v51  }
0x1cf: {  	(xrf2) =	vadd.scan.msk.f32 $0xffff, v1  }
0x1d0: {  	(xrf2) =	vadd.scan.msk.f32 $0xffff, v0  }
0x1d1: {  	v26 =	vadd.f32 v56, v48;
	v1 =	vadd.f32 v37, v41;
	_ =	sdelay $0x1  }
0x1d2: {  	v0 =	vmul.f32 v26, v26  }
0x1d3: {  	v2 =	vadd.f32 v26, v39  }
0x1d4: {  	v20 =	vadd.f32 v47, v33;
	v0 =	vadd.f32 v0, v1;
	v1, _, _ =	vpop (xrf2)  }
0x1d5: {  	v21 =	vmul.f32 v22, v22;
	(xrf2) =	vadd.scan.msk.f32 $0xffff, v2;
	(v2sf) =	vpush v1, $0xF  }
0x1d6: {  	v27 =	vadd.f32 v43, v57;
	v2 =	vadd.f32 v22, v20;
	v1, _, _ =	vpop (xrf2);
	(xrf2) =	vadd.scan.msk.f32 $0xffff, v0  }
0x1d7: {  	v0 =	vadd.f32 v21, v46;
	(v2sf) =	vpush v1, $0xF  }
0x1d8: {  	v24 =	vadd.f32 v40, v53;
	v1, _, _ =	vpop (xrf2);
	(xrf2) =	vadd.scan.msk.f32 $0xffff, v2  }
0x1d9: {  	v20 =	vmul.f32 v27, v27;
	v2 =	vadd.f32 v55, v44;
	(v2sf) =	vpush v1, $0xF;
	v1, _, _ =	vpop (xrf2);
	(xrf2) =	vadd.scan.msk.f32 $0xffff, v0  }
0x1da: {  	v0 =	vadd.f32 v27, v35;
	(v2sf) =	vpush v1, $0xF;
	(xrf2) =	vadd.scan.msk.f32 $0xffff, v36  }
0x1db: {  	v1 =	vadd.f32 v20, v30;
	(xrf2) =	vadd.scan.msk.f32 $0xffff, v2  }
0x1dc: {  	(xrf2) =	vadd.scan.msk.f32 $0xffff, v0;
	v0 =	vadd.f32 v24, v38  }
0x1dd: {  	(xrf2) =	vadd.scan.msk.f32 $0xffff, v1;
	v1 =	vmul.f32 v24, v24;
	_ =	sdelay $0x1  }
0x1de: {  	v2, _, _ =	vpop (xrf2);
	v1 =	vadd.f32 v1, v32  }
0x1df: {  	v25 =	vadd.f32 v52, v54;
	(xrf2) =	vadd.scan.msk.f32 $0xffff, v0;
	(v2sf) =	vpush v2, $0xF;
	v0, _, _ =	vpop (xrf2)  }
0x1e0: {  	(v2sf) =	vpush v0, $0xF  }
0x1e1: {  	v2 =	vmul.f32 v25, v25;
	(xrf2) =	vadd.scan.msk.f32 $0xffff, v1;
	v20, _, _ =	vpop (xrf2)  }
0x1e2: {  	v0 =	vadd.f32 v25, v34;
	v1, _, _ =	vpop (xrf2);
	(v2sf) =	vpush v20, $0xF  }
0x1e3: {  	v2 =	vadd.f32 v2, v31;
	s4 =	spop (v2sf);
	(v2sf) =	vpush v1, $0xF  }
0x1e4: {  	(xrf2) =	vadd.scan.msk.f32 $0xffff, v0  }
0x1e5: {  	v1, _, _ =	vpop (xrf2);
	(xrf2) =	vadd.scan.msk.f32 $0xffff, v2;
	s4 =	smul.f32 $9.765625000e-04, s4;
	s10 =	spop (v2sf)  }
0x1e6: {  	v0, _, _ =	vpop (xrf2);
	(v2sf) =	vpush v1, $0xF;
	s10 =	smul.f32 $9.765625000e-04, s10  }
0x1e7: {  	v1, _, _ =	vpop (xrf2);
	(v2sf) =	vpush v0, $0xF;
	s11 =	smul.f32 s4, s4;
	s15 =	spop (v2sf)  }
0x1e8: {  	v0, _, _ =	vpop (xrf2);
	(v2sf) =	vpush v1, $0xF;
	s19 =	smul.f32 $9.765625000e-04, s15;
	s16 =	spop (v2sf)  }
0x1e9: {  	(v2sf) =	vpush v0, $0xF;
	s10 =	ssub.f32 s10, s11;
	s18 =	smul.f32 $9.765625000e-04, s16  }
0x1ea: {  	v0, _, _ =	vpop (xrf2);
	s21 =	smul.f32 s19, s19  }
0x1eb: {  	(v2sf) =	vpush v0, $0xF;
	v0, _, _ =	vpop (xrf2);
	s10 =	sadd.f32 $9.999999960e-13, s10  }
0x1ec: {  	(v2sf) =	vpush v0, $0xF;
	s11 =	ssub.f32 s18, s21;
	_ =	sdelay $0x1  }
0x1ed: {  	v0, _, _ =	vpop (xrf2);
	v1 =	vmov s10;
	s22 =	sadd.f32 $9.999999960e-13, s11;
	s23 =	spop (v2sf)  }
0x1ee: {  	v2 =	vshra.s32 v1, $0x1;
	(v2sf) =	vpush v0, $0xF;
	v0, _, _ =	vpop (xrf2);
	s10 =	smul.f32 $9.765625000e-04, s23;
	s24 =	spop (v2sf)  }
0x1ef: {  	v1 =	vmul.f32 $5.000000000e-01, v1;
	v20 =	vmov s22;
	(v2sf) =	vpush v0, $0xF;
	s11 =	smul.f32 $9.765625000e-04, s24  }
0x1f0: {  	v0 =	vsub.s32 $0x5F3759DF, v2;
	v2 =	vshra.s32 v20, $0x1;
	v20 =	vmul.f32 $5.000000000e-01, v20;
	s25 =	spop (v2sf);
	s16 =	smul.f32 s10, s10  }
0x1f1: {  	v21 =	vmul.f32 v0, v1;
	v2 =	vsub.s32 $0x5F3759DF, v2;
	s23 =	smul.f32 $9.765625000e-04, s25;
	s18 =	spop (v2sf)  }
0x1f2: {  	v23 =	vmul.f32 v2, v20;
	s11 =	ssub.f32 s11, s16;
	s18 =	smul.f32 $9.765625000e-04, s18  }
0x1f3: {  	v21 =	vmul.f32 v0, v21;
	s25 =	smul.f32 s23, s23  }
0x1f4: {  	s26 =	spop (v2sf);
	v23 =	vmul.f32 v2, v23;
	s11 =	sadd.f32 $9.999999960e-13, s11  }
0x1f5: {  	v21 =	vsub.f32 $1.500000000e+00, v21;
	s21 =	spop (v2sf);
	s24 =	smul.f32 $9.765625000e-04, s26  }
0x1f6: {  	s22 =	spop (v2sf);
	v23 =	vsub.f32 $1.500000000e+00, v23;
	s26 =	smul.f32 $9.765625000e-04, s21  }
0x1f7: {  	v0 =	vmul.f32 v0, v21;
	s28 =	spop (v2sf);
	s22 =	smul.f32 $9.765625000e-04, s22  }
0x1f8: {  	s18 =	ssub.f32 s18, s25;
	v2 =	vmul.f32 v2, v23;
	s15 =	smul.f32 $9.765625000e-04, s28  }
0x1f9: {  	s21 =	spop (v2sf);
	v21 =	vmul.f32 v0, v1;
	s28 =	smul.f32 s22, s22  }
0x1fa: {  	s29 =	spop (v2sf);
	s21 =	smul.f32 $9.765625000e-04, s21;
	v23 =	vmul.f32 v2, v20  }
0x1fb: {  	v28 =	vmov s11;
	s11 =	sadd.f32 $9.999999960e-13, s18;
	v21 =	vmul.f32 v21, v0;
	s18 =	smul.f32 $9.765625000e-04, s29  }
0x1fc: {  	v30 =	vshra.s32 v28, $0x1;
	v28 =	vmul.f32 $5.000000000e-01, v28;
	s29 =	smul.f32 s21, s21;
	v23 =	vmul.f32 v23, v2  }
0x1fd: {  	v30 =	vsub.s32 $0x5F3759DF, v30;
	s15 =	ssub.f32 s15, s28;
	v21 =	vsub.f32 $1.500000000e+00, v21  }
0x1fe: {  	v31 =	vmul.f32 v30, v28;
	v42 =	vmov s11;
	s18 =	ssub.f32 s18, s29;
	v23 =	vsub.f32 $1.500000000e+00, v23  }
0x1ff: {  	s16 =	smul.f32 s24, s24;
	v32 =	vmul.f32 $5.000000000e-01, v42;
	s15 =	sadd.f32 $9.999999960e-13, s15;
	v0 =	vmul.f32 v21, v0;
	v21 =	vshra.s32 v42, $0x1  }
0x200: {  	v21 =	vsub.s32 $0x5F3759DF, v21;
	s29 =	sadd.f32 $9.999999960e-13, s18;
	v2 =	vmul.f32 v23, v2;
	v23 =	vmul.f32 v30, v31  }
0x201: {  	s16 =	ssub.f32 s26, s16;
	s25 =	spop (v2sf);
	v43 =	vmov s15;
	v1 =	vmul.f32 v0, v1;
	v31 =	vmul.f32 v21, v32  }
0x202: {  	s25 =	smul.f32 $9.765625000e-04, s25;
	s11 =	spop (v2sf);
	v48 =	vshra.s32 v43, $0x1;
	v33 =	vmul.f32 $5.000000000e-01, v43;
	v46 =	vmov s29  }
0x203: {  	s11 =	smul.f32 $9.765625000e-04, s11;
	v35 =	vsub.s32 $0x5F3759DF, v48;
	v20 =	vmul.f32 v2, v20;
	v23 =	vsub.f32 $1.500000000e+00, v23  }
0x204: {  	s16 =	sadd.f32 $9.999999960e-13, s16;
	s28 =	smul.f32 s25, s25;
	v1 =	vmul.f32 v1, v0;
	v31 =	vmul.f32 v21, v31;
	v52 =	vshra.s32 v46, $0x1  }
0x205: {  	v50 =	vmul.f32 v35, v33;
	v36 =	vmul.f32 $5.000000000e-01, v46;
	v40 =	vsub.s32 $0x5F3759DF, v52  }
0x206: {  	s11 =	ssub.f32 s11, s28;
	v20 =	vmul.f32 v20, v2;
	v23 =	vmul.f32 v30, v23;
	v30 =	vmov s16  }
0x207: {  	v1 =	vsub.f32 $1.500000000e+00, v1;
	v31 =	vsub.f32 $1.500000000e+00, v31;
	v38 =	vmul.f32 v35, v50  }
0x208: {  	s11 =	sadd.f32 $9.999999960e-13, s11;
	v54 =	vmul.f32 v40, v36;
	v47 =	vshra.s32 v30, $0x1;
	v30 =	vmul.f32 $5.000000000e-01, v30  }
0x209: {  	v44 =	vsub.f32 $1.500000000e+00, v20;
	v45 =	vmul.f32 v23, v28;
	v20 =	vmul.f32 v1, v0  }
0x20a: {  	v0 =	vmul.f32 v21, v31;
	v1 =	vmov s11;
	v34 =	vsub.s32 $0x5F3759DF, v47  }
0x20b: {  	v49 =	vmul.f32 v34, v30;
	v51 =	vshra.s32 v1, $0x1;
	v1 =	vmul.f32 $5.000000000e-01, v1  }
0x20c: {  	v21 =	vmul.f32 v44, v2;
	v31 =	vmul.f32 v0, v32  }
0x20d: {  	v2 =	vmul.f32 v45, v23;
	v39 =	vsub.s32 $0x5F3759DF, v51;
	v37 =	vmul.f32 v34, v49  }
0x20e: {  	v53 =	vmul.f32 v39, v1;
	v31 =	vmul.f32 v31, v0  }
0x20f: {  	v42 =	vmul.f32 v40, v54;
	v2 =	vsub.f32 $1.500000000e+00, v2;
	v37 =	vsub.f32 $1.500000000e+00, v37  }
0x210: {  	v38 =	vsub.f32 $1.500000000e+00, v38;
	v41 =	vmul.f32 v39, v53;
	v31 =	vsub.f32 $1.500000000e+00, v31  }
0x211: {  	v55 =	vsub.f32 $1.500000000e+00, v42;
	v2 =	vmul.f32 v2, v23;
	v34 =	vmul.f32 v34, v37  }
0x212: {  	v23 =	vsub.f32 $1.500000000e+00, v41;
	v0 =	vmul.f32 v31, v0;
	v31 =	vmul.f32 v35, v38  }
0x213: {  	[tilespmem:s3+$0x80] =	vst v29;
	v35 =	vmul.f32 v40, v55;
	v37 =	vmul.f32 v34, v30  }
0x214: {  	[tilespmem:s3+$0x280] =	vst v27;
	v27 =	vmul.f32 v2, v28;
	v56 =	vmul.f32 v39, v23  }
0x215: {  	[tilespmem:s3+$0x300] =	vst v24;
	v29 =	vmul.f32 v31, v33;
	v37 =	vmul.f32 v37, v34  }
0x216: {  	[tilespmem:s3+$0x100] =	vst v26;
	v24 =	vmov s19;
	v26 =	vmul.f32 v0, v32;
	v39 =	vmul.f32 v56, v1  }
0x217: {  	v40 =	vmul.f32 v35, v36;
	v29 =	vmul.f32 v29, v31;
	v28 =	vsub.f32 $1.500000000e+00, v37  }
0x218: {  	s19 =	simm.s32 $0x0;
	v23 =	vmov s4;
	v60 =	vmul.f32 v26, v0;
	v57 =	vmul.f32 v39, v56  }
0x219: {  	[tilespmem:s3+$0x180] =	vst v22;
	s16 =	sand.u32 $0x1C00, s19;
	v58 =	vmul.f32 v40, v35;
	v29 =	vsub.f32 $1.500000000e+00, v29;
	v28 =	vmul.f32 v28, v34  }
0x21a: {  	[tilespmem:s3+$0x380] =	vst v25;
	s26 =	sand.u32 $0x60, s19;
	s15 =	simm.s32 $0x19400;
	s4 =	sadd.s32 s16, s2;
	v59 =	vmul.f32 v27, v2;
	v22 =	vsub.f32 $1.500000000e+00, v57;
	v34 =	vsub.f32 $1.500000000e+00, v60  }
0x21b: {  	s28 =	sor.u32 $0x10, s26;
	v27 =	vld [tilespmem:s15+$0x0];
	s3 =	sadd.s32 s26, s4;
	v61 =	vmul.f32 v29, v31;
	v31 =	vsub.f32 $1.500000000e+00, v58;
	v30 =	vmul.f32 v28, v30  }
0x21c: {  	s4 =	sadd.s32 s28, s4;
	v49 =	vld [tilespmem:s3+$0x100];
	v38 =	vmul.f32 v22, v56;
	v32 =	vmul.f32 v34, v0  }
0x21d: {  	v25 =	vmov s10;
	v54 =	vld [tilespmem:s4+$0x80];
	v62 =	vmul.f32 v61, v33;
	v63 =	vmul.f32 v31, v35  }
0x21e: {  	v51 =	vld [tilespmem:s3+$0x380];
	v31 =	vsub.f32 $1.500000000e+00, v59;
	v30 =	vmul.f32 v30, v28;
	v1 =	vmul.f32 v38, v1  }
0x21f: {  	v52 =	vld [tilespmem:s3+$0x0];
	v26 =	vmov s24;
	v50 =	vmul.f32 v62, v61;
	v36 =	vmul.f32 v63, v36  }
0x220: {  	v53 =	vld [tilespmem:s3+$0x280];
	v29 =	vmov s23;
	v31 =	vmul.f32 v31, v2;
	v1 =	vmul.f32 v1, v38  }
0x221: {  	v58 =	vld [tilespmem:s4+$0x100];
	v2 =	vsub.f32 $1.500000000e+00, v30;
	v0 =	vsub.f32 $1.500000000e+00, v50;
	v30 =	vmul.f32 v36, v63  }
0x222: {  	v48 =	vld [tilespmem:s3+$0x300];
	v46 =	vsub.f32 v54, v24;
	v34 =	vmov s22;
	v1 =	vsub.f32 $1.500000000e+00, v1  }
0x223: {  	s18 =	simm.s32 $0x19000;
	v57 =	vld [tilespmem:s4+$0x280];
	v36 =	vmov s25;
	v35 =	vmul.f32 v0, v61;
	v0 =	vsub.f32 $1.500000000e+00, v30  }
0x224: {  	v22 =	vld [tilespmem:s18+$0x0];
	v28 =	vmul.f32 v2, v28;
	v30 =	vmul.f32 v1, v38;
	v1 =	vsub.f32 v49, v25  }
0x225: {  	v2 =	vld [tilespmem:s3+$0x180];
	v55 =	vsub.f32 v51, v36;
	v37 =	vmul.f32 v0, v63;
	v0 =	vsub.f32 v52, v23  }
0x226: {  	s29 =	sand.u32 $0x380, s19;
	v60 =	vld [tilespmem:s4+$0x180];
	v62 =	vsub.f32 v58, v25;
	v40 =	vmul.f32 v1, v31;
	v1 =	vsub.f32 v53, v34  }
0x227: {  	s10 =	sor.u32 s29, s28;
	v56 =	vld [tilespmem:s4+$0x380];
	v38 =	vmov s21;
	v39 =	vmul.f32 v55, v30;
	v0 =	vmul.f32 v0, v20  }
0x228: {  	v33 =	vld [tilespmem:s10+$0x19000];
	v44 =	vmul.f32 v62, v31;
	v59 =	vsub.f32 v48, v38;
	v1 =	vmul.f32 v1, v35  }
0x229: {  	v42 =	vsub.f32 v57, v34;
	v61 =	vld [tilespmem:s4+$0x300];
	v39 =	vmul.f32 v39, v22;
	v41 =	vmul.f32 v0, v22  }
0x22a: {  	v49 =	vld [tilespmem:s4+$0x200];
	v2 =	vsub.f32 v2, v29;
	v0 =	vmul.f32 v59, v37;
	v1 =	vmul.f32 v1, v22  }
0x22b: {  	v45 =	vld [tilespmem:s3+$0x80];
	v63 =	vsub.f32 v60, v29;
	v42 =	vmul.f32 v42, v35;
	v39 =	vadd.f32 v39, v27  }
0x22c: {  	v47 =	vld [tilespmem:s4+$0x0];
	v2 =	vmul.f32 v2, v32;
	v0 =	vmul.f32 v0, v22;
	v1 =	vadd.f32 v1, v27  }
0x22d: {  	s24 =	simm.s32 $0x19420;
	v43 =	vsub.f32 v56, v36;
	v52 =	vmul.f32 v63, v32;
	v42 =	vmul.f32 v42, v33;
	[tilespmem:s3+$0x380] =	vst v39;
	v39 =	vld [tilespmem:s10+$0x19400]  }
0x22e: {  	s23 =	simm.s32 $0x19020;
	s22 =	simm.s32 $0x100;
	s21 =	simm.s32 $0x0;
	v48 =	vld [tilespmem:s3+$0x200];
	v53 =	vsub.f32 v61, v38;
	v51 =	vmul.f32 v2, v22;
	v50 =	vadd.f32 v0, v27;
	[tilespmem:s3+$0x280] =	vst v1  }
.LBB2_12:
0x22f: {  	s10 =	sand.u32 $0x1C00, s22;
	s21 =	sadd.s32 $0x2, s21;
	v0 =	vmul.f32 v46, v21;
	v1 =	vsub.f32 v49, v26;
	v2 =	vmul.f32 v43, v30;
	s19 =	sadd.s32 $0x20, s19  }
0x230: {  	v43 =	vadd.f32 v51, v27;
	s15 =	sand.u32 $0x60, s19;
	v54 =	vld [tilespmem:s24+$0x0];
	s16 =	sadd.s32 s10, s2;
	p1 =	slt.u32 s21, $0x3E;
	v46 =	vmul.f32 v52, v33;
	v49 =	vmul.f32 v53, v37  }
0x231: {  	v47 =	vsub.f32 v47, v23;
	s10 =	sand.u32 $0x380, s19;
	v51 =	vld [tilespmem:s23+$0x0];
	s11 =	sadd.s32 s15, s16;
	s15 =	sor.u32 $0x10, s15;
	v0 =	vmul.f32 v0, v33;
	v1 =	vmul.f32 v1, v28  }
0x232: {  	v40 =	vmul.f32 v40, v22;
	v45 =	vsub.f32 v45, v24;
	v52 =	vld [tilespmem:s11+$0x300];
	s10 =	sor.u32 s10, s15;
	s25 =	sadd.s32 s15, s16;
	[tilespmem:s3+$0x300] =	vst v50;
	v46 =	vadd.f32 v46, v39  }
0x233: {  	v50 =	vld [tilespmem:s10+$0x19000];
	[tilespmem:s3+$0x180] =	vst v43;
	v43 =	vsub.f32 v48, v26;
	v0 =	vadd.f32 v0, v39;
	v48 =	vmul.f32 v49, v33  }
0x234: {  	v41 =	vadd.f32 v41, v27;
	v47 =	vmul.f32 v47, v20;
	v1 =	vmul.f32 v1, v33;
	v49 =	vld [tilespmem:s11+$0x100];
	[tilespmem:s4+$0x180] =	vst v46  }
0x235: {  	v45 =	vmul.f32 v45, v21;
	v46 =	vld [tilespmem:s11+$0x380];
	v43 =	vmul.f32 v43, v28;
	[tilespmem:s4+$0x80] =	vst v0;
	v0 =	vadd.f32 v48, v39  }
0x236: {  	v44 =	vmul.f32 v44, v33;
	v1 =	vadd.f32 v1, v39;
	v48 =	vld [tilespmem:s11+$0x0];
	[tilespmem:s3+$0x0] =	vst v41;
	v41 =	vmul.f32 v47, v33  }
0x237: {  	v42 =	vadd.f32 v42, v39;
	v40 =	vadd.f32 v40, v27;
	v47 =	vld [tilespmem:s11+$0x280];
	[tilespmem:s4+$0x300] =	vst v0;
	v0 =	vmul.f32 v2, v33  }
0x238: {  	v44 =	vadd.f32 v44, v39;
	v45 =	vmul.f32 v45, v22;
	v43 =	vmul.f32 v43, v22;
	v2 =	vld [tilespmem:s11+$0x180];
	[tilespmem:s4+$0x200] =	vst v1  }
0x239: {  	v22 =	vmovc v51;
	v33 =	vmov v50;
	v1 =	vsub.f32 v49, v25;
	v49 =	vld [tilespmem:s25+$0x80];
	[tilespmem:s3+$0x100] =	vst v40;
	v0 =	vadd.f32 v0, v39  }
0x23a: {  	v45 =	vadd.f32 v45, v27;
	v46 =	vsub.f32 v46, v36;
	v50 =	vld [tilespmem:s25+$0x380];
	[tilespmem:s4+$0x100] =	vst v44  }
0x23b: {  	v27 =	vadd.f32 v43, v27;
	v44 =	vsub.f32 v48, v23;
	v40 =	vmul.f32 v1, v31;
	v1 =	vld [tilespmem:s25+$0x280];
	[tilespmem:s4+$0x280] =	vst v42  }
0x23c: {  	v39 =	vadd.f32 v41, v39;
	v42 =	vsub.f32 v47, v34;
	v43 =	vmul.f32 v46, v30;
	v48 =	vld [tilespmem:s25+$0x100];
	[tilespmem:s3+$0x80] =	vst v45  }
0x23d: {  	v41 =	vmul.f32 v44, v20;
	v2 =	vsub.f32 v2, v29;
	v44 =	vsub.f32 v52, v38;
	v51 =	vld [tilespmem:s25+$0x180];
	[tilespmem:s3+$0x200] =	vst v27;
	s3 =	smov.u32 s11  }
0x23e: {  	v45 =	vmul.f32 v42, v35;
	v42 =	vmul.f32 v43, v22;
	v46 =	vsub.f32 v49, v24;
	v49 =	vld [tilespmem:s25+$0x200];
	[tilespmem:s4+$0x0] =	vst v39  }
0x23f: {  	v41 =	vmul.f32 v41, v22;
	v39 =	vmul.f32 v44, v37;
	v53 =	vld [tilespmem:s25+$0x300];
	v43 =	vsub.f32 v50, v36;
	[tilespmem:s4+$0x380] =	vst v0;
	s4 =	smov.u32 s25  }
.Ltmp8:
0x240: {  	v27 =	vmovc v54;
	v0 =	vmul.f32 v45, v22;
	v42 =	vadd.f32 v42, v54;
	v47 =	vld [tilespmem:s4+$0x0];
	v1 =	vsub.f32 v1, v34;
	(pc) =	sbr.rel @p1 .LBB2_12-.Ltmp8, $4  }
0x241: {  	v2 =	vmul.f32 v2, v32;
	v44 =	vmul.f32 v39, v22;
	v39 =	vld [tilespmem:s10+$0x19400];
	v52 =	vsub.f32 v48, v25  }
0x242: {  	v45 =	vld [tilespmem:s3+$0x80];
	v0 =	vadd.f32 v0, v27;
	[tilespmem:s3+$0x380] =	vst v42;
	v42 =	vsub.f32 v51, v29;
	v1 =	vmul.f32 v1, v35  }
0x243: {  	v51 =	vmul.f32 v2, v22;
	v48 =	vld [tilespmem:s3+$0x200];
	v50 =	vadd.f32 v44, v27;
	v44 =	vmul.f32 v52, v31  }
0x244: {  	s22 =	sadd.s32 $0x100, s22;
	s24 =	sadd.s32 $0x20, s24;
	s23 =	sadd.s32 $0x20, s23;
	[tilespmem:s3+$0x280] =	vst v0;
	v52 =	vmul.f32 v42, v32;
	v42 =	vmul.f32 v1, v33;
	v53 =	vsub.f32 v53, v38  }
0x245: {  	v0 =	vmul.f32 v46, v21  }
0x246: {  	v1 =	vsub.f32 v49, v26;
	v25 =	vadd.f32 v51, v27;
	v2 =	vmul.f32 v52, v33  }
0x247: {  	[tilespmem:s3+$0x300] =	vst v50;
	v56 =	vadd.f32 v41, v27;
	v29 =	vmul.f32 v53, v37;
	v0 =	vmul.f32 v0, v33  }
0x248: {  	v23 =	vsub.f32 v47, v23;
	v1 =	vmul.f32 v1, v28;
	[tilespmem:s3+$0x180] =	vst v25;
	v2 =	vadd.f32 v2, v39  }
0x249: {  	v24 =	vsub.f32 v45, v24;
	[tilespmem:s3+$0x0] =	vst v56;
	v55 =	vmul.f32 v29, v33;
	v0 =	vadd.f32 v0, v39  }
0x24a: {  	v62 =	vadd.f32 v42, v39;
	v57 =	vsub.f32 v48, v26;
	v1 =	vmul.f32 v1, v33;
	[tilespmem:s4+$0x180] =	vst v2  }
0x24b: {  	v58 =	vmul.f32 v24, v21;
	v2 =	vmul.f32 v40, v22;
	[tilespmem:s4+$0x80] =	vst v0;
	v0 =	vadd.f32 v55, v39  }
0x24c: {  	v59 =	vmul.f32 v44, v33;
	[tilespmem:s4+$0x280] =	vst v62;
	v60 =	vmul.f32 v57, v28;
	v1 =	vadd.f32 v1, v39  }
0x24d: {  	v2 =	vadd.f32 v2, v27;
	[tilespmem:s4+$0x300] =	vst v0;
	v0 =	vmul.f32 v23, v20;
	v20 =	vmul.f32 v58, v22  }
0x24e: {  	v61 =	vadd.f32 v59, v39;
	v63 =	vmul.f32 v60, v22;
	[tilespmem:s4+$0x200] =	vst v1;
	v1 =	vmul.f32 v43, v30  }
0x24f: {  	[tilespmem:s3+$0x100] =	vst v2;
	v0 =	vmul.f32 v0, v33;
	v2 =	vadd.f32 v20, v27  }
.Ltmp9:
0x250: {  	[tilespmem:s4+$0x100] =	vst v61;
	v1 =	vmul.f32 v1, v33;
	v20 =	vadd.f32 v63, v27;
	(pc) =	sbr.rel @p0 .LBB2_5-.Ltmp9, $4  }
0x251: {  	[tilespmem:s3+$0x80] =	vst v2;
	v0 =	vadd.f32 v0, v39  }
0x252: {  	v1 =	vadd.f32 v1, v39;
	[tilespmem:s3+$0x200] =	vst v20  }
0x253: {  	[tilespmem:s4+$0x0] =	vst v0  }
0x254: {  	s2 =	simm.s32 $0x1;
	p1 =	por $0x0, $0x0;
	[tilespmem:s4+$0x380] =	vst v1  }
0x255: {  	p0 =	sgt.u32 s31, $0x5  }
.Ltmp10:
0x256: {  	_ = 	snop;
	(pc) =	sbr.rel @p0 .LBB2_16-.Ltmp10, $4  }
0x257: {  	_ = 	snop  }
0x258: {  	s2 =	sshll.u32 s31, $0xC  }
0x259: {  	s0 =	sadd.s32 $0x4, s0;
	s2 =	sadd.s32 s2, s17  }
0x25a: {  	[hbm4b:s2+s6] =	stream.linear.scatter [tilespmem:s5], [sflag:s0], $0x8000, $0x38;
	[tilespmem:$0x19800] =	vst v63  }
0x25b: {  	s0 =	sadd.s32 $0x2, s31  }
0x25c: {  	s2 =	smul.u32 $0xAB, s0;
	_ =	sdelay $0x1  }
0x25d: {  	s2 =	sshrl.u32 s2, $0x9  }
0x25e: {  	s2 =	sand.u32 $0x7F, s2  }
0x25f: {  	s2 =	smul.u32 $0x3, s2;
	_ =	sdelay $0x1  }
0x260: {  	s2 =	ssub.s32 s0, s2  }
0x261: {  	p0 =	seq.s32 s31, $0x0;
	s2 =	sand.u32 $0xFF, s2  }
0x262: {  	s0 =	sshll.u32 s0, $0x5;
	s3 =	sadd.s32 @!p0 $0x4, s2  }
0x263: {  	s0 =	sadd.s32 s8, s0;
	_ =	swait.ge @!p0 [sflag:s3], $0x8000  }
0x264: {  	s0 =	sshrl.u32 s0, $0x3;
	[sflag:s3] =	ssyncset.done @!p0 $0x0  }
0x265: {  	s28 =	sshll.u32 s2, $0x7;
	s4 =	sadd.s32 s7, s0;
	[sflag:s3] =	ssyncadd.s32 @!p0 $0xFFFF8000  }
0x266: {  	[tilespmem:s28], [sflag:$0x7] =	stream.linear.gather [hbm4b:s4+s6], $0x20, $0x38;
	[tilespmem:$0x19800] =	vst v63  }
0x267: {  	_ =	swait.ge [sflag:s20], $0x20  }
0x268: {  	[sflag:s20] =	ssyncset.done $0x0  }
0x269: {  	s29 =	sadd.s32 $0x200, s28;
	s0 =	sadd.s32 s9, s0;
	[sflag:s20] =	ssyncadd.s32 $0xFFFFFFE0  }
0x26a: {  	[tilespmem:s29], [sflag:$0x7] =	stream.linear.gather [hbm4b:s0+s6], $0x20, $0x38;
	[tilespmem:$0x19800] =	vst v63  }
0x26b: {  	_ =	swait.ge [sflag:s20], $0x20  }
0x26c: {  	[sflag:s20] =	ssyncset.done $0x0  }
0x26d: {  	[sflag:s20] =	ssyncadd.s32 $0xFFFFFFE0  }
0x26e: {  	v0 =	vld [tilespmem:s28+$0x0];
	_ =	sdelay $0x2  }
0x26f: {  	v2 =	vld [tilespmem:$0x1FFD0];
	_ =	sdelay $0x1  }
0x270: {  	v19 =	vld [tilespmem:$0x1FFE0];
	v1 =	vshll.u32 v0, $0x3  }
0x271: {  	v0 =	vand.u32 $0x7, v0;
	v1 =	vand.u32 $0xFFFFFFC0, v1  }
0x272: {  	v0 =	vor.u32 v0, v1  }
0x273: {  	v1 =	vperm.xlane v0, v2;
	_ =	sdelay $0x1  }
0x274: {  	v1 =	vadd.s32 v19, v1  }
0x275: {  	v20 =	vld [tilespmem:$0x1FFF0];
	_ =	sdelay $0x1  }
0x276: {  	s0 =	sshll.u32 s2, $0xF  }
0x277: {  	s2 =	sadd.s32 $0x1, s2;
	s5 =	sor.u32 $0x400, s0  }
0x278: {  	[tilespmem:s5], [sflag:s2] =	stream.indirect_vreg.gather [hbm4b:s1+s6], $0x80, v1, vm0, $0xb8;
	[tilespmem:$0x19800] =	vst v63  }
0x279: {  	s10 =	sor.u32 $0xC00, s0;
	v0 =	vperm.xlane v0, v20  }
0x27a: {  	[tilespmem:s10], [sflag:s2] =	stream.indirect_vreg.gather [hbm4b:s12+s6], $0x80, v1, vm0, $0xb8;
	[tilespmem:$0x19800] =	vst v63  }
0x27b: {  	s11 =	sor.u32 $0x1400, s0;
	v0 =	vadd.s32 v19, v0  }
0x27c: {  	[tilespmem:s11], [sflag:s2] =	stream.indirect_vreg.gather [hbm4b:s13+s6], $0x80, v1, vm0, $0xb8;
	[tilespmem:$0x19800] =	vst v63  }
0x27d: {  	s15 =	sor.u32 $0x1C00, s0  }
0x27e: {  	[tilespmem:s15], [sflag:s2] =	stream.indirect_vreg.gather [hbm4b:s14+s6], $0x80, v1, vm0, $0xb8;
	[tilespmem:$0x19800] =	vst v63  }
0x27f: {  	s16 =	sor.u32 $0x2400, s0  }
0x280: {  	[tilespmem:s16], [sflag:s2] =	stream.indirect_vreg.gather [hbm4b:s1+s6], $0x80, v0, vm0, $0xb8;
	[tilespmem:$0x19800] =	vst v63  }
0x281: {  	s18 =	sor.u32 $0x2C00, s0  }
0x282: {  	[tilespmem:s18], [sflag:s2] =	stream.indirect_vreg.gather [hbm4b:s12+s6], $0x80, v0, vm0, $0xb8;
	[tilespmem:$0x19800] =	vst v63  }
0x283: {  	s19 =	sor.u32 $0x3400, s0  }
0x284: {  	[tilespmem:s19], [sflag:s2] =	stream.indirect_vreg.gather [hbm4b:s13+s6], $0x80, v0, vm0, $0xb8;
	[tilespmem:$0x19800] =	vst v63  }
0x285: {  	s21 =	sor.u32 $0x3C00, s0  }
0x286: {  	[tilespmem:s21], [sflag:s2] =	stream.indirect_vreg.gather [hbm4b:s14+s6], $0x80, v0, vm0, $0xb8;
	[tilespmem:$0x19800] =	vst v63  }
0x287: {  	v0 =	vld [tilespmem:s28+$0x10];
	_ =	sdelay $0x4  }
0x288: {  	v1 =	vshll.u32 v0, $0x3  }
0x289: {  	v0 =	vand.u32 $0x7, v0;
	v1 =	vand.u32 $0xFFFFFFC0, v1  }
0x28a: {  	v0 =	vor.u32 v0, v1  }
0x28b: {  	v1 =	vperm.xlane v0, v2;
	_ =	sdelay $0x1  }
0x28c: {  	v1 =	vadd.s32 v19, v1;
	_ =	sdelay $0x3  }
0x28d: {  	s22 =	sor.u32 $0x4400, s0  }
0x28e: {  	[tilespmem:s22], [sflag:s2] =	stream.indirect_vreg.gather [hbm4b:s1+s6], $0x80, v1, vm0, $0xb8;
	[tilespmem:$0x19800] =	vst v63  }
0x28f: {  	s23 =	sor.u32 $0x4C00, s0;
	v0 =	vperm.xlane v0, v20  }
0x290: {  	[tilespmem:s23], [sflag:s2] =	stream.indirect_vreg.gather [hbm4b:s12+s6], $0x80, v1, vm0, $0xb8;
	[tilespmem:$0x19800] =	vst v63  }
0x291: {  	s24 =	sor.u32 $0x5400, s0;
	v0 =	vadd.s32 v19, v0  }
0x292: {  	[tilespmem:s24], [sflag:s2] =	stream.indirect_vreg.gather [hbm4b:s13+s6], $0x80, v1, vm0, $0xb8;
	[tilespmem:$0x19800] =	vst v63  }
0x293: {  	s25 =	sor.u32 $0x5C00, s0  }
0x294: {  	[tilespmem:s25], [sflag:s2] =	stream.indirect_vreg.gather [hbm4b:s14+s6], $0x80, v1, vm0, $0xb8;
	[tilespmem:$0x19800] =	vst v63  }
0x295: {  	s26 =	sor.u32 $0x6400, s0  }
0x296: {  	[tilespmem:s26], [sflag:s2] =	stream.indirect_vreg.gather [hbm4b:s1+s6], $0x80, v0, vm0, $0xb8;
	[tilespmem:$0x19800] =	vst v63  }
0x297: {  	s28 =	sor.u32 $0x6C00, s0  }
0x298: {  	[tilespmem:s28], [sflag:s2] =	stream.indirect_vreg.gather [hbm4b:s12+s6], $0x80, v0, vm0, $0xb8;
	[tilespmem:$0x19800] =	vst v63  }
.Ltmp11:
0x299: {  	_ = 	snop;
	(pc) =	sbr.rel .LBB2_16-.Ltmp11, $4  }
0x29a: {  	s29 =	sor.u32 $0x7400, s0  }
0x29b: {  	[tilespmem:s29], [sflag:s2] =	stream.indirect_vreg.gather [hbm4b:s13+s6], $0x80, v0, vm0, $0xb8;
	[tilespmem:$0x19800] =	vst v63  }
0x29c: {  	s0 =	sor.u32 $0x7C00, s0  }
0x29d: {  	[tilespmem:s0], [sflag:s2] =	stream.indirect_vreg.gather [hbm4b:s14+s6], $0x80, v0, vm0, $0xb8;
	[tilespmem:$0x19800] =	vst v63  }
.LBB2_18:
0x29e: {  	_ =	sfence.sel $0x180000  }
0x29f: {  	[bflag:$0x0] =	sbarrier.arrive $0xFFFF  }
0x2a0: {  	_ =	strace $0x90000047  }
0x2a1: {  	s0 =	stileid.u32;
	[bflag:$0x2] =	sbarrier.arrive $0xFFFF  }
0x2a2: {  	p0 =	sne.s32 s0, $0x0;
	s0 =	rddreg [dreg:$0x6]  }
0x2a3: {  	s0 =	sadd.s32 @!p0 $0x100000, s0  }
0x2a4: {  	[sflag:s0] =	ssyncadd.tile.s32 @!p0 $0x1;
	_ =	shalt  }
.Lfunc_end2:
_tile_overlayer_lowered:
.L_overlay_start_2:
0x2a5: {  	(tag) =	ssettag $0x2  }
0x2a6: {  	s0 =	rddreg [dreg:$0x0];
	s2 =	stileid.u32  }
0x2a7: {  	s1 =	rddreg [dreg:$0x1];
	p0 =	sne.s32 s2, $0x0  }
0x2a8: {  	s3 =	rddreg [dreg:$0x2];
	[bflag:$0x3] =	sbarrier.arrive $0xFFFF;
	s2 =	simm.s32 @!p0 $0x1C07  }
0x2a9: {  	[timem:s3], [sflag:s2] =	dma.local @!p0 [hbm:s0], s1  }
0x2aa: {  	s0 =	simm.s32 @!p0 $0x7  }
0x2ab: {  	_ =	swait.ge @!p0 [sflag:s0], s1  }
0x2ac: {  	s1 =	ssub.s32 @!p0 $0x0, s1;
	[sflag:s0] =	ssyncset.done @!p0 $0x0  }
0x2ad: {  	[sflag:s0] =	ssyncadd.s32 @!p0 s1  }
0x2ae: {  	[bflag:$0x3] =	sbarrier.arrive $0xFFFF  }
0x2af: {  	_ =	shalt  }

</sc_bundles>
